<compile_context>
chip_gen: v7x
topology: tpu7x:2x2x1
jax: 0.10.2.dev20260603
libtpu: 0.0.44.dev20260713+nightly
codegen_flags: <defaults>
</compile_context>

<pallas_src>
import functools

import jax
import jax.numpy as jnp
from jax import lax
from jax.experimental import pallas as pl
from jax.experimental.pallas import tpu as pltpu
from jax.experimental.pallas import tpu_sc as plsc

_NC = 2
_NS = 16
_NW = _NC * _NS
_L = 16

_I = 50
_BB = 16384
_D = 32
_CHUNK = 512
_BC = _BB // _CHUNK
_N_ITEMS = _I * _BC
_PER_W = _N_ITEMS // _NW
_FT = _D // 8
_BT = _CHUNK // 128


@functools.lru_cache(maxsize=None)
def _make(V: int):
    mesh = plsc.VectorSubcoreMesh(core_axis_name="c", subcore_axis_name="s")

    @functools.partial(
        pl.kernel,
        mesh=mesh,
        out_type=jax.ShapeDtypeStruct((_I, _FT, _BB // 128, 8, 128),
                                      jnp.float32),
        scratch_types=[
            pltpu.VMEM((2, _CHUNK), jnp.int32),
            pltpu.VMEM((2, _CHUNK, _D), jnp.float32),
            pltpu.VMEM((2, _D, _CHUNK + 1), jnp.float32),
            pltpu.SemaphoreType.DMA,
            pltpu.SemaphoreType.DMA,
            pltpu.SemaphoreType.DMA,
            pltpu.SemaphoreType.DMA,
            pltpu.SemaphoreType.DMA,
        ],
        compiler_params=pltpu.CompilerParams(use_tc_tiling_on_sc=False,
                                             needs_layout_passes=False),
    )
    def k(xt_hbm, tbl_hbm, out_hbm, idx_s, rows_s, tbuf_s,
          isem, gsem0, gsem1, wsem0, wsem1):
        wid = lax.axis_index("s") * _NC + lax.axis_index("c")
        g0 = wid * _PER_W

        def item(t):
            g = g0 + t
            return g // _BC, g % _BC

        def start_idx_dma(t, buf):
            i, bc = item(t)
            return pltpu.async_copy(
                xt_hbm.at[i, pl.ds(bc * _CHUNK, _CHUNK)], idx_s.at[buf], isem)

        def add_one(buf):
            def body(j, carry):
                sl = pl.ds(j * _L, _L)
                idx_s[buf, sl] = idx_s[buf, sl] + 1
                return carry
            lax.fori_loop(0, _CHUNK // _L, body, 0)

        def start_gather(buf, gsem):
            return pltpu.async_copy(
                tbl_hbm.at[idx_s.at[buf]], rows_s.at[buf], gsem)

        start_idx_dma(0, 0).wait()
        add_one(0)
        start_gather(0, gsem0)
        start_idx_dma(1, 1)

        iota16 = lax.iota(jnp.int32, _L)

        def one_item(t, buf, gsem_cur, gsem_nxt, wsem_cur):
            i_t, bc_t = item(t)

            @pl.when(t < _PER_W - 1)
            def _():
                pltpu.make_async_copy(
                    xt_hbm.at[0, pl.ds(0, _CHUNK)], idx_s.at[1 - buf],
                    isem).wait()
                add_one(1 - buf)
                start_gather(1 - buf, gsem_nxt)

            pltpu.make_async_copy(
                tbl_hbm.at[pl.ds(0, _CHUNK)], rows_s.at[buf],
                gsem_cur).wait()

            @pl.when(t >= 2)
            def _():
                def wdrain(j, carry):
                    pltpu.make_async_copy(
                        out_hbm.at[0, 0, 0],
                        tbuf_s.at[buf, pl.ds(0, 8), pl.ds(0, 128)],
                        wsem_cur).wait()
                    return carry
                lax.fori_loop(0, _FT * _BT, wdrain, 0)

            for f0 in range(0, _D, _L):
                def tbody(j, carry, f0=f0):
                    for u in range(4):
                        bp = 4 * j + u
                        vals = rows_s[buf, bp, pl.ds(f0, _L)]
                        plsc.store_scatter(
                            tbuf_s.at[buf],
                            [f0 + iota16, jnp.full((_L,), bp, jnp.int32)],
                            vals)
                    return carry
                lax.fori_loop(0, _CHUNK // 4, tbody, 0)
                for fg in (f0 // 8, f0 // 8 + 1):
                    for btl in range(_BT):
                        pltpu.async_copy(
                            tbuf_s.at[buf, pl.ds(8 * fg, 8),
                                      pl.ds(128 * btl, 128)],
                            out_hbm.at[i_t, fg, bc_t * _BT + btl], wsem_cur)

            @pl.when(t < _PER_W - 2)
            def _():
                start_idx_dma(t + 2, buf)

        def body(u, carry):
            one_item(2 * u, 0, gsem0, gsem1, wsem0)
            one_item(2 * u + 1, 1, gsem1, gsem0, wsem1)
            return carry

        lax.fori_loop(0, _PER_W // 2, body, 0)

        def wdrain2(j, carry):
            pltpu.make_async_copy(
                out_hbm.at[0, 0, 0],
                tbuf_s.at[0, pl.ds(0, 8), pl.ds(0, 128)], wsem0).wait()
            pltpu.make_async_copy(
                out_hbm.at[0, 0, 0],
                tbuf_s.at[1, pl.ds(0, 8), pl.ds(0, 128)], wsem1).wait()
            return carry
        lax.fori_loop(0, _FT * _BT, wdrain2, 0)

    return k


def kernel(x, table):
    V, D = table.shape
    xt = jnp.transpose(x).astype(jnp.int32)
    out5 = _make(V)(xt, table)
    return out5.transpose(2, 4, 0, 1, 3).reshape(_BB, _I, D)

# --- scband reference (transcript-rebuilt; emitter-appended) ---
"""Pipeline reference for scband-padded-embed-37340445671593 (READ-ONLY COPY).

The authoritative reference and input builder live on the scoring server;
editing this copy changes nothing except your own understanding.
"""

import jax, jax.numpy as jnp
import numpy as np

NUM_EMBEDDINGS = 1000000
EMBED_DIM = 32

def setup_inputs(seed: int = 0) -> dict:
    key = jax.random.key(seed)
    k_idx, k_tab = jax.random.split(key)
    x = jax.random.randint(k_idx, (16384, 50), 0, NUM_EMBEDDINGS, dtype=jnp.int64)
    # nn.Embedding(num_embeddings + 1, embed_dim, padding_idx=0): row 0 is zeros
    table = jax.random.normal(k_tab, (NUM_EMBEDDINGS + 1, EMBED_DIM), dtype=jnp.float32)
    table = table.at[0].set(0.0)
    return {"x": x, "table": table}

def reference(x, table):
    # forward: self.embed((x + 1).to(torch.int32)); dropout=0.0 so no dropout applied
    idx = (x + 1).astype(jnp.int32)
    return jnp.take(table, idx, axis=0)

if __name__ == "__main__":
    import jax
    _d = setup_inputs()
    print(jax.jit(kernel)(*tuple(_d.values())))

</pallas_src>

<mosaic_0001>
#map = affine_map<(d0, d1) -> (0, 0)>
#map1 = affine_map<(d0, d1) -> (0, 0, 0, 0, 0)>
module attributes {stable_mosaic.version = 14 : i64} {
  func.func @k(%arg0: i32, %arg1: i32, %arg2: memref<50x16384xi32, #tpu.memory_space<hbm>>, %arg3: memref<1000001x32xf32, #tpu.memory_space<hbm>>, %arg4: memref<50x4x128x8x128xf32, #tpu.memory_space<hbm>>, %arg5: memref<2x512xi32, #tpu.memory_space<vmem>>, %arg6: memref<2x512x32xf32, #tpu.memory_space<vmem>>, %arg7: memref<2x32x513xf32, #tpu.memory_space<vmem>>, %arg8: memref<!tpu.dma_semaphore, #tpu.memory_space<semaphore_mem>>, %arg9: memref<!tpu.dma_semaphore, #tpu.memory_space<semaphore_mem>>, %arg10: memref<!tpu.dma_semaphore, #tpu.memory_space<semaphore_mem>>, %arg11: memref<!tpu.dma_semaphore, #tpu.memory_space<semaphore_mem>>, %arg12: memref<!tpu.dma_semaphore, #tpu.memory_space<semaphore_mem>>) attributes {dimension_semantics = [#tpu.dimension_semantics<core_parallel>, #tpu.dimension_semantics<subcore_parallel>], iteration_bounds = array<i64: 2, 16>, scalar_prefetch = 0 : i64, scratch_operands = 8 : i64, tpu.core_type = #tpu.core_type<sc_vector_subcore>, window_params = [{transform_indices = #map}, {transform_indices = #map}, {transform_indices = #map1}]} {
    %mul3A = arith.constant 2 : i32
    %mul3A_0 = arith.muli %arg1, %mul3A : i32
    %add3A = arith.addi %mul3A_0, %arg0 : i32
    %mul3A_1 = arith.constant 50 : i32
    %mul3A_2 = arith.muli %add3A, %mul3A_1 : i32
    %add3A_3 = arith.constant 0 : i32
    %add3A_4 = arith.addi %mul3A_2, %add3A_3 : i32
    %jit3A = arith.constant 32 : i32
    %div3A = arith.divsi %add3A_4, %jit3A : i32
    %sign3A = arith.constant 0 : i32
    %sign3A_5 = arith.cmpi sgt, %add3A_4, %sign3A : i32
    %sign3A_6 = arith.extui %sign3A_5 : i1 to i32
    %sign3A_7 = arith.constant 0 : i32
    %sign3A_8 = arith.cmpi slt, %add3A_4, %sign3A_7 : i32
    %sign3A_9 = arith.extui %sign3A_8 : i1 to i32
    %sign3A_10 = arith.subi %sign3A_6, %sign3A_9 : i32
    %sign3A_11 = arith.constant 0 : i32
    %sign3A_12 = arith.cmpi sgt, %jit3A, %sign3A_11 : i32
    %sign3A_13 = arith.extui %sign3A_12 : i1 to i32
    %sign3A_14 = arith.constant 0 : i32
    %sign3A_15 = arith.cmpi slt, %jit3A, %sign3A_14 : i32
    %sign3A_16 = arith.extui %sign3A_15 : i1 to i32
    %sign3A_17 = arith.subi %sign3A_13, %sign3A_16 : i32
    %ne3A = arith.cmpi ne, %sign3A_10, %sign3A_17 : i32
    %rem3A = arith.remsi %add3A_4, %jit3A : i32
    %ne3A_18 = arith.constant 0 : i32
    %ne3A_19 = arith.cmpi ne, %rem3A, %ne3A_18 : i32
    %and3A = arith.andi %ne3A, %ne3A_19 : i1
    %sub3A = arith.constant 1 : i32
    %sub3A_20 = arith.subi %div3A, %sub3A : i32
    %select_n3A = arith.select %and3A, %sub3A_20, %div3A : i32
    %jit3A_21 = arith.constant 32 : i32
    %eq3A = arith.constant 0 : i32
    %eq3A_22 = arith.cmpi eq, %jit3A_21, %eq3A : i32
    %jit3A_23 = arith.constant 1 : i32
    %select_n3A_24 = arith.select %eq3A_22, %jit3A_23, %jit3A_21 : i32
    %rem3A_25 = arith.remsi %add3A_4, %select_n3A_24 : i32
    %ne3A_26 = arith.constant 0 : i32
    %ne3A_27 = arith.cmpi ne, %rem3A_25, %ne3A_26 : i32
    %lt3A = arith.constant 0 : i32
    %lt3A_28 = arith.cmpi slt, %rem3A_25, %lt3A : i32
    %lt3A_29 = arith.constant 0 : i32
    %lt3A_30 = arith.cmpi slt, %select_n3A_24, %lt3A_29 : i32
    %ne3A_31 = arith.xori %lt3A_28, %lt3A_30 : i1
    %and3A_32 = arith.andi %ne3A_31, %ne3A_27 : i1
    %add3A_33 = arith.addi %rem3A_25, %select_n3A_24 : i32
    %select_n3A_34 = arith.select %and3A_32, %add3A_33, %rem3A_25 : i32
    %mul3A_35 = arith.constant 512 : i32
    %mul3A_36 = arith.muli %select_n3A_34, %mul3A_35 : i32
    %dma_start3A = arith.constant 0 : i32
    %dma_start3A_37 = arith.constant 0 : i32
    %dma_start3A_38 = tpu.memref_slice %arg5[%dma_start3A, %dma_start3A_37] : memref<2x512xi32, #tpu.memory_space<vmem>> -> memref<1x512xi32, #tpu.memory_space<vmem>>
    %dma_start3A_39 = tpu.memref_squeeze %dma_start3A_38 : memref<1x512xi32, #tpu.memory_space<vmem>> -> memref<512xi32, #tpu.memory_space<vmem>>
    %dma_start3A_40 = tpu.memref_slice %arg2[%select_n3A, %mul3A_36] : memref<50x16384xi32, #tpu.memory_space<hbm>> -> memref<1x512xi32, #tpu.memory_space<hbm>>
    %dma_start3A_41 = tpu.memref_squeeze %dma_start3A_40 : memref<1x512xi32, #tpu.memory_space<hbm>> -> memref<512xi32, #tpu.memory_space<hbm>>
    %dma_start3A_42 = arith.constant 0 : i32
    %dma_start3A_43 = tpu.memref_slice %arg5[%dma_start3A, %dma_start3A_42] : memref<2x512xi32, #tpu.memory_space<vmem>> -> memref<1x512xi32, #tpu.memory_space<vmem>>
    %dma_start3A_44 = tpu.memref_squeeze %dma_start3A_43 : memref<1x512xi32, #tpu.memory_space<vmem>> -> memref<512xi32, #tpu.memory_space<vmem>>
    %dma_start3A_45 = tpu.memref_slice %arg2[%select_n3A, %mul3A_36] : memref<50x16384xi32, #tpu.memory_space<hbm>> -> memref<1x512xi32, #tpu.memory_space<hbm>>
    %dma_start3A_46 = tpu.memref_squeeze %dma_start3A_45 : memref<1x512xi32, #tpu.memory_space<hbm>> -> memref<512xi32, #tpu.memory_space<hbm>>
    tpu.enqueue_dma source(%dma_start3A_46 : memref<512xi32, #tpu.memory_space<hbm>>) target(%dma_start3A_44 : memref<512xi32, #tpu.memory_space<vmem>>) target_semaphore(%arg8 : memref<!tpu.dma_semaphore, #tpu.memory_space<semaphore_mem>>)
    %dma_wait3A = arith.constant 0 : i32
    %dma_wait3A_47 = arith.constant 0 : i32
    %dma_wait3A_48 = tpu.memref_slice %arg5[%dma_wait3A, %dma_wait3A_47] : memref<2x512xi32, #tpu.memory_space<vmem>> -> memref<1x512xi32, #tpu.memory_space<vmem>>
    %dma_wait3A_49 = tpu.memref_squeeze %dma_wait3A_48 : memref<1x512xi32, #tpu.memory_space<vmem>> -> memref<512xi32, #tpu.memory_space<vmem>>
    %dma_wait3A_50 = tpu.memref_slice %arg2[%select_n3A, %mul3A_36] : memref<50x16384xi32, #tpu.memory_space<hbm>> -> memref<1x512xi32, #tpu.memory_space<hbm>>
    %dma_wait3A_51 = tpu.memref_squeeze %dma_wait3A_50 : memref<1x512xi32, #tpu.memory_space<hbm>> -> memref<512xi32, #tpu.memory_space<hbm>>
    %dma_wait3A_52 = arith.constant 0 : i32
    %dma_wait3A_53 = tpu.memref_slice %arg5[%dma_wait3A, %dma_wait3A_52] : memref<2x512xi32, #tpu.memory_space<vmem>> -> memref<1x512xi32, #tpu.memory_space<vmem>>
    %dma_wait3A_54 = tpu.memref_squeeze %dma_wait3A_53 : memref<1x512xi32, #tpu.memory_space<vmem>> -> memref<512xi32, #tpu.memory_space<vmem>>
    %dma_wait3A_55 = tpu.memref_slice %arg2[%select_n3A, %mul3A_36] : memref<50x16384xi32, #tpu.memory_space<hbm>> -> memref<1x512xi32, #tpu.memory_space<hbm>>
    %dma_wait3A_56 = tpu.memref_squeeze %dma_wait3A_55 : memref<1x512xi32, #tpu.memory_space<hbm>> -> memref<512xi32, #tpu.memory_space<hbm>>
    tpu.wait_dma2 semaphore(%arg8 : memref<!tpu.dma_semaphore, #tpu.memory_space<semaphore_mem>>) src(%dma_wait3A_56 : memref<512xi32, #tpu.memory_space<hbm>>) dst(%dma_wait3A_54 : memref<512xi32, #tpu.memory_space<vmem>>)
    %scan3A = arith.constant 0 : i32
    %scan3A_57 = arith.constant 0 : i32
    %scan3A_58 = arith.constant 32 : i32
    %scan3A_59 = arith.addi %scan3A_57, %scan3A_58 : i32
    %scan3A_60 = arith.constant 1 : i32
    scf.for %scan3A_141 = %scan3A_57 to %scan3A_59 step %scan3A_60  : i32 {
      %mul3A_142 = arith.constant 16 : i32
      %mul3A_143 = arith.muli %scan3A_141, %mul3A_142 : i32
      %get3A = arith.constant 0 : i32
      %get3A_144 = arith.index_cast %get3A : i32 to index
      %get3A_145 = arith.index_cast %mul3A_143 : i32 to index
      %get3A_146 = tpu.vector_load %arg5[%get3A_144, %get3A_145] {strides = array<i32>} : memref<2x512xi32, #tpu.memory_space<vmem>>, vector<16xi32>,
      %add3A_147 = arith.constant 1 : i32
      %add3A_148 = vector.broadcast %add3A_147 : i32 to vector<16xi32>
      %add3A_149 = arith.addi %get3A_146, %add3A_148 : vector<16xi32>
      %swap3A = arith.constant 0 : i32
      %swap3A_150 = arith.index_cast %swap3A : i32 to index
      %swap3A_151 = arith.index_cast %mul3A_143 : i32 to index
      %swap3A_152 = tpu.vector_load %arg5[%swap3A_150, %swap3A_151] {strides = array<i32>} : memref<2x512xi32, #tpu.memory_space<vmem>>, vector<16xi32>,
      tpu.vector_store %arg5[%swap3A_150, %swap3A_151], %add3A_149 {strides = array<i32>} : memref<2x512xi32, #tpu.memory_space<vmem>>, vector<16xi32>,
    }
    %scan3A_61 = arith.constant 32 : i32
    %dma_start3A_62 = arith.constant 0 : i32
    %dma_start3A_63 = arith.constant 0 : i32
    %dma_start3A_64 = arith.constant 0 : i32
    %dma_start3A_65 = arith.constant 0 : i32
    %dma_start3A_66 = tpu.memref_slice %arg6[%dma_start3A_63, %dma_start3A_64, %dma_start3A_65] : memref<2x512x32xf32, #tpu.memory_space<vmem>> -> memref<1x512x32xf32, #tpu.memory_space<vmem>>
    %dma_start3A_67 = tpu.memref_squeeze %dma_start3A_66 : memref<1x512x32xf32, #tpu.memory_space<vmem>> -> memref<512x32xf32, #tpu.memory_space<vmem>>
    %dma_start3A_68 = arith.constant 0 : i32
    %dma_start3A_69 = tpu.memref_slice %arg5[%dma_start3A_62, %dma_start3A_68] : memref<2x512xi32, #tpu.memory_space<vmem>> -> memref<1x512xi32, #tpu.memory_space<vmem>>
    %dma_start3A_70 = tpu.memref_squeeze %dma_start3A_69 : memref<1x512xi32, #tpu.memory_space<vmem>> -> memref<512xi32, #tpu.memory_space<vmem>>
    %dma_start3A_71 = arith.constant 0 : i32
    %dma_start3A_72 = arith.constant 0 : i32
    %dma_start3A_73 = tpu.memref_slice %arg3[%dma_start3A_71, %dma_start3A_72] : memref<1000001x32xf32, #tpu.memory_space<hbm>> -> memref<1000001x32xf32, #tpu.memory_space<hbm>>
    tpu.enqueue_indirect_dma source(%dma_start3A_73 : memref<1000001x32xf32, #tpu.memory_space<hbm>>) target(%dma_start3A_67 : memref<512x32xf32, #tpu.memory_space<vmem>>) offsets(%dma_start3A_70 : memref<512xi32, #tpu.memory_space<vmem>>) semaphore(%arg9 : memref<!tpu.dma_semaphore, #tpu.memory_space<semaphore_mem>>)
    %add3A_74 = arith.constant 1 : i32
    %add3A_75 = arith.addi %mul3A_2, %add3A_74 : i32
    %jit3A_76 = arith.constant 32 : i32
    %div3A_77 = arith.divsi %add3A_75, %jit3A_76 : i32
    %sign3A_78 = arith.constant 0 : i32
    %sign3A_79 = arith.cmpi sgt, %add3A_75, %sign3A_78 : i32
    %sign3A_80 = arith.extui %sign3A_79 : i1 to i32
    %sign3A_81 = arith.constant 0 : i32
    %sign3A_82 = arith.cmpi slt, %add3A_75, %sign3A_81 : i32
    %sign3A_83 = arith.extui %sign3A_82 : i1 to i32
    %sign3A_84 = arith.subi %sign3A_80, %sign3A_83 : i32
    %sign3A_85 = arith.constant 0 : i32
    %sign3A_86 = arith.cmpi sgt, %jit3A_76, %sign3A_85 : i32
    %sign3A_87 = arith.extui %sign3A_86 : i1 to i32
    %sign3A_88 = arith.constant 0 : i32
    %sign3A_89 = arith.cmpi slt, %jit3A_76, %sign3A_88 : i32
    %sign3A_90 = arith.extui %sign3A_89 : i1 to i32
    %sign3A_91 = arith.subi %sign3A_87, %sign3A_90 : i32
    %ne3A_92 = arith.cmpi ne, %sign3A_84, %sign3A_91 : i32
    %rem3A_93 = arith.remsi %add3A_75, %jit3A_76 : i32
    %ne3A_94 = arith.constant 0 : i32
    %ne3A_95 = arith.cmpi ne, %rem3A_93, %ne3A_94 : i32
    %and3A_96 = arith.andi %ne3A_92, %ne3A_95 : i1
    %sub3A_97 = arith.constant 1 : i32
    %sub3A_98 = arith.subi %div3A_77, %sub3A_97 : i32
    %select_n3A_99 = arith.select %and3A_96, %sub3A_98, %div3A_77 : i32
    %jit3A_100 = arith.constant 32 : i32
    %eq3A_101 = arith.constant 0 : i32
    %eq3A_102 = arith.cmpi eq, %jit3A_100, %eq3A_101 : i32
    %jit3A_103 = arith.constant 1 : i32
    %select_n3A_104 = arith.select %eq3A_102, %jit3A_103, %jit3A_100 : i32
    %rem3A_105 = arith.remsi %add3A_75, %select_n3A_104 : i32
    %ne3A_106 = arith.constant 0 : i32
    %ne3A_107 = arith.cmpi ne, %rem3A_105, %ne3A_106 : i32
    %lt3A_108 = arith.constant 0 : i32
    %lt3A_109 = arith.cmpi slt, %rem3A_105, %lt3A_108 : i32
    %lt3A_110 = arith.constant 0 : i32
    %lt3A_111 = arith.cmpi slt, %select_n3A_104, %lt3A_110 : i32
    %ne3A_112 = arith.xori %lt3A_109, %lt3A_111 : i1
    %and3A_113 = arith.andi %ne3A_112, %ne3A_107 : i1
    %add3A_114 = arith.addi %rem3A_105, %select_n3A_104 : i32
    %select_n3A_115 = arith.select %and3A_113, %add3A_114, %rem3A_105 : i32
    %mul3A_116 = arith.constant 512 : i32
    %mul3A_117 = arith.muli %select_n3A_115, %mul3A_116 : i32
    %dma_start3A_118 = arith.constant 1 : i32
    %dma_start3A_119 = arith.constant 0 : i32
    %dma_start3A_120 = tpu.memref_slice %arg5[%dma_start3A_118, %dma_start3A_119] : memref<2x512xi32, #tpu.memory_space<vmem>> -> memref<1x512xi32, #tpu.memory_space<vmem>>
    %dma_start3A_121 = tpu.memref_squeeze %dma_start3A_120 : memref<1x512xi32, #tpu.memory_space<vmem>> -> memref<512xi32, #tpu.memory_space<vmem>>
    %dma_start3A_122 = tpu.memref_slice %arg2[%select_n3A_99, %mul3A_117] : memref<50x16384xi32, #tpu.memory_space<hbm>> -> memref<1x512xi32, #tpu.memory_space<hbm>>
    %dma_start3A_123 = tpu.memref_squeeze %dma_start3A_122 : memref<1x512xi32, #tpu.memory_space<hbm>> -> memref<512xi32, #tpu.memory_space<hbm>>
    %dma_start3A_124 = arith.constant 0 : i32
    %dma_start3A_125 = tpu.memref_slice %arg5[%dma_start3A_118, %dma_start3A_124] : memref<2x512xi32, #tpu.memory_space<vmem>> -> memref<1x512xi32, #tpu.memory_space<vmem>>
    %dma_start3A_126 = tpu.memref_squeeze %dma_start3A_125 : memref<1x512xi32, #tpu.memory_space<vmem>> -> memref<512xi32, #tpu.memory_space<vmem>>
    %dma_start3A_127 = tpu.memref_slice %arg2[%select_n3A_99, %mul3A_117] : memref<50x16384xi32, #tpu.memory_space<hbm>> -> memref<1x512xi32, #tpu.memory_space<hbm>>
    %dma_start3A_128 = tpu.memref_squeeze %dma_start3A_127 : memref<1x512xi32, #tpu.memory_space<hbm>> -> memref<512xi32, #tpu.memory_space<hbm>>
    tpu.enqueue_dma source(%dma_start3A_128 : memref<512xi32, #tpu.memory_space<hbm>>) target(%dma_start3A_126 : memref<512xi32, #tpu.memory_space<vmem>>) target_semaphore(%arg8 : memref<!tpu.dma_semaphore, #tpu.memory_space<semaphore_mem>>)
    %iota3A = tpu.iota {dimensions = array<i32: 0>} : vector<16xi32>
    %scan3A_129 = arith.constant 0 : i32
    %scan3A_130 = arith.constant 0 : i32
    %scan3A_131 = arith.constant 25 : i32
    %scan3A_132 = arith.addi %scan3A_130, %scan3A_131 : i32
    %scan3A_133 = arith.constant 1 : i32
    scf.for %scan3A_141 = %scan3A_130 to %scan3A_132 step %scan3A_133  : i32 {
      %mul3A_142 = arith.constant 2 : i32
      %mul3A_143 = arith.muli %mul3A_142, %scan3A_141 : i32
      %add3A_144 = arith.addi %mul3A_2, %mul3A_143 : i32
      %jit3A_145 = arith.constant 32 : i32
      %div3A_146 = arith.divsi %add3A_144, %jit3A_145 : i32
      %sign3A_147 = arith.constant 0 : i32
      %sign3A_148 = arith.cmpi sgt, %add3A_144, %sign3A_147 : i32
      %sign3A_149 = arith.extui %sign3A_148 : i1 to i32
      %sign3A_150 = arith.constant 0 : i32
      %sign3A_151 = arith.cmpi slt, %add3A_144, %sign3A_150 : i32
      %sign3A_152 = arith.extui %sign3A_151 : i1 to i32
      %sign3A_153 = arith.subi %sign3A_149, %sign3A_152 : i32
      %sign3A_154 = arith.constant 0 : i32
      %sign3A_155 = arith.cmpi sgt, %jit3A_145, %sign3A_154 : i32
      %sign3A_156 = arith.extui %sign3A_155 : i1 to i32
      %sign3A_157 = arith.constant 0 : i32
      %sign3A_158 = arith.cmpi slt, %jit3A_145, %sign3A_157 : i32
      %sign3A_159 = arith.extui %sign3A_158 : i1 to i32
      %sign3A_160 = arith.subi %sign3A_156, %sign3A_159 : i32
      %ne3A_161 = arith.cmpi ne, %sign3A_153, %sign3A_160 : i32
      %rem3A_162 = arith.remsi %add3A_144, %jit3A_145 : i32
      %ne3A_163 = arith.constant 0 : i32
      %ne3A_164 = arith.cmpi ne, %rem3A_162, %ne3A_163 : i32
      %and3A_165 = arith.andi %ne3A_161, %ne3A_164 : i1
      %sub3A_166 = arith.constant 1 : i32
      %sub3A_167 = arith.subi %div3A_146, %sub3A_166 : i32
      %select_n3A_168 = arith.select %and3A_165, %sub3A_167, %div3A_146 : i32
      %jit3A_169 = arith.constant 32 : i32
      %eq3A_170 = arith.constant 0 : i32
      %eq3A_171 = arith.cmpi eq, %jit3A_169, %eq3A_170 : i32
      %jit3A_172 = arith.constant 1 : i32
      %select_n3A_173 = arith.select %eq3A_171, %jit3A_172, %jit3A_169 : i32
      %rem3A_174 = arith.remsi %add3A_144, %select_n3A_173 : i32
      %ne3A_175 = arith.constant 0 : i32
      %ne3A_176 = arith.cmpi ne, %rem3A_174, %ne3A_175 : i32
      %lt3A_177 = arith.constant 0 : i32
      %lt3A_178 = arith.cmpi slt, %rem3A_174, %lt3A_177 : i32
      %lt3A_179 = arith.constant 0 : i32
      %lt3A_180 = arith.cmpi slt, %select_n3A_173, %lt3A_179 : i32
      %ne3A_181 = arith.xori %lt3A_178, %lt3A_180 : i1
      %and3A_182 = arith.andi %ne3A_181, %ne3A_176 : i1
      %add3A_183 = arith.addi %rem3A_174, %select_n3A_173 : i32
      %select_n3A_184 = arith.select %and3A_182, %add3A_183, %rem3A_174 : i32
      %lt3A_185 = arith.constant 49 : i32
      %lt3A_186 = arith.cmpi slt, %mul3A_143, %lt3A_185 : i32
      %convert_element_type3A = arith.extui %lt3A_186 : i1 to i32
      %cond3A = arith.constant 0 : i32
      %cond3A_187 = arith.cmpi ne, %convert_element_type3A, %cond3A : i32
      scf.if %cond3A_187 {
        %dma_wait3A_1015 = arith.constant 0 : i32
        %dma_wait3A_1016 = arith.constant 1 : i32
        %dma_wait3A_1017 = arith.constant 0 : i32
        %dma_wait3A_1018 = tpu.memref_slice %arg5[%dma_wait3A_1016, %dma_wait3A_1017] : memref<2x512xi32, #tpu.memory_space<vmem>> -> memref<1x512xi32, #tpu.memory_space<vmem>>
        %dma_wait3A_1019 = tpu.memref_squeeze %dma_wait3A_1018 : memref<1x512xi32, #tpu.memory_space<vmem>> -> memref<512xi32, #tpu.memory_space<vmem>>
        %dma_wait3A_1020 = arith.constant 0 : i32
        %dma_wait3A_1021 = tpu.memref_slice %arg2[%dma_wait3A_1015, %dma_wait3A_1020] : memref<50x16384xi32, #tpu.memory_space<hbm>> -> memref<1x512xi32, #tpu.memory_space<hbm>>
        %dma_wait3A_1022 = tpu.memref_squeeze %dma_wait3A_1021 : memref<1x512xi32, #tpu.memory_space<hbm>> -> memref<512xi32, #tpu.memory_space<hbm>>
        %dma_wait3A_1023 = arith.constant 0 : i32
        %dma_wait3A_1024 = tpu.memref_slice %arg5[%dma_wait3A_1016, %dma_wait3A_1023] : memref<2x512xi32, #tpu.memory_space<vmem>> -> memref<1x512xi32, #tpu.memory_space<vmem>>
        %dma_wait3A_1025 = tpu.memref_squeeze %dma_wait3A_1024 : memref<1x512xi32, #tpu.memory_space<vmem>> -> memref<512xi32, #tpu.memory_space<vmem>>
        %dma_wait3A_1026 = arith.constant 0 : i32
        %dma_wait3A_1027 = tpu.memref_slice %arg2[%dma_wait3A_1015, %dma_wait3A_1026] : memref<50x16384xi32, #tpu.memory_space<hbm>> -> memref<1x512xi32, #tpu.memory_space<hbm>>
        %dma_wait3A_1028 = tpu.memref_squeeze %dma_wait3A_1027 : memref<1x512xi32, #tpu.memory_space<hbm>> -> memref<512xi32, #tpu.memory_space<hbm>>
        tpu.wait_dma2 semaphore(%arg8 : memref<!tpu.dma_semaphore, #tpu.memory_space<semaphore_mem>>) src(%dma_wait3A_1028 : memref<512xi32, #tpu.memory_space<hbm>>) dst(%dma_wait3A_1025 : memref<512xi32, #tpu.memory_space<vmem>>)
        %scan3A_1029 = arith.constant 0 : i32
        %scan3A_1030 = arith.constant 0 : i32
        %scan3A_1031 = arith.constant 32 : i32
        %scan3A_1032 = arith.addi %scan3A_1030, %scan3A_1031 : i32
        %scan3A_1033 = arith.constant 1 : i32
        scf.for %scan3A_1047 = %scan3A_1030 to %scan3A_1032 step %scan3A_1033  : i32 {
          %mul3A_1048 = arith.constant 16 : i32
          %mul3A_1049 = arith.muli %scan3A_1047, %mul3A_1048 : i32
          %get3A = arith.constant 1 : i32
          %get3A_1050 = arith.index_cast %get3A : i32 to index
          %get3A_1051 = arith.index_cast %mul3A_1049 : i32 to index
          %get3A_1052 = tpu.vector_load %arg5[%get3A_1050, %get3A_1051] {strides = array<i32>} : memref<2x512xi32, #tpu.memory_space<vmem>>, vector<16xi32>,
          %add3A_1053 = arith.constant 1 : i32
          %add3A_1054 = vector.broadcast %add3A_1053 : i32 to vector<16xi32>
          %add3A_1055 = arith.addi %get3A_1052, %add3A_1054 : vector<16xi32>
          %swap3A = arith.constant 1 : i32
          %swap3A_1056 = arith.index_cast %swap3A : i32 to index
          %swap3A_1057 = arith.index_cast %mul3A_1049 : i32 to index
          %swap3A_1058 = tpu.vector_load %arg5[%swap3A_1056, %swap3A_1057] {strides = array<i32>} : memref<2x512xi32, #tpu.memory_space<vmem>>, vector<16xi32>,
          tpu.vector_store %arg5[%swap3A_1056, %swap3A_1057], %add3A_1055 {strides = array<i32>} : memref<2x512xi32, #tpu.memory_space<vmem>>, vector<16xi32>,
        }
        %scan3A_1034 = arith.constant 32 : i32
        %dma_start3A_1035 = arith.constant 1 : i32
        %dma_start3A_1036 = arith.constant 1 : i32
        %dma_start3A_1037 = arith.constant 0 : i32
        %dma_start3A_1038 = arith.constant 0 : i32
        %dma_start3A_1039 = tpu.memref_slice %arg6[%dma_start3A_1036, %dma_start3A_1037, %dma_start3A_1038] : memref<2x512x32xf32, #tpu.memory_space<vmem>> -> memref<1x512x32xf32, #tpu.memory_space<vmem>>
        %dma_start3A_1040 = tpu.memref_squeeze %dma_start3A_1039 : memref<1x512x32xf32, #tpu.memory_space<vmem>> -> memref<512x32xf32, #tpu.memory_space<vmem>>
        %dma_start3A_1041 = arith.constant 0 : i32
        %dma_start3A_1042 = tpu.memref_slice %arg5[%dma_start3A_1035, %dma_start3A_1041] : memref<2x512xi32, #tpu.memory_space<vmem>> -> memref<1x512xi32, #tpu.memory_space<vmem>>
        %dma_start3A_1043 = tpu.memref_squeeze %dma_start3A_1042 : memref<1x512xi32, #tpu.memory_space<vmem>> -> memref<512xi32, #tpu.memory_space<vmem>>
        %dma_start3A_1044 = arith.constant 0 : i32
        %dma_start3A_1045 = arith.constant 0 : i32
        %dma_start3A_1046 = tpu.memref_slice %arg3[%dma_start3A_1044, %dma_start3A_1045] : memref<1000001x32xf32, #tpu.memory_space<hbm>> -> memref<1000001x32xf32, #tpu.memory_space<hbm>>
        tpu.enqueue_indirect_dma source(%dma_start3A_1046 : memref<1000001x32xf32, #tpu.memory_space<hbm>>) target(%dma_start3A_1040 : memref<512x32xf32, #tpu.memory_space<vmem>>) offsets(%dma_start3A_1043 : memref<512xi32, #tpu.memory_space<vmem>>) semaphore(%arg10 : memref<!tpu.dma_semaphore, #tpu.memory_space<semaphore_mem>>)
      } else {
      }
      %dma_wait3A_188 = arith.constant 0 : i32
      %dma_wait3A_189 = arith.constant 0 : i32
      %dma_wait3A_190 = arith.constant 0 : i32
      %dma_wait3A_191 = tpu.memref_slice %arg6[%dma_wait3A_188, %dma_wait3A_189, %dma_wait3A_190] : memref<2x512x32xf32, #tpu.memory_space<vmem>> -> memref<1x512x32xf32, #tpu.memory_space<vmem>>
      %dma_wait3A_192 = tpu.memref_squeeze %dma_wait3A_191 : memref<1x512x32xf32, #tpu.memory_space<vmem>> -> memref<512x32xf32, #tpu.memory_space<vmem>>
      %dma_wait3A_193 = arith.constant 0 : i32
      %dma_wait3A_194 = arith.constant 0 : i32
      %dma_wait3A_195 = tpu.memref_slice %arg3[%dma_wait3A_193, %dma_wait3A_194] : memref<1000001x32xf32, #tpu.memory_space<hbm>> -> memref<512x32xf32, #tpu.memory_space<hbm>>
      %dma_wait3A_196 = arith.constant 0 : i32
      %dma_wait3A_197 = arith.constant 0 : i32
      %dma_wait3A_198 = tpu.memref_slice %arg6[%dma_wait3A_188, %dma_wait3A_196, %dma_wait3A_197] : memref<2x512x32xf32, #tpu.memory_space<vmem>> -> memref<1x512x32xf32, #tpu.memory_space<vmem>>
      %dma_wait3A_199 = tpu.memref_squeeze %dma_wait3A_198 : memref<1x512x32xf32, #tpu.memory_space<vmem>> -> memref<512x32xf32, #tpu.memory_space<vmem>>
      %dma_wait3A_200 = arith.constant 0 : i32
      %dma_wait3A_201 = arith.constant 0 : i32
      %dma_wait3A_202 = tpu.memref_slice %arg3[%dma_wait3A_200, %dma_wait3A_201] : memref<1000001x32xf32, #tpu.memory_space<hbm>> -> memref<512x32xf32, #tpu.memory_space<hbm>>
      tpu.wait_dma2 semaphore(%arg9 : memref<!tpu.dma_semaphore, #tpu.memory_space<semaphore_mem>>) src(%dma_wait3A_202 : memref<512x32xf32, #tpu.memory_space<hbm>>) dst(%dma_wait3A_199 : memref<512x32xf32, #tpu.memory_space<vmem>>)
      %ge3A = arith.constant 2 : i32
      %ge3A_203 = arith.cmpi sge, %mul3A_143, %ge3A : i32
      %convert_element_type3A_204 = arith.extui %ge3A_203 : i1 to i32
      %cond3A_205 = arith.constant 0 : i32
      %cond3A_206 = arith.cmpi ne, %convert_element_type3A_204, %cond3A_205 : i32
      scf.if %cond3A_206 {
        %scan3A_1015 = arith.constant 0 : i32
        %scan3A_1016 = arith.constant 0 : i32
        %scan3A_1017 = arith.constant 16 : i32
        %scan3A_1018 = arith.addi %scan3A_1016, %scan3A_1017 : i32
        %scan3A_1019 = arith.constant 1 : i32
        scf.for %scan3A_1021 = %scan3A_1016 to %scan3A_1018 step %scan3A_1019  : i32 {
          %dma_wait3A_1022 = arith.constant 0 : i32
          %dma_wait3A_1023 = arith.constant 0 : i32
          %dma_wait3A_1024 = arith.constant 0 : i32
          %dma_wait3A_1025 = arith.constant 0 : i32
          %dma_wait3A_1026 = arith.constant 0 : i32
          %dma_wait3A_1027 = arith.constant 0 : i32
          %dma_wait3A_1028 = tpu.memref_slice %arg7[%dma_wait3A_1025, %dma_wait3A_1026, %dma_wait3A_1027] : memref<2x32x513xf32, #tpu.memory_space<vmem>> -> memref<1x8x128xf32, #tpu.memory_space<vmem>>
          %dma_wait3A_1029 = tpu.memref_squeeze %dma_wait3A_1028 : memref<1x8x128xf32, #tpu.memory_space<vmem>> -> memref<8x128xf32, #tpu.memory_space<vmem>>
          %dma_wait3A_1030 = arith.constant 0 : i32
          %dma_wait3A_1031 = arith.constant 0 : i32
          %dma_wait3A_1032 = tpu.memref_slice %arg4[%dma_wait3A_1022, %dma_wait3A_1023, %dma_wait3A_1024, %dma_wait3A_1030, %dma_wait3A_1031] : memref<50x4x128x8x128xf32, #tpu.memory_space<hbm>> -> memref<1x1x1x8x128xf32, #tpu.memory_space<hbm>>
          %dma_wait3A_1033 = tpu.memref_squeeze %dma_wait3A_1032 : memref<1x1x1x8x128xf32, #tpu.memory_space<hbm>> -> memref<8x128xf32, #tpu.memory_space<hbm>>
          %dma_wait3A_1034 = arith.constant 0 : i32
          %dma_wait3A_1035 = arith.constant 0 : i32
          %dma_wait3A_1036 = tpu.memref_slice %arg7[%dma_wait3A_1025, %dma_wait3A_1034, %dma_wait3A_1035] : memref<2x32x513xf32, #tpu.memory_space<vmem>> -> memref<1x8x128xf32, #tpu.memory_space<vmem>>
          %dma_wait3A_1037 = tpu.memref_squeeze %dma_wait3A_1036 : memref<1x8x128xf32, #tpu.memory_space<vmem>> -> memref<8x128xf32, #tpu.memory_space<vmem>>
          %dma_wait3A_1038 = arith.constant 0 : i32
          %dma_wait3A_1039 = arith.constant 0 : i32
          %dma_wait3A_1040 = tpu.memref_slice %arg4[%dma_wait3A_1022, %dma_wait3A_1023, %dma_wait3A_1024, %dma_wait3A_1038, %dma_wait3A_1039] : memref<50x4x128x8x128xf32, #tpu.memory_space<hbm>> -> memref<1x1x1x8x128xf32, #tpu.memory_space<hbm>>
          %dma_wait3A_1041 = tpu.memref_squeeze %dma_wait3A_1040 : memref<1x1x1x8x128xf32, #tpu.memory_space<hbm>> -> memref<8x128xf32, #tpu.memory_space<hbm>>
          tpu.wait_dma2 semaphore(%arg11 : memref<!tpu.dma_semaphore, #tpu.memory_space<semaphore_mem>>) src(%dma_wait3A_1041 : memref<8x128xf32, #tpu.memory_space<hbm>>) dst(%dma_wait3A_1037 : memref<8x128xf32, #tpu.memory_space<vmem>>)
        }
        %scan3A_1020 = arith.constant 16 : i32
      } else {
      }
      %scan3A_207 = arith.constant 0 : i32
      %scan3A_208 = arith.constant 0 : i32
      %scan3A_209 = arith.constant 128 : i32
      %scan3A_210 = arith.addi %scan3A_208, %scan3A_209 : i32
      %scan3A_211 = arith.constant 1 : i32
      scf.for %scan3A_1015 = %scan3A_208 to %scan3A_210 step %scan3A_211  : i32 {
        %mul3A_1016 = arith.constant 4 : i32
        %mul3A_1017 = arith.muli %mul3A_1016, %scan3A_1015 : i32
        %add3A_1018 = arith.constant 0 : i32
        %add3A_1019 = arith.addi %mul3A_1017, %add3A_1018 : i32
        %get3A = arith.constant 0 : i32
        %get3A_1020 = arith.index_cast %get3A : i32 to index
        %get3A_1021 = arith.index_cast %add3A_1019 : i32 to index
        %get3A_1022 = arith.constant 0 : index
        %get3A_1023 = tpu.vector_load %arg6[%get3A_1020, %get3A_1021, %get3A_1022] {strides = array<i32>} : memref<2x512x32xf32, #tpu.memory_space<vmem>>, vector<16xf32>,
        %add3A_1024 = arith.constant 0 : i32
        %add3A_1025 = vector.broadcast %add3A_1024 : i32 to vector<16xi32>
        %add3A_1026 = arith.addi %add3A_1025, %iota3A : vector<16xi32>
        %broadcast_in_dim3A = vector.broadcast %add3A_1019 : i32 to vector<16xi32>
        %scatter3A = arith.constant 0 : i32
        %scatter3A_1027 = arith.constant 0 : i32
        %scatter3A_1028 = arith.constant 0 : i32
        %scatter3A_1029 = tpu.memref_slice %arg7[%scatter3A, %scatter3A_1027, %scatter3A_1028] : memref<2x32x513xf32, #tpu.memory_space<vmem>> -> memref<1x32x513xf32, #tpu.memory_space<vmem>>
        %scatter3A_1030 = tpu.memref_squeeze %scatter3A_1029 : memref<1x32x513xf32, #tpu.memory_space<vmem>> -> memref<32x513xf32, #tpu.memory_space<vmem>>
        tpu.vector_store_idx %scatter3A_1030[%add3A_1026, %broadcast_in_dim3A], %get3A_1023 : memref<32x513xf32, #tpu.memory_space<vmem>>[vector<16xi32>, vector<16xi32>], vector<16xf32>,
        %mul3A_1031 = arith.constant 4 : i32
        %mul3A_1032 = arith.muli %mul3A_1031, %scan3A_1015 : i32
        %add3A_1033 = arith.constant 1 : i32
        %add3A_1034 = arith.addi %mul3A_1032, %add3A_1033 : i32
        %get3A_1035 = arith.constant 0 : i32
        %get3A_1036 = arith.index_cast %get3A_1035 : i32 to index
        %get3A_1037 = arith.index_cast %add3A_1034 : i32 to index
        %get3A_1038 = arith.constant 0 : index
        %get3A_1039 = tpu.vector_load %arg6[%get3A_1036, %get3A_1037, %get3A_1038] {strides = array<i32>} : memref<2x512x32xf32, #tpu.memory_space<vmem>>, vector<16xf32>,
        %add3A_1040 = arith.constant 0 : i32
        %add3A_1041 = vector.broadcast %add3A_1040 : i32 to vector<16xi32>
        %add3A_1042 = arith.addi %add3A_1041, %iota3A : vector<16xi32>
        %broadcast_in_dim3A_1043 = vector.broadcast %add3A_1034 : i32 to vector<16xi32>
        %scatter3A_1044 = arith.constant 0 : i32
        %scatter3A_1045 = arith.constant 0 : i32
        %scatter3A_1046 = arith.constant 0 : i32
        %scatter3A_1047 = tpu.memref_slice %arg7[%scatter3A_1044, %scatter3A_1045, %scatter3A_1046] : memref<2x32x513xf32, #tpu.memory_space<vmem>> -> memref<1x32x513xf32, #tpu.memory_space<vmem>>
        %scatter3A_1048 = tpu.memref_squeeze %scatter3A_1047 : memref<1x32x513xf32, #tpu.memory_space<vmem>> -> memref<32x513xf32, #tpu.memory_space<vmem>>
        tpu.vector_store_idx %scatter3A_1048[%add3A_1042, %broadcast_in_dim3A_1043], %get3A_1039 : memref<32x513xf32, #tpu.memory_space<vmem>>[vector<16xi32>, vector<16xi32>], vector<16xf32>,
        %mul3A_1049 = arith.constant 4 : i32
        %mul3A_1050 = arith.muli %mul3A_1049, %scan3A_1015 : i32
        %add3A_1051 = arith.constant 2 : i32
        %add3A_1052 = arith.addi %mul3A_1050, %add3A_1051 : i32
        %get3A_1053 = arith.constant 0 : i32
        %get3A_1054 = arith.index_cast %get3A_1053 : i32 to index
        %get3A_1055 = arith.index_cast %add3A_1052 : i32 to index
        %get3A_1056 = arith.constant 0 : index
        %get3A_1057 = tpu.vector_load %arg6[%get3A_1054, %get3A_1055, %get3A_1056] {strides = array<i32>} : memref<2x512x32xf32, #tpu.memory_space<vmem>>, vector<16xf32>,
        %add3A_1058 = arith.constant 0 : i32
        %add3A_1059 = vector.broadcast %add3A_1058 : i32 to vector<16xi32>
        %add3A_1060 = arith.addi %add3A_1059, %iota3A : vector<16xi32>
        %broadcast_in_dim3A_1061 = vector.broadcast %add3A_1052 : i32 to vector<16xi32>
        %scatter3A_1062 = arith.constant 0 : i32
        %scatter3A_1063 = arith.constant 0 : i32
        %scatter3A_1064 = arith.constant 0 : i32
        %scatter3A_1065 = tpu.memref_slice %arg7[%scatter3A_1062, %scatter3A_1063, %scatter3A_1064] : memref<2x32x513xf32, #tpu.memory_space<vmem>> -> memref<1x32x513xf32, #tpu.memory_space<vmem>>
        %scatter3A_1066 = tpu.memref_squeeze %scatter3A_1065 : memref<1x32x513xf32, #tpu.memory_space<vmem>> -> memref<32x513xf32, #tpu.memory_space<vmem>>
        tpu.vector_store_idx %scatter3A_1066[%add3A_1060, %broadcast_in_dim3A_1061], %get3A_1057 : memref<32x513xf32, #tpu.memory_space<vmem>>[vector<16xi32>, vector<16xi32>], vector<16xf32>,
        %mul3A_1067 = arith.constant 4 : i32
        %mul3A_1068 = arith.muli %mul3A_1067, %scan3A_1015 : i32
        %add3A_1069 = arith.constant 3 : i32
        %add3A_1070 = arith.addi %mul3A_1068, %add3A_1069 : i32
        %get3A_1071 = arith.constant 0 : i32
        %get3A_1072 = arith.index_cast %get3A_1071 : i32 to index
        %get3A_1073 = arith.index_cast %add3A_1070 : i32 to index
        %get3A_1074 = arith.constant 0 : index
        %get3A_1075 = tpu.vector_load %arg6[%get3A_1072, %get3A_1073, %get3A_1074] {strides = array<i32>} : memref<2x512x32xf32, #tpu.memory_space<vmem>>, vector<16xf32>,
        %add3A_1076 = arith.constant 0 : i32
        %add3A_1077 = vector.broadcast %add3A_1076 : i32 to vector<16xi32>
        %add3A_1078 = arith.addi %add3A_1077, %iota3A : vector<16xi32>
        %broadcast_in_dim3A_1079 = vector.broadcast %add3A_1070 : i32 to vector<16xi32>
        %scatter3A_1080 = arith.constant 0 : i32
        %scatter3A_1081 = arith.constant 0 : i32
        %scatter3A_1082 = arith.constant 0 : i32
        %scatter3A_1083 = tpu.memref_slice %arg7[%scatter3A_1080, %scatter3A_1081, %scatter3A_1082] : memref<2x32x513xf32, #tpu.memory_space<vmem>> -> memref<1x32x513xf32, #tpu.memory_space<vmem>>
        %scatter3A_1084 = tpu.memref_squeeze %scatter3A_1083 : memref<1x32x513xf32, #tpu.memory_space<vmem>> -> memref<32x513xf32, #tpu.memory_space<vmem>>
        tpu.vector_store_idx %scatter3A_1084[%add3A_1078, %broadcast_in_dim3A_1079], %get3A_1075 : memref<32x513xf32, #tpu.memory_space<vmem>>[vector<16xi32>, vector<16xi32>], vector<16xf32>,
      }
      %scan3A_212 = arith.constant 128 : i32
      %mul3A_213 = arith.constant 4 : i32
      %mul3A_214 = arith.muli %select_n3A_184, %mul3A_213 : i32
      %add3A_215 = arith.constant 0 : i32
      %add3A_216 = arith.addi %mul3A_214, %add3A_215 : i32
      %dma_start3A_217 = arith.constant 0 : i32
      %dma_start3A_218 = arith.constant 0 : i32
      %dma_start3A_219 = arith.constant 0 : i32
      %dma_start3A_220 = arith.constant 0 : i32
      %dma_start3A_221 = tpu.memref_slice %arg7[%dma_start3A_217, %dma_start3A_219, %dma_start3A_220] : memref<2x32x513xf32, #tpu.memory_space<vmem>> -> memref<1x8x128xf32, #tpu.memory_space<vmem>>
      %dma_start3A_222 = tpu.memref_squeeze %dma_start3A_221 : memref<1x8x128xf32, #tpu.memory_space<vmem>> -> memref<8x128xf32, #tpu.memory_space<vmem>>
      %dma_start3A_223 = arith.constant 0 : i32
      %dma_start3A_224 = arith.constant 0 : i32
      %dma_start3A_225 = tpu.memref_slice %arg4[%select_n3A_168, %dma_start3A_218, %add3A_216, %dma_start3A_223, %dma_start3A_224] : memref<50x4x128x8x128xf32, #tpu.memory_space<hbm>> -> memref<1x1x1x8x128xf32, #tpu.memory_space<hbm>>
      %dma_start3A_226 = tpu.memref_squeeze %dma_start3A_225 : memref<1x1x1x8x128xf32, #tpu.memory_space<hbm>> -> memref<8x128xf32, #tpu.memory_space<hbm>>
      %dma_start3A_227 = arith.constant 0 : i32
      %dma_start3A_228 = arith.constant 0 : i32
      %dma_start3A_229 = tpu.memref_slice %arg4[%select_n3A_168, %dma_start3A_218, %add3A_216, %dma_start3A_227, %dma_start3A_228] : memref<50x4x128x8x128xf32, #tpu.memory_space<hbm>> -> memref<1x1x1x8x128xf32, #tpu.memory_space<hbm>>
      %dma_start3A_230 = tpu.memref_squeeze %dma_start3A_229 : memref<1x1x1x8x128xf32, #tpu.memory_space<hbm>> -> memref<8x128xf32, #tpu.memory_space<hbm>>
      %dma_start3A_231 = arith.constant 0 : i32
      %dma_start3A_232 = arith.constant 0 : i32
      %dma_start3A_233 = tpu.memref_slice %arg7[%dma_start3A_217, %dma_start3A_231, %dma_start3A_232] : memref<2x32x513xf32, #tpu.memory_space<vmem>> -> memref<1x8x128xf32, #tpu.memory_space<vmem>>
      %dma_start3A_234 = tpu.memref_squeeze %dma_start3A_233 : memref<1x8x128xf32, #tpu.memory_space<vmem>> -> memref<8x128xf32, #tpu.memory_space<vmem>>
      tpu.enqueue_dma source(%dma_start3A_234 : memref<8x128xf32, #tpu.memory_space<vmem>>) target(%dma_start3A_230 : memref<8x128xf32, #tpu.memory_space<hbm>>) target_semaphore(%arg11 : memref<!tpu.dma_semaphore, #tpu.memory_space<semaphore_mem>>)
      %mul3A_235 = arith.constant 4 : i32
      %mul3A_236 = arith.muli %select_n3A_184, %mul3A_235 : i32
      %add3A_237 = arith.constant 1 : i32
      %add3A_238 = arith.addi %mul3A_236, %add3A_237 : i32
      %dma_start3A_239 = arith.constant 0 : i32
      %dma_start3A_240 = arith.constant 0 : i32
      %dma_start3A_241 = arith.constant 0 : i32
      %dma_start3A_242 = arith.constant 128 : i32
      %dma_start3A_243 = tpu.memref_slice %arg7[%dma_start3A_239, %dma_start3A_241, %dma_start3A_242] : memref<2x32x513xf32, #tpu.memory_space<vmem>> -> memref<1x8x128xf32, #tpu.memory_space<vmem>>
      %dma_start3A_244 = tpu.memref_squeeze %dma_start3A_243 : memref<1x8x128xf32, #tpu.memory_space<vmem>> -> memref<8x128xf32, #tpu.memory_space<vmem>>
      %dma_start3A_245 = arith.constant 0 : i32
      %dma_start3A_246 = arith.constant 0 : i32
      %dma_start3A_247 = tpu.memref_slice %arg4[%select_n3A_168, %dma_start3A_240, %add3A_238, %dma_start3A_245, %dma_start3A_246] : memref<50x4x128x8x128xf32, #tpu.memory_space<hbm>> -> memref<1x1x1x8x128xf32, #tpu.memory_space<hbm>>
      %dma_start3A_248 = tpu.memref_squeeze %dma_start3A_247 : memref<1x1x1x8x128xf32, #tpu.memory_space<hbm>> -> memref<8x128xf32, #tpu.memory_space<hbm>>
      %dma_start3A_249 = arith.constant 0 : i32
      %dma_start3A_250 = arith.constant 0 : i32
      %dma_start3A_251 = tpu.memref_slice %arg4[%select_n3A_168, %dma_start3A_240, %add3A_238, %dma_start3A_249, %dma_start3A_250] : memref<50x4x128x8x128xf32, #tpu.memory_space<hbm>> -> memref<1x1x1x8x128xf32, #tpu.memory_space<hbm>>
      %dma_start3A_252 = tpu.memref_squeeze %dma_start3A_251 : memref<1x1x1x8x128xf32, #tpu.memory_space<hbm>> -> memref<8x128xf32, #tpu.memory_space<hbm>>
      %dma_start3A_253 = arith.constant 0 : i32
      %dma_start3A_254 = arith.constant 128 : i32
      %dma_start3A_255 = tpu.memref_slice %arg7[%dma_start3A_239, %dma_start3A_253, %dma_start3A_254] : memref<2x32x513xf32, #tpu.memory_space<vmem>> -> memref<1x8x128xf32, #tpu.memory_space<vmem>>
      %dma_start3A_256 = tpu.memref_squeeze %dma_start3A_255 : memref<1x8x128xf32, #tpu.memory_space<vmem>> -> memref<8x128xf32, #tpu.memory_space<vmem>>
      tpu.enqueue_dma source(%dma_start3A_256 : memref<8x128xf32, #tpu.memory_space<vmem>>) target(%dma_start3A_252 : memref<8x128xf32, #tpu.memory_space<hbm>>) target_semaphore(%arg11 : memref<!tpu.dma_semaphore, #tpu.memory_space<semaphore_mem>>)
      %mul3A_257 = arith.constant 4 : i32
      %mul3A_258 = arith.muli %select_n3A_184, %mul3A_257 : i32
      %add3A_259 = arith.constant 2 : i32
      %add3A_260 = arith.addi %mul3A_258, %add3A_259 : i32
      %dma_start3A_261 = arith.constant 0 : i32
      %dma_start3A_262 = arith.constant 0 : i32
      %dma_start3A_263 = arith.constant 0 : i32
      %dma_start3A_264 = arith.constant 256 : i32
      %dma_start3A_265 = tpu.memref_slice %arg7[%dma_start3A_261, %dma_start3A_263, %dma_start3A_264] : memref<2x32x513xf32, #tpu.memory_space<vmem>> -> memref<1x8x128xf32, #tpu.memory_space<vmem>>
      %dma_start3A_266 = tpu.memref_squeeze %dma_start3A_265 : memref<1x8x128xf32, #tpu.memory_space<vmem>> -> memref<8x128xf32, #tpu.memory_space<vmem>>
      %dma_start3A_267 = arith.constant 0 : i32
      %dma_start3A_268 = arith.constant 0 : i32
      %dma_start3A_269 = tpu.memref_slice %arg4[%select_n3A_168, %dma_start3A_262, %add3A_260, %dma_start3A_267, %dma_start3A_268] : memref<50x4x128x8x128xf32, #tpu.memory_space<hbm>> -> memref<1x1x1x8x128xf32, #tpu.memory_space<hbm>>
      %dma_start3A_270 = tpu.memref_squeeze %dma_start3A_269 : memref<1x1x1x8x128xf32, #tpu.memory_space<hbm>> -> memref<8x128xf32, #tpu.memory_space<hbm>>
      %dma_start3A_271 = arith.constant 0 : i32
      %dma_start3A_272 = arith.constant 0 : i32
      %dma_start3A_273 = tpu.memref_slice %arg4[%select_n3A_168, %dma_start3A_262, %add3A_260, %dma_start3A_271, %dma_start3A_272] : memref<50x4x128x8x128xf32, #tpu.memory_space<hbm>> -> memref<1x1x1x8x128xf32, #tpu.memory_space<hbm>>
      %dma_start3A_274 = tpu.memref_squeeze %dma_start3A_273 : memref<1x1x1x8x128xf32, #tpu.memory_space<hbm>> -> memref<8x128xf32, #tpu.memory_space<hbm>>
      %dma_start3A_275 = arith.constant 0 : i32
      %dma_start3A_276 = arith.constant 256 : i32
      %dma_start3A_277 = tpu.memref_slice %arg7[%dma_start3A_261, %dma_start3A_275, %dma_start3A_276] : memref<2x32x513xf32, #tpu.memory_space<vmem>> -> memref<1x8x128xf32, #tpu.memory_space<vmem>>
      %dma_start3A_278 = tpu.memref_squeeze %dma_start3A_277 : memref<1x8x128xf32, #tpu.memory_space<vmem>> -> memref<8x128xf32, #tpu.memory_space<vmem>>
      tpu.enqueue_dma source(%dma_start3A_278 : memref<8x128xf32, #tpu.memory_space<vmem>>) target(%dma_start3A_274 : memref<8x128xf32, #tpu.memory_space<hbm>>) target_semaphore(%arg11 : memref<!tpu.dma_semaphore, #tpu.memory_space<semaphore_mem>>)
      %mul3A_279 = arith.constant 4 : i32
      %mul3A_280 = arith.muli %select_n3A_184, %mul3A_279 : i32
      %add3A_281 = arith.constant 3 : i32
      %add3A_282 = arith.addi %mul3A_280, %add3A_281 : i32
      %dma_start3A_283 = arith.constant 0 : i32
      %dma_start3A_284 = arith.constant 0 : i32
      %dma_start3A_285 = arith.constant 0 : i32
      %dma_start3A_286 = arith.constant 384 : i32
      %dma_start3A_287 = tpu.memref_slice %arg7[%dma_start3A_283, %dma_start3A_285, %dma_start3A_286] : memref<2x32x513xf32, #tpu.memory_space<vmem>> -> memref<1x8x128xf32, #tpu.memory_space<vmem>>
      %dma_start3A_288 = tpu.memref_squeeze %dma_start3A_287 : memref<1x8x128xf32, #tpu.memory_space<vmem>> -> memref<8x128xf32, #tpu.memory_space<vmem>>
      %dma_start3A_289 = arith.constant 0 : i32
      %dma_start3A_290 = arith.constant 0 : i32
      %dma_start3A_291 = tpu.memref_slice %arg4[%select_n3A_168, %dma_start3A_284, %add3A_282, %dma_start3A_289, %dma_start3A_290] : memref<50x4x128x8x128xf32, #tpu.memory_space<hbm>> -> memref<1x1x1x8x128xf32, #tpu.memory_space<hbm>>
      %dma_start3A_292 = tpu.memref_squeeze %dma_start3A_291 : memref<1x1x1x8x128xf32, #tpu.memory_space<hbm>> -> memref<8x128xf32, #tpu.memory_space<hbm>>
      %dma_start3A_293 = arith.constant 0 : i32
      %dma_start3A_294 = arith.constant 0 : i32
      %dma_start3A_295 = tpu.memref_slice %arg4[%select_n3A_168, %dma_start3A_284, %add3A_282, %dma_start3A_293, %dma_start3A_294] : memref<50x4x128x8x128xf32, #tpu.memory_space<hbm>> -> memref<1x1x1x8x128xf32, #tpu.memory_space<hbm>>
      %dma_start3A_296 = tpu.memref_squeeze %dma_start3A_295 : memref<1x1x1x8x128xf32, #tpu.memory_space<hbm>> -> memref<8x128xf32, #tpu.memory_space<hbm>>
      %dma_start3A_297 = arith.constant 0 : i32
      %dma_start3A_298 = arith.constant 384 : i32
      %dma_start3A_299 = tpu.memref_slice %arg7[%dma_start3A_283, %dma_start3A_297, %dma_start3A_298] : memref<2x32x513xf32, #tpu.memory_space<vmem>> -> memref<1x8x128xf32, #tpu.memory_space<vmem>>
      %dma_start3A_300 = tpu.memref_squeeze %dma_start3A_299 : memref<1x8x128xf32, #tpu.memory_space<vmem>> -> memref<8x128xf32, #tpu.memory_space<vmem>>
      tpu.enqueue_dma source(%dma_start3A_300 : memref<8x128xf32, #tpu.memory_space<vmem>>) target(%dma_start3A_296 : memref<8x128xf32, #tpu.memory_space<hbm>>) target_semaphore(%arg11 : memref<!tpu.dma_semaphore, #tpu.memory_space<semaphore_mem>>)
      %mul3A_301 = arith.constant 4 : i32
      %mul3A_302 = arith.muli %select_n3A_184, %mul3A_301 : i32
      %add3A_303 = arith.constant 0 : i32
      %add3A_304 = arith.addi %mul3A_302, %add3A_303 : i32
      %dma_start3A_305 = arith.constant 0 : i32
      %dma_start3A_306 = arith.constant 1 : i32
      %dma_start3A_307 = arith.constant 8 : i32
      %dma_start3A_308 = arith.constant 0 : i32
      %dma_start3A_309 = tpu.memref_slice %arg7[%dma_start3A_305, %dma_start3A_307, %dma_start3A_308] : memref<2x32x513xf32, #tpu.memory_space<vmem>> -> memref<1x8x128xf32, #tpu.memory_space<vmem>>
      %dma_start3A_310 = tpu.memref_squeeze %dma_start3A_309 : memref<1x8x128xf32, #tpu.memory_space<vmem>> -> memref<8x128xf32, #tpu.memory_space<vmem>>
      %dma_start3A_311 = arith.constant 0 : i32
      %dma_start3A_312 = arith.constant 0 : i32
      %dma_start3A_313 = tpu.memref_slice %arg4[%select_n3A_168, %dma_start3A_306, %add3A_304, %dma_start3A_311, %dma_start3A_312] : memref<50x4x128x8x128xf32, #tpu.memory_space<hbm>> -> memref<1x1x1x8x128xf32, #tpu.memory_space<hbm>>
      %dma_start3A_314 = tpu.memref_squeeze %dma_start3A_313 : memref<1x1x1x8x128xf32, #tpu.memory_space<hbm>> -> memref<8x128xf32, #tpu.memory_space<hbm>>
      %dma_start3A_315 = arith.constant 0 : i32
      %dma_start3A_316 = arith.constant 0 : i32
      %dma_start3A_317 = tpu.memref_slice %arg4[%select_n3A_168, %dma_start3A_306, %add3A_304, %dma_start3A_315, %dma_start3A_316] : memref<50x4x128x8x128xf32, #tpu.memory_space<hbm>> -> memref<1x1x1x8x128xf32, #tpu.memory_space<hbm>>
      %dma_start3A_318 = tpu.memref_squeeze %dma_start3A_317 : memref<1x1x1x8x128xf32, #tpu.memory_space<hbm>> -> memref<8x128xf32, #tpu.memory_space<hbm>>
      %dma_start3A_319 = arith.constant 8 : i32
      %dma_start3A_320 = arith.constant 0 : i32
      %dma_start3A_321 = tpu.memref_slice %arg7[%dma_start3A_305, %dma_start3A_319, %dma_start3A_320] : memref<2x32x513xf32, #tpu.memory_space<vmem>> -> memref<1x8x128xf32, #tpu.memory_space<vmem>>
      %dma_start3A_322 = tpu.memref_squeeze %dma_start3A_321 : memref<1x8x128xf32, #tpu.memory_space<vmem>> -> memref<8x128xf32, #tpu.memory_space<vmem>>
      tpu.enqueue_dma source(%dma_start3A_322 : memref<8x128xf32, #tpu.memory_space<vmem>>) target(%dma_start3A_318 : memref<8x128xf32, #tpu.memory_space<hbm>>) target_semaphore(%arg11 : memref<!tpu.dma_semaphore, #tpu.memory_space<semaphore_mem>>)
      %mul3A_323 = arith.constant 4 : i32
      %mul3A_324 = arith.muli %select_n3A_184, %mul3A_323 : i32
      %add3A_325 = arith.constant 1 : i32
      %add3A_326 = arith.addi %mul3A_324, %add3A_325 : i32
      %dma_start3A_327 = arith.constant 0 : i32
      %dma_start3A_328 = arith.constant 1 : i32
      %dma_start3A_329 = arith.constant 8 : i32
      %dma_start3A_330 = arith.constant 128 : i32
      %dma_start3A_331 = tpu.memref_slice %arg7[%dma_start3A_327, %dma_start3A_329, %dma_start3A_330] : memref<2x32x513xf32, #tpu.memory_space<vmem>> -> memref<1x8x128xf32, #tpu.memory_space<vmem>>
      %dma_start3A_332 = tpu.memref_squeeze %dma_start3A_331 : memref<1x8x128xf32, #tpu.memory_space<vmem>> -> memref<8x128xf32, #tpu.memory_space<vmem>>
      %dma_start3A_333 = arith.constant 0 : i32
      %dma_start3A_334 = arith.constant 0 : i32
      %dma_start3A_335 = tpu.memref_slice %arg4[%select_n3A_168, %dma_start3A_328, %add3A_326, %dma_start3A_333, %dma_start3A_334] : memref<50x4x128x8x128xf32, #tpu.memory_space<hbm>> -> memref<1x1x1x8x128xf32, #tpu.memory_space<hbm>>
      %dma_start3A_336 = tpu.memref_squeeze %dma_start3A_335 : memref<1x1x1x8x128xf32, #tpu.memory_space<hbm>> -> memref<8x128xf32, #tpu.memory_space<hbm>>
      %dma_start3A_337 = arith.constant 0 : i32
      %dma_start3A_338 = arith.constant 0 : i32
      %dma_start3A_339 = tpu.memref_slice %arg4[%select_n3A_168, %dma_start3A_328, %add3A_326, %dma_start3A_337, %dma_start3A_338] : memref<50x4x128x8x128xf32, #tpu.memory_space<hbm>> -> memref<1x1x1x8x128xf32, #tpu.memory_space<hbm>>
      %dma_start3A_340 = tpu.memref_squeeze %dma_start3A_339 : memref<1x1x1x8x128xf32, #tpu.memory_space<hbm>> -> memref<8x128xf32, #tpu.memory_space<hbm>>
      %dma_start3A_341 = arith.constant 8 : i32
      %dma_start3A_342 = arith.constant 128 : i32
      %dma_start3A_343 = tpu.memref_slice %arg7[%dma_start3A_327, %dma_start3A_341, %dma_start3A_342] : memref<2x32x513xf32, #tpu.memory_space<vmem>> -> memref<1x8x128xf32, #tpu.memory_space<vmem>>
      %dma_start3A_344 = tpu.memref_squeeze %dma_start3A_343 : memref<1x8x128xf32, #tpu.memory_space<vmem>> -> memref<8x128xf32, #tpu.memory_space<vmem>>
      tpu.enqueue_dma source(%dma_start3A_344 : memref<8x128xf32, #tpu.memory_space<vmem>>) target(%dma_start3A_340 : memref<8x128xf32, #tpu.memory_space<hbm>>) target_semaphore(%arg11 : memref<!tpu.dma_semaphore, #tpu.memory_space<semaphore_mem>>)
      %mul3A_345 = arith.constant 4 : i32
      %mul3A_346 = arith.muli %select_n3A_184, %mul3A_345 : i32
      %add3A_347 = arith.constant 2 : i32
      %add3A_348 = arith.addi %mul3A_346, %add3A_347 : i32
      %dma_start3A_349 = arith.constant 0 : i32
      %dma_start3A_350 = arith.constant 1 : i32
      %dma_start3A_351 = arith.constant 8 : i32
      %dma_start3A_352 = arith.constant 256 : i32
      %dma_start3A_353 = tpu.memref_slice %arg7[%dma_start3A_349, %dma_start3A_351, %dma_start3A_352] : memref<2x32x513xf32, #tpu.memory_space<vmem>> -> memref<1x8x128xf32, #tpu.memory_space<vmem>>
      %dma_start3A_354 = tpu.memref_squeeze %dma_start3A_353 : memref<1x8x128xf32, #tpu.memory_space<vmem>> -> memref<8x128xf32, #tpu.memory_space<vmem>>
      %dma_start3A_355 = arith.constant 0 : i32
      %dma_start3A_356 = arith.constant 0 : i32
      %dma_start3A_357 = tpu.memref_slice %arg4[%select_n3A_168, %dma_start3A_350, %add3A_348, %dma_start3A_355, %dma_start3A_356] : memref<50x4x128x8x128xf32, #tpu.memory_space<hbm>> -> memref<1x1x1x8x128xf32, #tpu.memory_space<hbm>>
      %dma_start3A_358 = tpu.memref_squeeze %dma_start3A_357 : memref<1x1x1x8x128xf32, #tpu.memory_space<hbm>> -> memref<8x128xf32, #tpu.memory_space<hbm>>
      %dma_start3A_359 = arith.constant 0 : i32
      %dma_start3A_360 = arith.constant 0 : i32
      %dma_start3A_361 = tpu.memref_slice %arg4[%select_n3A_168, %dma_start3A_350, %add3A_348, %dma_start3A_359, %dma_start3A_360] : memref<50x4x128x8x128xf32, #tpu.memory_space<hbm>> -> memref<1x1x1x8x128xf32, #tpu.memory_space<hbm>>
      %dma_start3A_362 = tpu.memref_squeeze %dma_start3A_361 : memref<1x1x1x8x128xf32, #tpu.memory_space<hbm>> -> memref<8x128xf32, #tpu.memory_space<hbm>>
      %dma_start3A_363 = arith.constant 8 : i32
      %dma_start3A_364 = arith.constant 256 : i32
      %dma_start3A_365 = tpu.memref_slice %arg7[%dma_start3A_349, %dma_start3A_363, %dma_start3A_364] : memref<2x32x513xf32, #tpu.memory_space<vmem>> -> memref<1x8x128xf32, #tpu.memory_space<vmem>>
      %dma_start3A_366 = tpu.memref_squeeze %dma_start3A_365 : memref<1x8x128xf32, #tpu.memory_space<vmem>> -> memref<8x128xf32, #tpu.memory_space<vmem>>
      tpu.enqueue_dma source(%dma_start3A_366 : memref<8x128xf32, #tpu.memory_space<vmem>>) target(%dma_start3A_362 : memref<8x128xf32, #tpu.memory_space<hbm>>) target_semaphore(%arg11 : memref<!tpu.dma_semaphore, #tpu.memory_space<semaphore_mem>>)
      %mul3A_367 = arith.constant 4 : i32
      %mul3A_368 = arith.muli %select_n3A_184, %mul3A_367 : i32
      %add3A_369 = arith.constant 3 : i32
      %add3A_370 = arith.addi %mul3A_368, %add3A_369 : i32
      %dma_start3A_371 = arith.constant 0 : i32
      %dma_start3A_372 = arith.constant 1 : i32
      %dma_start3A_373 = arith.constant 8 : i32
      %dma_start3A_374 = arith.constant 384 : i32
      %dma_start3A_375 = tpu.memref_slice %arg7[%dma_start3A_371, %dma_start3A_373, %dma_start3A_374] : memref<2x32x513xf32, #tpu.memory_space<vmem>> -> memref<1x8x128xf32, #tpu.memory_space<vmem>>
      %dma_start3A_376 = tpu.memref_squeeze %dma_start3A_375 : memref<1x8x128xf32, #tpu.memory_space<vmem>> -> memref<8x128xf32, #tpu.memory_space<vmem>>
      %dma_start3A_377 = arith.constant 0 : i32
      %dma_start3A_378 = arith.constant 0 : i32
      %dma_start3A_379 = tpu.memref_slice %arg4[%select_n3A_168, %dma_start3A_372, %add3A_370, %dma_start3A_377, %dma_start3A_378] : memref<50x4x128x8x128xf32, #tpu.memory_space<hbm>> -> memref<1x1x1x8x128xf32, #tpu.memory_space<hbm>>
      %dma_start3A_380 = tpu.memref_squeeze %dma_start3A_379 : memref<1x1x1x8x128xf32, #tpu.memory_space<hbm>> -> memref<8x128xf32, #tpu.memory_space<hbm>>
      %dma_start3A_381 = arith.constant 0 : i32
      %dma_start3A_382 = arith.constant 0 : i32
      %dma_start3A_383 = tpu.memref_slice %arg4[%select_n3A_168, %dma_start3A_372, %add3A_370, %dma_start3A_381, %dma_start3A_382] : memref<50x4x128x8x128xf32, #tpu.memory_space<hbm>> -> memref<1x1x1x8x128xf32, #tpu.memory_space<hbm>>
      %dma_start3A_384 = tpu.memref_squeeze %dma_start3A_383 : memref<1x1x1x8x128xf32, #tpu.memory_space<hbm>> -> memref<8x128xf32, #tpu.memory_space<hbm>>
      %dma_start3A_385 = arith.constant 8 : i32
      %dma_start3A_386 = arith.constant 384 : i32
      %dma_start3A_387 = tpu.memref_slice %arg7[%dma_start3A_371, %dma_start3A_385, %dma_start3A_386] : memref<2x32x513xf32, #tpu.memory_space<vmem>> -> memref<1x8x128xf32, #tpu.memory_space<vmem>>
      %dma_start3A_388 = tpu.memref_squeeze %dma_start3A_387 : memref<1x8x128xf32, #tpu.memory_space<vmem>> -> memref<8x128xf32, #tpu.memory_space<vmem>>
      tpu.enqueue_dma source(%dma_start3A_388 : memref<8x128xf32, #tpu.memory_space<vmem>>) target(%dma_start3A_384 : memref<8x128xf32, #tpu.memory_space<hbm>>) target_semaphore(%arg11 : memref<!tpu.dma_semaphore, #tpu.memory_space<semaphore_mem>>)
      %scan3A_389 = arith.constant 0 : i32
      %scan3A_390 = arith.constant 0 : i32
      %scan3A_391 = arith.constant 128 : i32
      %scan3A_392 = arith.addi %scan3A_390, %scan3A_391 : i32
      %scan3A_393 = arith.constant 1 : i32
      scf.for %scan3A_1015 = %scan3A_390 to %scan3A_392 step %scan3A_393  : i32 {
        %mul3A_1016 = arith.constant 4 : i32
        %mul3A_1017 = arith.muli %mul3A_1016, %scan3A_1015 : i32
        %add3A_1018 = arith.constant 0 : i32
        %add3A_1019 = arith.addi %mul3A_1017, %add3A_1018 : i32
        %get3A = arith.constant 0 : i32
        %get3A_1020 = arith.index_cast %get3A : i32 to index
        %get3A_1021 = arith.index_cast %add3A_1019 : i32 to index
        %get3A_1022 = arith.constant 16 : index
        %get3A_1023 = tpu.vector_load %arg6[%get3A_1020, %get3A_1021, %get3A_1022] {strides = array<i32>} : memref<2x512x32xf32, #tpu.memory_space<vmem>>, vector<16xf32>,
        %add3A_1024 = arith.constant 16 : i32
        %add3A_1025 = vector.broadcast %add3A_1024 : i32 to vector<16xi32>
        %add3A_1026 = arith.addi %add3A_1025, %iota3A : vector<16xi32>
        %broadcast_in_dim3A = vector.broadcast %add3A_1019 : i32 to vector<16xi32>
        %scatter3A = arith.constant 0 : i32
        %scatter3A_1027 = arith.constant 0 : i32
        %scatter3A_1028 = arith.constant 0 : i32
        %scatter3A_1029 = tpu.memref_slice %arg7[%scatter3A, %scatter3A_1027, %scatter3A_1028] : memref<2x32x513xf32, #tpu.memory_space<vmem>> -> memref<1x32x513xf32, #tpu.memory_space<vmem>>
        %scatter3A_1030 = tpu.memref_squeeze %scatter3A_1029 : memref<1x32x513xf32, #tpu.memory_space<vmem>> -> memref<32x513xf32, #tpu.memory_space<vmem>>
        tpu.vector_store_idx %scatter3A_1030[%add3A_1026, %broadcast_in_dim3A], %get3A_1023 : memref<32x513xf32, #tpu.memory_space<vmem>>[vector<16xi32>, vector<16xi32>], vector<16xf32>,
        %mul3A_1031 = arith.constant 4 : i32
        %mul3A_1032 = arith.muli %mul3A_1031, %scan3A_1015 : i32
        %add3A_1033 = arith.constant 1 : i32
        %add3A_1034 = arith.addi %mul3A_1032, %add3A_1033 : i32
        %get3A_1035 = arith.constant 0 : i32
        %get3A_1036 = arith.index_cast %get3A_1035 : i32 to index
        %get3A_1037 = arith.index_cast %add3A_1034 : i32 to index
        %get3A_1038 = arith.constant 16 : index
        %get3A_1039 = tpu.vector_load %arg6[%get3A_1036, %get3A_1037, %get3A_1038] {strides = array<i32>} : memref<2x512x32xf32, #tpu.memory_space<vmem>>, vector<16xf32>,
        %add3A_1040 = arith.constant 16 : i32
        %add3A_1041 = vector.broadcast %add3A_1040 : i32 to vector<16xi32>
        %add3A_1042 = arith.addi %add3A_1041, %iota3A : vector<16xi32>
        %broadcast_in_dim3A_1043 = vector.broadcast %add3A_1034 : i32 to vector<16xi32>
        %scatter3A_1044 = arith.constant 0 : i32
        %scatter3A_1045 = arith.constant 0 : i32
        %scatter3A_1046 = arith.constant 0 : i32
        %scatter3A_1047 = tpu.memref_slice %arg7[%scatter3A_1044, %scatter3A_1045, %scatter3A_1046] : memref<2x32x513xf32, #tpu.memory_space<vmem>> -> memref<1x32x513xf32, #tpu.memory_space<vmem>>
        %scatter3A_1048 = tpu.memref_squeeze %scatter3A_1047 : memref<1x32x513xf32, #tpu.memory_space<vmem>> -> memref<32x513xf32, #tpu.memory_space<vmem>>
        tpu.vector_store_idx %scatter3A_1048[%add3A_1042, %broadcast_in_dim3A_1043], %get3A_1039 : memref<32x513xf32, #tpu.memory_space<vmem>>[vector<16xi32>, vector<16xi32>], vector<16xf32>,
        %mul3A_1049 = arith.constant 4 : i32
        %mul3A_1050 = arith.muli %mul3A_1049, %scan3A_1015 : i32
        %add3A_1051 = arith.constant 2 : i32
        %add3A_1052 = arith.addi %mul3A_1050, %add3A_1051 : i32
        %get3A_1053 = arith.constant 0 : i32
        %get3A_1054 = arith.index_cast %get3A_1053 : i32 to index
        %get3A_1055 = arith.index_cast %add3A_1052 : i32 to index
        %get3A_1056 = arith.constant 16 : index
        %get3A_1057 = tpu.vector_load %arg6[%get3A_1054, %get3A_1055, %get3A_1056] {strides = array<i32>} : memref<2x512x32xf32, #tpu.memory_space<vmem>>, vector<16xf32>,
        %add3A_1058 = arith.constant 16 : i32
        %add3A_1059 = vector.broadcast %add3A_1058 : i32 to vector<16xi32>
        %add3A_1060 = arith.addi %add3A_1059, %iota3A : vector<16xi32>
        %broadcast_in_dim3A_1061 = vector.broadcast %add3A_1052 : i32 to vector<16xi32>
        %scatter3A_1062 = arith.constant 0 : i32
        %scatter3A_1063 = arith.constant 0 : i32
        %scatter3A_1064 = arith.constant 0 : i32
        %scatter3A_1065 = tpu.memref_slice %arg7[%scatter3A_1062, %scatter3A_1063, %scatter3A_1064] : memref<2x32x513xf32, #tpu.memory_space<vmem>> -> memref<1x32x513xf32, #tpu.memory_space<vmem>>
        %scatter3A_1066 = tpu.memref_squeeze %scatter3A_1065 : memref<1x32x513xf32, #tpu.memory_space<vmem>> -> memref<32x513xf32, #tpu.memory_space<vmem>>
        tpu.vector_store_idx %scatter3A_1066[%add3A_1060, %broadcast_in_dim3A_1061], %get3A_1057 : memref<32x513xf32, #tpu.memory_space<vmem>>[vector<16xi32>, vector<16xi32>], vector<16xf32>,
        %mul3A_1067 = arith.constant 4 : i32
        %mul3A_1068 = arith.muli %mul3A_1067, %scan3A_1015 : i32
        %add3A_1069 = arith.constant 3 : i32
        %add3A_1070 = arith.addi %mul3A_1068, %add3A_1069 : i32
        %get3A_1071 = arith.constant 0 : i32
        %get3A_1072 = arith.index_cast %get3A_1071 : i32 to index
        %get3A_1073 = arith.index_cast %add3A_1070 : i32 to index
        %get3A_1074 = arith.constant 16 : index
        %get3A_1075 = tpu.vector_load %arg6[%get3A_1072, %get3A_1073, %get3A_1074] {strides = array<i32>} : memref<2x512x32xf32, #tpu.memory_space<vmem>>, vector<16xf32>,
        %add3A_1076 = arith.constant 16 : i32
        %add3A_1077 = vector.broadcast %add3A_1076 : i32 to vector<16xi32>
        %add3A_1078 = arith.addi %add3A_1077, %iota3A : vector<16xi32>
        %broadcast_in_dim3A_1079 = vector.broadcast %add3A_1070 : i32 to vector<16xi32>
        %scatter3A_1080 = arith.constant 0 : i32
        %scatter3A_1081 = arith.constant 0 : i32
        %scatter3A_1082 = arith.constant 0 : i32
        %scatter3A_1083 = tpu.memref_slice %arg7[%scatter3A_1080, %scatter3A_1081, %scatter3A_1082] : memref<2x32x513xf32, #tpu.memory_space<vmem>> -> memref<1x32x513xf32, #tpu.memory_space<vmem>>
        %scatter3A_1084 = tpu.memref_squeeze %scatter3A_1083 : memref<1x32x513xf32, #tpu.memory_space<vmem>> -> memref<32x513xf32, #tpu.memory_space<vmem>>
        tpu.vector_store_idx %scatter3A_1084[%add3A_1078, %broadcast_in_dim3A_1079], %get3A_1075 : memref<32x513xf32, #tpu.memory_space<vmem>>[vector<16xi32>, vector<16xi32>], vector<16xf32>,
      }
      %scan3A_394 = arith.constant 128 : i32
      %mul3A_395 = arith.constant 4 : i32
      %mul3A_396 = arith.muli %select_n3A_184, %mul3A_395 : i32
      %add3A_397 = arith.constant 0 : i32
      %add3A_398 = arith.addi %mul3A_396, %add3A_397 : i32
      %dma_start3A_399 = arith.constant 0 : i32
      %dma_start3A_400 = arith.constant 2 : i32
      %dma_start3A_401 = arith.constant 16 : i32
      %dma_start3A_402 = arith.constant 0 : i32
      %dma_start3A_403 = tpu.memref_slice %arg7[%dma_start3A_399, %dma_start3A_401, %dma_start3A_402] : memref<2x32x513xf32, #tpu.memory_space<vmem>> -> memref<1x8x128xf32, #tpu.memory_space<vmem>>
      %dma_start3A_404 = tpu.memref_squeeze %dma_start3A_403 : memref<1x8x128xf32, #tpu.memory_space<vmem>> -> memref<8x128xf32, #tpu.memory_space<vmem>>
      %dma_start3A_405 = arith.constant 0 : i32
      %dma_start3A_406 = arith.constant 0 : i32
      %dma_start3A_407 = tpu.memref_slice %arg4[%select_n3A_168, %dma_start3A_400, %add3A_398, %dma_start3A_405, %dma_start3A_406] : memref<50x4x128x8x128xf32, #tpu.memory_space<hbm>> -> memref<1x1x1x8x128xf32, #tpu.memory_space<hbm>>
      %dma_start3A_408 = tpu.memref_squeeze %dma_start3A_407 : memref<1x1x1x8x128xf32, #tpu.memory_space<hbm>> -> memref<8x128xf32, #tpu.memory_space<hbm>>
      %dma_start3A_409 = arith.constant 0 : i32
      %dma_start3A_410 = arith.constant 0 : i32
      %dma_start3A_411 = tpu.memref_slice %arg4[%select_n3A_168, %dma_start3A_400, %add3A_398, %dma_start3A_409, %dma_start3A_410] : memref<50x4x128x8x128xf32, #tpu.memory_space<hbm>> -> memref<1x1x1x8x128xf32, #tpu.memory_space<hbm>>
      %dma_start3A_412 = tpu.memref_squeeze %dma_start3A_411 : memref<1x1x1x8x128xf32, #tpu.memory_space<hbm>> -> memref<8x128xf32, #tpu.memory_space<hbm>>
      %dma_start3A_413 = arith.constant 16 : i32
      %dma_start3A_414 = arith.constant 0 : i32
      %dma_start3A_415 = tpu.memref_slice %arg7[%dma_start3A_399, %dma_start3A_413, %dma_start3A_414] : memref<2x32x513xf32, #tpu.memory_space<vmem>> -> memref<1x8x128xf32, #tpu.memory_space<vmem>>
      %dma_start3A_416 = tpu.memref_squeeze %dma_start3A_415 : memref<1x8x128xf32, #tpu.memory_space<vmem>> -> memref<8x128xf32, #tpu.memory_space<vmem>>
      tpu.enqueue_dma source(%dma_start3A_416 : memref<8x128xf32, #tpu.memory_space<vmem>>) target(%dma_start3A_412 : memref<8x128xf32, #tpu.memory_space<hbm>>) target_semaphore(%arg11 : memref<!tpu.dma_semaphore, #tpu.memory_space<semaphore_mem>>)
      %mul3A_417 = arith.constant 4 : i32
      %mul3A_418 = arith.muli %select_n3A_184, %mul3A_417 : i32
      %add3A_419 = arith.constant 1 : i32
      %add3A_420 = arith.addi %mul3A_418, %add3A_419 : i32
      %dma_start3A_421 = arith.constant 0 : i32
      %dma_start3A_422 = arith.constant 2 : i32
      %dma_start3A_423 = arith.constant 16 : i32
      %dma_start3A_424 = arith.constant 128 : i32
      %dma_start3A_425 = tpu.memref_slice %arg7[%dma_start3A_421, %dma_start3A_423, %dma_start3A_424] : memref<2x32x513xf32, #tpu.memory_space<vmem>> -> memref<1x8x128xf32, #tpu.memory_space<vmem>>
      %dma_start3A_426 = tpu.memref_squeeze %dma_start3A_425 : memref<1x8x128xf32, #tpu.memory_space<vmem>> -> memref<8x128xf32, #tpu.memory_space<vmem>>
      %dma_start3A_427 = arith.constant 0 : i32
      %dma_start3A_428 = arith.constant 0 : i32
      %dma_start3A_429 = tpu.memref_slice %arg4[%select_n3A_168, %dma_start3A_422, %add3A_420, %dma_start3A_427, %dma_start3A_428] : memref<50x4x128x8x128xf32, #tpu.memory_space<hbm>> -> memref<1x1x1x8x128xf32, #tpu.memory_space<hbm>>
      %dma_start3A_430 = tpu.memref_squeeze %dma_start3A_429 : memref<1x1x1x8x128xf32, #tpu.memory_space<hbm>> -> memref<8x128xf32, #tpu.memory_space<hbm>>
      %dma_start3A_431 = arith.constant 0 : i32
      %dma_start3A_432 = arith.constant 0 : i32
      %dma_start3A_433 = tpu.memref_slice %arg4[%select_n3A_168, %dma_start3A_422, %add3A_420, %dma_start3A_431, %dma_start3A_432] : memref<50x4x128x8x128xf32, #tpu.memory_space<hbm>> -> memref<1x1x1x8x128xf32, #tpu.memory_space<hbm>>
      %dma_start3A_434 = tpu.memref_squeeze %dma_start3A_433 : memref<1x1x1x8x128xf32, #tpu.memory_space<hbm>> -> memref<8x128xf32, #tpu.memory_space<hbm>>
      %dma_start3A_435 = arith.constant 16 : i32
      %dma_start3A_436 = arith.constant 128 : i32
      %dma_start3A_437 = tpu.memref_slice %arg7[%dma_start3A_421, %dma_start3A_435, %dma_start3A_436] : memref<2x32x513xf32, #tpu.memory_space<vmem>> -> memref<1x8x128xf32, #tpu.memory_space<vmem>>
      %dma_start3A_438 = tpu.memref_squeeze %dma_start3A_437 : memref<1x8x128xf32, #tpu.memory_space<vmem>> -> memref<8x128xf32, #tpu.memory_space<vmem>>
      tpu.enqueue_dma source(%dma_start3A_438 : memref<8x128xf32, #tpu.memory_space<vmem>>) target(%dma_start3A_434 : memref<8x128xf32, #tpu.memory_space<hbm>>) target_semaphore(%arg11 : memref<!tpu.dma_semaphore, #tpu.memory_space<semaphore_mem>>)
      %mul3A_439 = arith.constant 4 : i32
      %mul3A_440 = arith.muli %select_n3A_184, %mul3A_439 : i32
      %add3A_441 = arith.constant 2 : i32
      %add3A_442 = arith.addi %mul3A_440, %add3A_441 : i32
      %dma_start3A_443 = arith.constant 0 : i32
      %dma_start3A_444 = arith.constant 2 : i32
      %dma_start3A_445 = arith.constant 16 : i32
      %dma_start3A_446 = arith.constant 256 : i32
      %dma_start3A_447 = tpu.memref_slice %arg7[%dma_start3A_443, %dma_start3A_445, %dma_start3A_446] : memref<2x32x513xf32, #tpu.memory_space<vmem>> -> memref<1x8x128xf32, #tpu.memory_space<vmem>>
      %dma_start3A_448 = tpu.memref_squeeze %dma_start3A_447 : memref<1x8x128xf32, #tpu.memory_space<vmem>> -> memref<8x128xf32, #tpu.memory_space<vmem>>
      %dma_start3A_449 = arith.constant 0 : i32
      %dma_start3A_450 = arith.constant 0 : i32
      %dma_start3A_451 = tpu.memref_slice %arg4[%select_n3A_168, %dma_start3A_444, %add3A_442, %dma_start3A_449, %dma_start3A_450] : memref<50x4x128x8x128xf32, #tpu.memory_space<hbm>> -> memref<1x1x1x8x128xf32, #tpu.memory_space<hbm>>
      %dma_start3A_452 = tpu.memref_squeeze %dma_start3A_451 : memref<1x1x1x8x128xf32, #tpu.memory_space<hbm>> -> memref<8x128xf32, #tpu.memory_space<hbm>>
      %dma_start3A_453 = arith.constant 0 : i32
      %dma_start3A_454 = arith.constant 0 : i32
      %dma_start3A_455 = tpu.memref_slice %arg4[%select_n3A_168, %dma_start3A_444, %add3A_442, %dma_start3A_453, %dma_start3A_454] : memref<50x4x128x8x128xf32, #tpu.memory_space<hbm>> -> memref<1x1x1x8x128xf32, #tpu.memory_space<hbm>>
      %dma_start3A_456 = tpu.memref_squeeze %dma_start3A_455 : memref<1x1x1x8x128xf32, #tpu.memory_space<hbm>> -> memref<8x128xf32, #tpu.memory_space<hbm>>
      %dma_start3A_457 = arith.constant 16 : i32
      %dma_start3A_458 = arith.constant 256 : i32
      %dma_start3A_459 = tpu.memref_slice %arg7[%dma_start3A_443, %dma_start3A_457, %dma_start3A_458] : memref<2x32x513xf32, #tpu.memory_space<vmem>> -> memref<1x8x128xf32, #tpu.memory_space<vmem>>
      %dma_start3A_460 = tpu.memref_squeeze %dma_start3A_459 : memref<1x8x128xf32, #tpu.memory_space<vmem>> -> memref<8x128xf32, #tpu.memory_space<vmem>>
      tpu.enqueue_dma source(%dma_start3A_460 : memref<8x128xf32, #tpu.memory_space<vmem>>) target(%dma_start3A_456 : memref<8x128xf32, #tpu.memory_space<hbm>>) target_semaphore(%arg11 : memref<!tpu.dma_semaphore, #tpu.memory_space<semaphore_mem>>)
      %mul3A_461 = arith.constant 4 : i32
      %mul3A_462 = arith.muli %select_n3A_184, %mul3A_461 : i32
      %add3A_463 = arith.constant 3 : i32
      %add3A_464 = arith.addi %mul3A_462, %add3A_463 : i32
      %dma_start3A_465 = arith.constant 0 : i32
      %dma_start3A_466 = arith.constant 2 : i32
      %dma_start3A_467 = arith.constant 16 : i32
      %dma_start3A_468 = arith.constant 384 : i32
      %dma_start3A_469 = tpu.memref_slice %arg7[%dma_start3A_465, %dma_start3A_467, %dma_start3A_468] : memref<2x32x513xf32, #tpu.memory_space<vmem>> -> memref<1x8x128xf32, #tpu.memory_space<vmem>>
      %dma_start3A_470 = tpu.memref_squeeze %dma_start3A_469 : memref<1x8x128xf32, #tpu.memory_space<vmem>> -> memref<8x128xf32, #tpu.memory_space<vmem>>
      %dma_start3A_471 = arith.constant 0 : i32
      %dma_start3A_472 = arith.constant 0 : i32
      %dma_start3A_473 = tpu.memref_slice %arg4[%select_n3A_168, %dma_start3A_466, %add3A_464, %dma_start3A_471, %dma_start3A_472] : memref<50x4x128x8x128xf32, #tpu.memory_space<hbm>> -> memref<1x1x1x8x128xf32, #tpu.memory_space<hbm>>
      %dma_start3A_474 = tpu.memref_squeeze %dma_start3A_473 : memref<1x1x1x8x128xf32, #tpu.memory_space<hbm>> -> memref<8x128xf32, #tpu.memory_space<hbm>>
      %dma_start3A_475 = arith.constant 0 : i32
      %dma_start3A_476 = arith.constant 0 : i32
      %dma_start3A_477 = tpu.memref_slice %arg4[%select_n3A_168, %dma_start3A_466, %add3A_464, %dma_start3A_475, %dma_start3A_476] : memref<50x4x128x8x128xf32, #tpu.memory_space<hbm>> -> memref<1x1x1x8x128xf32, #tpu.memory_space<hbm>>
      %dma_start3A_478 = tpu.memref_squeeze %dma_start3A_477 : memref<1x1x1x8x128xf32, #tpu.memory_space<hbm>> -> memref<8x128xf32, #tpu.memory_space<hbm>>
      %dma_start3A_479 = arith.constant 16 : i32
      %dma_start3A_480 = arith.constant 384 : i32
      %dma_start3A_481 = tpu.memref_slice %arg7[%dma_start3A_465, %dma_start3A_479, %dma_start3A_480] : memref<2x32x513xf32, #tpu.memory_space<vmem>> -> memref<1x8x128xf32, #tpu.memory_space<vmem>>
      %dma_start3A_482 = tpu.memref_squeeze %dma_start3A_481 : memref<1x8x128xf32, #tpu.memory_space<vmem>> -> memref<8x128xf32, #tpu.memory_space<vmem>>
      tpu.enqueue_dma source(%dma_start3A_482 : memref<8x128xf32, #tpu.memory_space<vmem>>) target(%dma_start3A_478 : memref<8x128xf32, #tpu.memory_space<hbm>>) target_semaphore(%arg11 : memref<!tpu.dma_semaphore, #tpu.memory_space<semaphore_mem>>)
      %mul3A_483 = arith.constant 4 : i32
      %mul3A_484 = arith.muli %select_n3A_184, %mul3A_483 : i32
      %add3A_485 = arith.constant 0 : i32
      %add3A_486 = arith.addi %mul3A_484, %add3A_485 : i32
      %dma_start3A_487 = arith.constant 0 : i32
      %dma_start3A_488 = arith.constant 3 : i32
      %dma_start3A_489 = arith.constant 24 : i32
      %dma_start3A_490 = arith.constant 0 : i32
      %dma_start3A_491 = tpu.memref_slice %arg7[%dma_start3A_487, %dma_start3A_489, %dma_start3A_490] : memref<2x32x513xf32, #tpu.memory_space<vmem>> -> memref<1x8x128xf32, #tpu.memory_space<vmem>>
      %dma_start3A_492 = tpu.memref_squeeze %dma_start3A_491 : memref<1x8x128xf32, #tpu.memory_space<vmem>> -> memref<8x128xf32, #tpu.memory_space<vmem>>
      %dma_start3A_493 = arith.constant 0 : i32
      %dma_start3A_494 = arith.constant 0 : i32
      %dma_start3A_495 = tpu.memref_slice %arg4[%select_n3A_168, %dma_start3A_488, %add3A_486, %dma_start3A_493, %dma_start3A_494] : memref<50x4x128x8x128xf32, #tpu.memory_space<hbm>> -> memref<1x1x1x8x128xf32, #tpu.memory_space<hbm>>
      %dma_start3A_496 = tpu.memref_squeeze %dma_start3A_495 : memref<1x1x1x8x128xf32, #tpu.memory_space<hbm>> -> memref<8x128xf32, #tpu.memory_space<hbm>>
      %dma_start3A_497 = arith.constant 0 : i32
      %dma_start3A_498 = arith.constant 0 : i32
      %dma_start3A_499 = tpu.memref_slice %arg4[%select_n3A_168, %dma_start3A_488, %add3A_486, %dma_start3A_497, %dma_start3A_498] : memref<50x4x128x8x128xf32, #tpu.memory_space<hbm>> -> memref<1x1x1x8x128xf32, #tpu.memory_space<hbm>>
      %dma_start3A_500 = tpu.memref_squeeze %dma_start3A_499 : memref<1x1x1x8x128xf32, #tpu.memory_space<hbm>> -> memref<8x128xf32, #tpu.memory_space<hbm>>
      %dma_start3A_501 = arith.constant 24 : i32
      %dma_start3A_502 = arith.constant 0 : i32
      %dma_start3A_503 = tpu.memref_slice %arg7[%dma_start3A_487, %dma_start3A_501, %dma_start3A_502] : memref<2x32x513xf32, #tpu.memory_space<vmem>> -> memref<1x8x128xf32, #tpu.memory_space<vmem>>
      %dma_start3A_504 = tpu.memref_squeeze %dma_start3A_503 : memref<1x8x128xf32, #tpu.memory_space<vmem>> -> memref<8x128xf32, #tpu.memory_space<vmem>>
      tpu.enqueue_dma source(%dma_start3A_504 : memref<8x128xf32, #tpu.memory_space<vmem>>) target(%dma_start3A_500 : memref<8x128xf32, #tpu.memory_space<hbm>>) target_semaphore(%arg11 : memref<!tpu.dma_semaphore, #tpu.memory_space<semaphore_mem>>)
      %mul3A_505 = arith.constant 4 : i32
      %mul3A_506 = arith.muli %select_n3A_184, %mul3A_505 : i32
      %add3A_507 = arith.constant 1 : i32
      %add3A_508 = arith.addi %mul3A_506, %add3A_507 : i32
      %dma_start3A_509 = arith.constant 0 : i32
      %dma_start3A_510 = arith.constant 3 : i32
      %dma_start3A_511 = arith.constant 24 : i32
      %dma_start3A_512 = arith.constant 128 : i32
      %dma_start3A_513 = tpu.memref_slice %arg7[%dma_start3A_509, %dma_start3A_511, %dma_start3A_512] : memref<2x32x513xf32, #tpu.memory_space<vmem>> -> memref<1x8x128xf32, #tpu.memory_space<vmem>>
      %dma_start3A_514 = tpu.memref_squeeze %dma_start3A_513 : memref<1x8x128xf32, #tpu.memory_space<vmem>> -> memref<8x128xf32, #tpu.memory_space<vmem>>
      %dma_start3A_515 = arith.constant 0 : i32
      %dma_start3A_516 = arith.constant 0 : i32
      %dma_start3A_517 = tpu.memref_slice %arg4[%select_n3A_168, %dma_start3A_510, %add3A_508, %dma_start3A_515, %dma_start3A_516] : memref<50x4x128x8x128xf32, #tpu.memory_space<hbm>> -> memref<1x1x1x8x128xf32, #tpu.memory_space<hbm>>
      %dma_start3A_518 = tpu.memref_squeeze %dma_start3A_517 : memref<1x1x1x8x128xf32, #tpu.memory_space<hbm>> -> memref<8x128xf32, #tpu.memory_space<hbm>>
      %dma_start3A_519 = arith.constant 0 : i32
      %dma_start3A_520 = arith.constant 0 : i32
      %dma_start3A_521 = tpu.memref_slice %arg4[%select_n3A_168, %dma_start3A_510, %add3A_508, %dma_start3A_519, %dma_start3A_520] : memref<50x4x128x8x128xf32, #tpu.memory_space<hbm>> -> memref<1x1x1x8x128xf32, #tpu.memory_space<hbm>>
      %dma_start3A_522 = tpu.memref_squeeze %dma_start3A_521 : memref<1x1x1x8x128xf32, #tpu.memory_space<hbm>> -> memref<8x128xf32, #tpu.memory_space<hbm>>
      %dma_start3A_523 = arith.constant 24 : i32
      %dma_start3A_524 = arith.constant 128 : i32
      %dma_start3A_525 = tpu.memref_slice %arg7[%dma_start3A_509, %dma_start3A_523, %dma_start3A_524] : memref<2x32x513xf32, #tpu.memory_space<vmem>> -> memref<1x8x128xf32, #tpu.memory_space<vmem>>
      %dma_start3A_526 = tpu.memref_squeeze %dma_start3A_525 : memref<1x8x128xf32, #tpu.memory_space<vmem>> -> memref<8x128xf32, #tpu.memory_space<vmem>>
      tpu.enqueue_dma source(%dma_start3A_526 : memref<8x128xf32, #tpu.memory_space<vmem>>) target(%dma_start3A_522 : memref<8x128xf32, #tpu.memory_space<hbm>>) target_semaphore(%arg11 : memref<!tpu.dma_semaphore, #tpu.memory_space<semaphore_mem>>)
      %mul3A_527 = arith.constant 4 : i32
      %mul3A_528 = arith.muli %select_n3A_184, %mul3A_527 : i32
      %add3A_529 = arith.constant 2 : i32
      %add3A_530 = arith.addi %mul3A_528, %add3A_529 : i32
      %dma_start3A_531 = arith.constant 0 : i32
      %dma_start3A_532 = arith.constant 3 : i32
      %dma_start3A_533 = arith.constant 24 : i32
      %dma_start3A_534 = arith.constant 256 : i32
      %dma_start3A_535 = tpu.memref_slice %arg7[%dma_start3A_531, %dma_start3A_533, %dma_start3A_534] : memref<2x32x513xf32, #tpu.memory_space<vmem>> -> memref<1x8x128xf32, #tpu.memory_space<vmem>>
      %dma_start3A_536 = tpu.memref_squeeze %dma_start3A_535 : memref<1x8x128xf32, #tpu.memory_space<vmem>> -> memref<8x128xf32, #tpu.memory_space<vmem>>
      %dma_start3A_537 = arith.constant 0 : i32
      %dma_start3A_538 = arith.constant 0 : i32
      %dma_start3A_539 = tpu.memref_slice %arg4[%select_n3A_168, %dma_start3A_532, %add3A_530, %dma_start3A_537, %dma_start3A_538] : memref<50x4x128x8x128xf32, #tpu.memory_space<hbm>> -> memref<1x1x1x8x128xf32, #tpu.memory_space<hbm>>
      %dma_start3A_540 = tpu.memref_squeeze %dma_start3A_539 : memref<1x1x1x8x128xf32, #tpu.memory_space<hbm>> -> memref<8x128xf32, #tpu.memory_space<hbm>>
      %dma_start3A_541 = arith.constant 0 : i32
      %dma_start3A_542 = arith.constant 0 : i32
      %dma_start3A_543 = tpu.memref_slice %arg4[%select_n3A_168, %dma_start3A_532, %add3A_530, %dma_start3A_541, %dma_start3A_542] : memref<50x4x128x8x128xf32, #tpu.memory_space<hbm>> -> memref<1x1x1x8x128xf32, #tpu.memory_space<hbm>>
      %dma_start3A_544 = tpu.memref_squeeze %dma_start3A_543 : memref<1x1x1x8x128xf32, #tpu.memory_space<hbm>> -> memref<8x128xf32, #tpu.memory_space<hbm>>
      %dma_start3A_545 = arith.constant 24 : i32
      %dma_start3A_546 = arith.constant 256 : i32
      %dma_start3A_547 = tpu.memref_slice %arg7[%dma_start3A_531, %dma_start3A_545, %dma_start3A_546] : memref<2x32x513xf32, #tpu.memory_space<vmem>> -> memref<1x8x128xf32, #tpu.memory_space<vmem>>
      %dma_start3A_548 = tpu.memref_squeeze %dma_start3A_547 : memref<1x8x128xf32, #tpu.memory_space<vmem>> -> memref<8x128xf32, #tpu.memory_space<vmem>>
      tpu.enqueue_dma source(%dma_start3A_548 : memref<8x128xf32, #tpu.memory_space<vmem>>) target(%dma_start3A_544 : memref<8x128xf32, #tpu.memory_space<hbm>>) target_semaphore(%arg11 : memref<!tpu.dma_semaphore, #tpu.memory_space<semaphore_mem>>)
      %mul3A_549 = arith.constant 4 : i32
      %mul3A_550 = arith.muli %select_n3A_184, %mul3A_549 : i32
      %add3A_551 = arith.constant 3 : i32
      %add3A_552 = arith.addi %mul3A_550, %add3A_551 : i32
      %dma_start3A_553 = arith.constant 0 : i32
      %dma_start3A_554 = arith.constant 3 : i32
      %dma_start3A_555 = arith.constant 24 : i32
      %dma_start3A_556 = arith.constant 384 : i32
      %dma_start3A_557 = tpu.memref_slice %arg7[%dma_start3A_553, %dma_start3A_555, %dma_start3A_556] : memref<2x32x513xf32, #tpu.memory_space<vmem>> -> memref<1x8x128xf32, #tpu.memory_space<vmem>>
      %dma_start3A_558 = tpu.memref_squeeze %dma_start3A_557 : memref<1x8x128xf32, #tpu.memory_space<vmem>> -> memref<8x128xf32, #tpu.memory_space<vmem>>
      %dma_start3A_559 = arith.constant 0 : i32
      %dma_start3A_560 = arith.constant 0 : i32
      %dma_start3A_561 = tpu.memref_slice %arg4[%select_n3A_168, %dma_start3A_554, %add3A_552, %dma_start3A_559, %dma_start3A_560] : memref<50x4x128x8x128xf32, #tpu.memory_space<hbm>> -> memref<1x1x1x8x128xf32, #tpu.memory_space<hbm>>
      %dma_start3A_562 = tpu.memref_squeeze %dma_start3A_561 : memref<1x1x1x8x128xf32, #tpu.memory_space<hbm>> -> memref<8x128xf32, #tpu.memory_space<hbm>>
      %dma_start3A_563 = arith.constant 0 : i32
      %dma_start3A_564 = arith.constant 0 : i32
      %dma_start3A_565 = tpu.memref_slice %arg4[%select_n3A_168, %dma_start3A_554, %add3A_552, %dma_start3A_563, %dma_start3A_564] : memref<50x4x128x8x128xf32, #tpu.memory_space<hbm>> -> memref<1x1x1x8x128xf32, #tpu.memory_space<hbm>>
      %dma_start3A_566 = tpu.memref_squeeze %dma_start3A_565 : memref<1x1x1x8x128xf32, #tpu.memory_space<hbm>> -> memref<8x128xf32, #tpu.memory_space<hbm>>
      %dma_start3A_567 = arith.constant 24 : i32
      %dma_start3A_568 = arith.constant 384 : i32
      %dma_start3A_569 = tpu.memref_slice %arg7[%dma_start3A_553, %dma_start3A_567, %dma_start3A_568] : memref<2x32x513xf32, #tpu.memory_space<vmem>> -> memref<1x8x128xf32, #tpu.memory_space<vmem>>
      %dma_start3A_570 = tpu.memref_squeeze %dma_start3A_569 : memref<1x8x128xf32, #tpu.memory_space<vmem>> -> memref<8x128xf32, #tpu.memory_space<vmem>>
      tpu.enqueue_dma source(%dma_start3A_570 : memref<8x128xf32, #tpu.memory_space<vmem>>) target(%dma_start3A_566 : memref<8x128xf32, #tpu.memory_space<hbm>>) target_semaphore(%arg11 : memref<!tpu.dma_semaphore, #tpu.memory_space<semaphore_mem>>)
      %lt3A_571 = arith.constant 48 : i32
      %lt3A_572 = arith.cmpi slt, %mul3A_143, %lt3A_571 : i32
      %convert_element_type3A_573 = arith.extui %lt3A_572 : i1 to i32
      %cond3A_574 = arith.constant 0 : i32
      %cond3A_575 = arith.cmpi ne, %convert_element_type3A_573, %cond3A_574 : i32
      scf.if %cond3A_575 {
        %add3A_1015 = arith.constant 2 : i32
        %add3A_1016 = arith.addi %mul3A_143, %add3A_1015 : i32
        %add3A_1017 = arith.addi %mul3A_2, %add3A_1016 : i32
        %jit3A_1018 = arith.constant 32 : i32
        %div3A_1019 = arith.divsi %add3A_1017, %jit3A_1018 : i32
        %sign3A_1020 = arith.constant 0 : i32
        %sign3A_1021 = arith.cmpi sgt, %add3A_1017, %sign3A_1020 : i32
        %sign3A_1022 = arith.extui %sign3A_1021 : i1 to i32
        %sign3A_1023 = arith.constant 0 : i32
        %sign3A_1024 = arith.cmpi slt, %add3A_1017, %sign3A_1023 : i32
        %sign3A_1025 = arith.extui %sign3A_1024 : i1 to i32
        %sign3A_1026 = arith.subi %sign3A_1022, %sign3A_1025 : i32
        %sign3A_1027 = arith.constant 0 : i32
        %sign3A_1028 = arith.cmpi sgt, %jit3A_1018, %sign3A_1027 : i32
        %sign3A_1029 = arith.extui %sign3A_1028 : i1 to i32
        %sign3A_1030 = arith.constant 0 : i32
        %sign3A_1031 = arith.cmpi slt, %jit3A_1018, %sign3A_1030 : i32
        %sign3A_1032 = arith.extui %sign3A_1031 : i1 to i32
        %sign3A_1033 = arith.subi %sign3A_1029, %sign3A_1032 : i32
        %ne3A_1034 = arith.cmpi ne, %sign3A_1026, %sign3A_1033 : i32
        %rem3A_1035 = arith.remsi %add3A_1017, %jit3A_1018 : i32
        %ne3A_1036 = arith.constant 0 : i32
        %ne3A_1037 = arith.cmpi ne, %rem3A_1035, %ne3A_1036 : i32
        %and3A_1038 = arith.andi %ne3A_1034, %ne3A_1037 : i1
        %sub3A_1039 = arith.constant 1 : i32
        %sub3A_1040 = arith.subi %div3A_1019, %sub3A_1039 : i32
        %select_n3A_1041 = arith.select %and3A_1038, %sub3A_1040, %div3A_1019 : i32
        %jit3A_1042 = arith.constant 32 : i32
        %eq3A_1043 = arith.constant 0 : i32
        %eq3A_1044 = arith.cmpi eq, %jit3A_1042, %eq3A_1043 : i32
        %jit3A_1045 = arith.constant 1 : i32
        %select_n3A_1046 = arith.select %eq3A_1044, %jit3A_1045, %jit3A_1042 : i32
        %rem3A_1047 = arith.remsi %add3A_1017, %select_n3A_1046 : i32
        %ne3A_1048 = arith.constant 0 : i32
        %ne3A_1049 = arith.cmpi ne, %rem3A_1047, %ne3A_1048 : i32
        %lt3A_1050 = arith.constant 0 : i32
        %lt3A_1051 = arith.cmpi slt, %rem3A_1047, %lt3A_1050 : i32
        %lt3A_1052 = arith.constant 0 : i32
        %lt3A_1053 = arith.cmpi slt, %select_n3A_1046, %lt3A_1052 : i32
        %ne3A_1054 = arith.xori %lt3A_1051, %lt3A_1053 : i1
        %and3A_1055 = arith.andi %ne3A_1054, %ne3A_1049 : i1
        %add3A_1056 = arith.addi %rem3A_1047, %select_n3A_1046 : i32
        %select_n3A_1057 = arith.select %and3A_1055, %add3A_1056, %rem3A_1047 : i32
        %mul3A_1058 = arith.constant 512 : i32
        %mul3A_1059 = arith.muli %select_n3A_1057, %mul3A_1058 : i32
        %dma_start3A_1060 = arith.constant 0 : i32
        %dma_start3A_1061 = arith.constant 0 : i32
        %dma_start3A_1062 = tpu.memref_slice %arg5[%dma_start3A_1060, %dma_start3A_1061] : memref<2x512xi32, #tpu.memory_space<vmem>> -> memref<1x512xi32, #tpu.memory_space<vmem>>
        %dma_start3A_1063 = tpu.memref_squeeze %dma_start3A_1062 : memref<1x512xi32, #tpu.memory_space<vmem>> -> memref<512xi32, #tpu.memory_space<vmem>>
        %dma_start3A_1064 = tpu.memref_slice %arg2[%select_n3A_1041, %mul3A_1059] : memref<50x16384xi32, #tpu.memory_space<hbm>> -> memref<1x512xi32, #tpu.memory_space<hbm>>
        %dma_start3A_1065 = tpu.memref_squeeze %dma_start3A_1064 : memref<1x512xi32, #tpu.memory_space<hbm>> -> memref<512xi32, #tpu.memory_space<hbm>>
        %dma_start3A_1066 = arith.constant 0 : i32
        %dma_start3A_1067 = tpu.memref_slice %arg5[%dma_start3A_1060, %dma_start3A_1066] : memref<2x512xi32, #tpu.memory_space<vmem>> -> memref<1x512xi32, #tpu.memory_space<vmem>>
        %dma_start3A_1068 = tpu.memref_squeeze %dma_start3A_1067 : memref<1x512xi32, #tpu.memory_space<vmem>> -> memref<512xi32, #tpu.memory_space<vmem>>
        %dma_start3A_1069 = tpu.memref_slice %arg2[%select_n3A_1041, %mul3A_1059] : memref<50x16384xi32, #tpu.memory_space<hbm>> -> memref<1x512xi32, #tpu.memory_space<hbm>>
        %dma_start3A_1070 = tpu.memref_squeeze %dma_start3A_1069 : memref<1x512xi32, #tpu.memory_space<hbm>> -> memref<512xi32, #tpu.memory_space<hbm>>
        tpu.enqueue_dma source(%dma_start3A_1070 : memref<512xi32, #tpu.memory_space<hbm>>) target(%dma_start3A_1068 : memref<512xi32, #tpu.memory_space<vmem>>) target_semaphore(%arg8 : memref<!tpu.dma_semaphore, #tpu.memory_space<semaphore_mem>>)
      } else {
      }
      %mul3A_576 = arith.constant 2 : i32
      %mul3A_577 = arith.muli %mul3A_576, %scan3A_141 : i32
      %add3A_578 = arith.constant 1 : i32
      %add3A_579 = arith.addi %mul3A_577, %add3A_578 : i32
      %add3A_580 = arith.addi %mul3A_2, %add3A_579 : i32
      %jit3A_581 = arith.constant 32 : i32
      %div3A_582 = arith.divsi %add3A_580, %jit3A_581 : i32
      %sign3A_583 = arith.constant 0 : i32
      %sign3A_584 = arith.cmpi sgt, %add3A_580, %sign3A_583 : i32
      %sign3A_585 = arith.extui %sign3A_584 : i1 to i32
      %sign3A_586 = arith.constant 0 : i32
      %sign3A_587 = arith.cmpi slt, %add3A_580, %sign3A_586 : i32
      %sign3A_588 = arith.extui %sign3A_587 : i1 to i32
      %sign3A_589 = arith.subi %sign3A_585, %sign3A_588 : i32
      %sign3A_590 = arith.constant 0 : i32
      %sign3A_591 = arith.cmpi sgt, %jit3A_581, %sign3A_590 : i32
      %sign3A_592 = arith.extui %sign3A_591 : i1 to i32
      %sign3A_593 = arith.constant 0 : i32
      %sign3A_594 = arith.cmpi slt, %jit3A_581, %sign3A_593 : i32
      %sign3A_595 = arith.extui %sign3A_594 : i1 to i32
      %sign3A_596 = arith.subi %sign3A_592, %sign3A_595 : i32
      %ne3A_597 = arith.cmpi ne, %sign3A_589, %sign3A_596 : i32
      %rem3A_598 = arith.remsi %add3A_580, %jit3A_581 : i32
      %ne3A_599 = arith.constant 0 : i32
      %ne3A_600 = arith.cmpi ne, %rem3A_598, %ne3A_599 : i32
      %and3A_601 = arith.andi %ne3A_597, %ne3A_600 : i1
      %sub3A_602 = arith.constant 1 : i32
      %sub3A_603 = arith.subi %div3A_582, %sub3A_602 : i32
      %select_n3A_604 = arith.select %and3A_601, %sub3A_603, %div3A_582 : i32
      %jit3A_605 = arith.constant 32 : i32
      %eq3A_606 = arith.constant 0 : i32
      %eq3A_607 = arith.cmpi eq, %jit3A_605, %eq3A_606 : i32
      %jit3A_608 = arith.constant 1 : i32
      %select_n3A_609 = arith.select %eq3A_607, %jit3A_608, %jit3A_605 : i32
      %rem3A_610 = arith.remsi %add3A_580, %select_n3A_609 : i32
      %ne3A_611 = arith.constant 0 : i32
      %ne3A_612 = arith.cmpi ne, %rem3A_610, %ne3A_611 : i32
      %lt3A_613 = arith.constant 0 : i32
      %lt3A_614 = arith.cmpi slt, %rem3A_610, %lt3A_613 : i32
      %lt3A_615 = arith.constant 0 : i32
      %lt3A_616 = arith.cmpi slt, %select_n3A_609, %lt3A_615 : i32
      %ne3A_617 = arith.xori %lt3A_614, %lt3A_616 : i1
      %and3A_618 = arith.andi %ne3A_617, %ne3A_612 : i1
      %add3A_619 = arith.addi %rem3A_610, %select_n3A_609 : i32
      %select_n3A_620 = arith.select %and3A_618, %add3A_619, %rem3A_610 : i32
      %lt3A_621 = arith.constant 49 : i32
      %lt3A_622 = arith.cmpi slt, %add3A_579, %lt3A_621 : i32
      %convert_element_type3A_623 = arith.extui %lt3A_622 : i1 to i32
      %cond3A_624 = arith.constant 0 : i32
      %cond3A_625 = arith.cmpi ne, %convert_element_type3A_623, %cond3A_624 : i32
      scf.if %cond3A_625 {
        %dma_wait3A_1015 = arith.constant 0 : i32
        %dma_wait3A_1016 = arith.constant 0 : i32
        %dma_wait3A_1017 = arith.constant 0 : i32
        %dma_wait3A_1018 = tpu.memref_slice %arg5[%dma_wait3A_1016, %dma_wait3A_1017] : memref<2x512xi32, #tpu.memory_space<vmem>> -> memref<1x512xi32, #tpu.memory_space<vmem>>
        %dma_wait3A_1019 = tpu.memref_squeeze %dma_wait3A_1018 : memref<1x512xi32, #tpu.memory_space<vmem>> -> memref<512xi32, #tpu.memory_space<vmem>>
        %dma_wait3A_1020 = arith.constant 0 : i32
        %dma_wait3A_1021 = tpu.memref_slice %arg2[%dma_wait3A_1015, %dma_wait3A_1020] : memref<50x16384xi32, #tpu.memory_space<hbm>> -> memref<1x512xi32, #tpu.memory_space<hbm>>
        %dma_wait3A_1022 = tpu.memref_squeeze %dma_wait3A_1021 : memref<1x512xi32, #tpu.memory_space<hbm>> -> memref<512xi32, #tpu.memory_space<hbm>>
        %dma_wait3A_1023 = arith.constant 0 : i32
        %dma_wait3A_1024 = tpu.memref_slice %arg5[%dma_wait3A_1016, %dma_wait3A_1023] : memref<2x512xi32, #tpu.memory_space<vmem>> -> memref<1x512xi32, #tpu.memory_space<vmem>>
        %dma_wait3A_1025 = tpu.memref_squeeze %dma_wait3A_1024 : memref<1x512xi32, #tpu.memory_space<vmem>> -> memref<512xi32, #tpu.memory_space<vmem>>
        %dma_wait3A_1026 = arith.constant 0 : i32
        %dma_wait3A_1027 = tpu.memref_slice %arg2[%dma_wait3A_1015, %dma_wait3A_1026] : memref<50x16384xi32, #tpu.memory_space<hbm>> -> memref<1x512xi32, #tpu.memory_space<hbm>>
        %dma_wait3A_1028 = tpu.memref_squeeze %dma_wait3A_1027 : memref<1x512xi32, #tpu.memory_space<hbm>> -> memref<512xi32, #tpu.memory_space<hbm>>
        tpu.wait_dma2 semaphore(%arg8 : memref<!tpu.dma_semaphore, #tpu.memory_space<semaphore_mem>>) src(%dma_wait3A_1028 : memref<512xi32, #tpu.memory_space<hbm>>) dst(%dma_wait3A_1025 : memref<512xi32, #tpu.memory_space<vmem>>)
        %scan3A_1029 = arith.constant 0 : i32
        %scan3A_1030 = arith.constant 0 : i32
        %scan3A_1031 = arith.constant 32 : i32
        %scan3A_1032 = arith.addi %scan3A_1030, %scan3A_1031 : i32
        %scan3A_1033 = arith.constant 1 : i32
        scf.for %scan3A_1047 = %scan3A_1030 to %scan3A_1032 step %scan3A_1033  : i32 {
          %mul3A_1048 = arith.constant 16 : i32
          %mul3A_1049 = arith.muli %scan3A_1047, %mul3A_1048 : i32
          %get3A = arith.constant 0 : i32
          %get3A_1050 = arith.index_cast %get3A : i32 to index
          %get3A_1051 = arith.index_cast %mul3A_1049 : i32 to index
          %get3A_1052 = tpu.vector_load %arg5[%get3A_1050, %get3A_1051] {strides = array<i32>} : memref<2x512xi32, #tpu.memory_space<vmem>>, vector<16xi32>,
          %add3A_1053 = arith.constant 1 : i32
          %add3A_1054 = vector.broadcast %add3A_1053 : i32 to vector<16xi32>
          %add3A_1055 = arith.addi %get3A_1052, %add3A_1054 : vector<16xi32>
          %swap3A = arith.constant 0 : i32
          %swap3A_1056 = arith.index_cast %swap3A : i32 to index
          %swap3A_1057 = arith.index_cast %mul3A_1049 : i32 to index
          %swap3A_1058 = tpu.vector_load %arg5[%swap3A_1056, %swap3A_1057] {strides = array<i32>} : memref<2x512xi32, #tpu.memory_space<vmem>>, vector<16xi32>,
          tpu.vector_store %arg5[%swap3A_1056, %swap3A_1057], %add3A_1055 {strides = array<i32>} : memref<2x512xi32, #tpu.memory_space<vmem>>, vector<16xi32>,
        }
        %scan3A_1034 = arith.constant 32 : i32
        %dma_start3A_1035 = arith.constant 0 : i32
        %dma_start3A_1036 = arith.constant 0 : i32
        %dma_start3A_1037 = arith.constant 0 : i32
        %dma_start3A_1038 = arith.constant 0 : i32
        %dma_start3A_1039 = tpu.memref_slice %arg6[%dma_start3A_1036, %dma_start3A_1037, %dma_start3A_1038] : memref<2x512x32xf32, #tpu.memory_space<vmem>> -> memref<1x512x32xf32, #tpu.memory_space<vmem>>
        %dma_start3A_1040 = tpu.memref_squeeze %dma_start3A_1039 : memref<1x512x32xf32, #tpu.memory_space<vmem>> -> memref<512x32xf32, #tpu.memory_space<vmem>>
        %dma_start3A_1041 = arith.constant 0 : i32
        %dma_start3A_1042 = tpu.memref_slice %arg5[%dma_start3A_1035, %dma_start3A_1041] : memref<2x512xi32, #tpu.memory_space<vmem>> -> memref<1x512xi32, #tpu.memory_space<vmem>>
        %dma_start3A_1043 = tpu.memref_squeeze %dma_start3A_1042 : memref<1x512xi32, #tpu.memory_space<vmem>> -> memref<512xi32, #tpu.memory_space<vmem>>
        %dma_start3A_1044 = arith.constant 0 : i32
        %dma_start3A_1045 = arith.constant 0 : i32
        %dma_start3A_1046 = tpu.memref_slice %arg3[%dma_start3A_1044, %dma_start3A_1045] : memref<1000001x32xf32, #tpu.memory_space<hbm>> -> memref<1000001x32xf32, #tpu.memory_space<hbm>>
        tpu.enqueue_indirect_dma source(%dma_start3A_1046 : memref<1000001x32xf32, #tpu.memory_space<hbm>>) target(%dma_start3A_1040 : memref<512x32xf32, #tpu.memory_space<vmem>>) offsets(%dma_start3A_1043 : memref<512xi32, #tpu.memory_space<vmem>>) semaphore(%arg9 : memref<!tpu.dma_semaphore, #tpu.memory_space<semaphore_mem>>)
      } else {
      }
      %dma_wait3A_626 = arith.constant 1 : i32
      %dma_wait3A_627 = arith.constant 0 : i32
      %dma_wait3A_628 = arith.constant 0 : i32
      %dma_wait3A_629 = tpu.memref_slice %arg6[%dma_wait3A_626, %dma_wait3A_627, %dma_wait3A_628] : memref<2x512x32xf32, #tpu.memory_space<vmem>> -> memref<1x512x32xf32, #tpu.memory_space<vmem>>
      %dma_wait3A_630 = tpu.memref_squeeze %dma_wait3A_629 : memref<1x512x32xf32, #tpu.memory_space<vmem>> -> memref<512x32xf32, #tpu.memory_space<vmem>>
      %dma_wait3A_631 = arith.constant 0 : i32
      %dma_wait3A_632 = arith.constant 0 : i32
      %dma_wait3A_633 = tpu.memref_slice %arg3[%dma_wait3A_631, %dma_wait3A_632] : memref<1000001x32xf32, #tpu.memory_space<hbm>> -> memref<512x32xf32, #tpu.memory_space<hbm>>
      %dma_wait3A_634 = arith.constant 0 : i32
      %dma_wait3A_635 = arith.constant 0 : i32
      %dma_wait3A_636 = tpu.memref_slice %arg6[%dma_wait3A_626, %dma_wait3A_634, %dma_wait3A_635] : memref<2x512x32xf32, #tpu.memory_space<vmem>> -> memref<1x512x32xf32, #tpu.memory_space<vmem>>
      %dma_wait3A_637 = tpu.memref_squeeze %dma_wait3A_636 : memref<1x512x32xf32, #tpu.memory_space<vmem>> -> memref<512x32xf32, #tpu.memory_space<vmem>>
      %dma_wait3A_638 = arith.constant 0 : i32
      %dma_wait3A_639 = arith.constant 0 : i32
      %dma_wait3A_640 = tpu.memref_slice %arg3[%dma_wait3A_638, %dma_wait3A_639] : memref<1000001x32xf32, #tpu.memory_space<hbm>> -> memref<512x32xf32, #tpu.memory_space<hbm>>
      tpu.wait_dma2 semaphore(%arg10 : memref<!tpu.dma_semaphore, #tpu.memory_space<semaphore_mem>>) src(%dma_wait3A_640 : memref<512x32xf32, #tpu.memory_space<hbm>>) dst(%dma_wait3A_637 : memref<512x32xf32, #tpu.memory_space<vmem>>)
      %ge3A_641 = arith.constant 2 : i32
      %ge3A_642 = arith.cmpi sge, %add3A_579, %ge3A_641 : i32
      %convert_element_type3A_643 = arith.extui %ge3A_642 : i1 to i32
      %cond3A_644 = arith.constant 0 : i32
      %cond3A_645 = arith.cmpi ne, %convert_element_type3A_643, %cond3A_644 : i32
      scf.if %cond3A_645 {
        %scan3A_1015 = arith.constant 0 : i32
        %scan3A_1016 = arith.constant 0 : i32
        %scan3A_1017 = arith.constant 16 : i32
        %scan3A_1018 = arith.addi %scan3A_1016, %scan3A_1017 : i32
        %scan3A_1019 = arith.constant 1 : i32
        scf.for %scan3A_1021 = %scan3A_1016 to %scan3A_1018 step %scan3A_1019  : i32 {
          %dma_wait3A_1022 = arith.constant 0 : i32
          %dma_wait3A_1023 = arith.constant 0 : i32
          %dma_wait3A_1024 = arith.constant 0 : i32
          %dma_wait3A_1025 = arith.constant 1 : i32
          %dma_wait3A_1026 = arith.constant 0 : i32
          %dma_wait3A_1027 = arith.constant 0 : i32
          %dma_wait3A_1028 = tpu.memref_slice %arg7[%dma_wait3A_1025, %dma_wait3A_1026, %dma_wait3A_1027] : memref<2x32x513xf32, #tpu.memory_space<vmem>> -> memref<1x8x128xf32, #tpu.memory_space<vmem>>
          %dma_wait3A_1029 = tpu.memref_squeeze %dma_wait3A_1028 : memref<1x8x128xf32, #tpu.memory_space<vmem>> -> memref<8x128xf32, #tpu.memory_space<vmem>>
          %dma_wait3A_1030 = arith.constant 0 : i32
          %dma_wait3A_1031 = arith.constant 0 : i32
          %dma_wait3A_1032 = tpu.memref_slice %arg4[%dma_wait3A_1022, %dma_wait3A_1023, %dma_wait3A_1024, %dma_wait3A_1030, %dma_wait3A_1031] : memref<50x4x128x8x128xf32, #tpu.memory_space<hbm>> -> memref<1x1x1x8x128xf32, #tpu.memory_space<hbm>>
          %dma_wait3A_1033 = tpu.memref_squeeze %dma_wait3A_1032 : memref<1x1x1x8x128xf32, #tpu.memory_space<hbm>> -> memref<8x128xf32, #tpu.memory_space<hbm>>
          %dma_wait3A_1034 = arith.constant 0 : i32
          %dma_wait3A_1035 = arith.constant 0 : i32
          %dma_wait3A_1036 = tpu.memref_slice %arg7[%dma_wait3A_1025, %dma_wait3A_1034, %dma_wait3A_1035] : memref<2x32x513xf32, #tpu.memory_space<vmem>> -> memref<1x8x128xf32, #tpu.memory_space<vmem>>
          %dma_wait3A_1037 = tpu.memref_squeeze %dma_wait3A_1036 : memref<1x8x128xf32, #tpu.memory_space<vmem>> -> memref<8x128xf32, #tpu.memory_space<vmem>>
          %dma_wait3A_1038 = arith.constant 0 : i32
          %dma_wait3A_1039 = arith.constant 0 : i32
          %dma_wait3A_1040 = tpu.memref_slice %arg4[%dma_wait3A_1022, %dma_wait3A_1023, %dma_wait3A_1024, %dma_wait3A_1038, %dma_wait3A_1039] : memref<50x4x128x8x128xf32, #tpu.memory_space<hbm>> -> memref<1x1x1x8x128xf32, #tpu.memory_space<hbm>>
          %dma_wait3A_1041 = tpu.memref_squeeze %dma_wait3A_1040 : memref<1x1x1x8x128xf32, #tpu.memory_space<hbm>> -> memref<8x128xf32, #tpu.memory_space<hbm>>
          tpu.wait_dma2 semaphore(%arg12 : memref<!tpu.dma_semaphore, #tpu.memory_space<semaphore_mem>>) src(%dma_wait3A_1041 : memref<8x128xf32, #tpu.memory_space<hbm>>) dst(%dma_wait3A_1037 : memref<8x128xf32, #tpu.memory_space<vmem>>)
        }
        %scan3A_1020 = arith.constant 16 : i32
      } else {
      }
      %scan3A_646 = arith.constant 0 : i32
      %scan3A_647 = arith.constant 0 : i32
      %scan3A_648 = arith.constant 128 : i32
      %scan3A_649 = arith.addi %scan3A_647, %scan3A_648 : i32
      %scan3A_650 = arith.constant 1 : i32
      scf.for %scan3A_1015 = %scan3A_647 to %scan3A_649 step %scan3A_650  : i32 {
        %mul3A_1016 = arith.constant 4 : i32
        %mul3A_1017 = arith.muli %mul3A_1016, %scan3A_1015 : i32
        %add3A_1018 = arith.constant 0 : i32
        %add3A_1019 = arith.addi %mul3A_1017, %add3A_1018 : i32
        %get3A = arith.constant 1 : i32
        %get3A_1020 = arith.index_cast %get3A : i32 to index
        %get3A_1021 = arith.index_cast %add3A_1019 : i32 to index
        %get3A_1022 = arith.constant 0 : index
        %get3A_1023 = tpu.vector_load %arg6[%get3A_1020, %get3A_1021, %get3A_1022] {strides = array<i32>} : memref<2x512x32xf32, #tpu.memory_space<vmem>>, vector<16xf32>,
        %add3A_1024 = arith.constant 0 : i32
        %add3A_1025 = vector.broadcast %add3A_1024 : i32 to vector<16xi32>
        %add3A_1026 = arith.addi %add3A_1025, %iota3A : vector<16xi32>
        %broadcast_in_dim3A = vector.broadcast %add3A_1019 : i32 to vector<16xi32>
        %scatter3A = arith.constant 1 : i32
        %scatter3A_1027 = arith.constant 0 : i32
        %scatter3A_1028 = arith.constant 0 : i32
        %scatter3A_1029 = tpu.memref_slice %arg7[%scatter3A, %scatter3A_1027, %scatter3A_1028] : memref<2x32x513xf32, #tpu.memory_space<vmem>> -> memref<1x32x513xf32, #tpu.memory_space<vmem>>
        %scatter3A_1030 = tpu.memref_squeeze %scatter3A_1029 : memref<1x32x513xf32, #tpu.memory_space<vmem>> -> memref<32x513xf32, #tpu.memory_space<vmem>>
        tpu.vector_store_idx %scatter3A_1030[%add3A_1026, %broadcast_in_dim3A], %get3A_1023 : memref<32x513xf32, #tpu.memory_space<vmem>>[vector<16xi32>, vector<16xi32>], vector<16xf32>,
        %mul3A_1031 = arith.constant 4 : i32
        %mul3A_1032 = arith.muli %mul3A_1031, %scan3A_1015 : i32
        %add3A_1033 = arith.constant 1 : i32
        %add3A_1034 = arith.addi %mul3A_1032, %add3A_1033 : i32
        %get3A_1035 = arith.constant 1 : i32
        %get3A_1036 = arith.index_cast %get3A_1035 : i32 to index
        %get3A_1037 = arith.index_cast %add3A_1034 : i32 to index
        %get3A_1038 = arith.constant 0 : index
        %get3A_1039 = tpu.vector_load %arg6[%get3A_1036, %get3A_1037, %get3A_1038] {strides = array<i32>} : memref<2x512x32xf32, #tpu.memory_space<vmem>>, vector<16xf32>,
        %add3A_1040 = arith.constant 0 : i32
        %add3A_1041 = vector.broadcast %add3A_1040 : i32 to vector<16xi32>
        %add3A_1042 = arith.addi %add3A_1041, %iota3A : vector<16xi32>
        %broadcast_in_dim3A_1043 = vector.broadcast %add3A_1034 : i32 to vector<16xi32>
        %scatter3A_1044 = arith.constant 1 : i32
        %scatter3A_1045 = arith.constant 0 : i32
        %scatter3A_1046 = arith.constant 0 : i32
        %scatter3A_1047 = tpu.memref_slice %arg7[%scatter3A_1044, %scatter3A_1045, %scatter3A_1046] : memref<2x32x513xf32, #tpu.memory_space<vmem>> -> memref<1x32x513xf32, #tpu.memory_space<vmem>>
        %scatter3A_1048 = tpu.memref_squeeze %scatter3A_1047 : memref<1x32x513xf32, #tpu.memory_space<vmem>> -> memref<32x513xf32, #tpu.memory_space<vmem>>
        tpu.vector_store_idx %scatter3A_1048[%add3A_1042, %broadcast_in_dim3A_1043], %get3A_1039 : memref<32x513xf32, #tpu.memory_space<vmem>>[vector<16xi32>, vector<16xi32>], vector<16xf32>,
        %mul3A_1049 = arith.constant 4 : i32
        %mul3A_1050 = arith.muli %mul3A_1049, %scan3A_1015 : i32
        %add3A_1051 = arith.constant 2 : i32
        %add3A_1052 = arith.addi %mul3A_1050, %add3A_1051 : i32
        %get3A_1053 = arith.constant 1 : i32
        %get3A_1054 = arith.index_cast %get3A_1053 : i32 to index
        %get3A_1055 = arith.index_cast %add3A_1052 : i32 to index
        %get3A_1056 = arith.constant 0 : index
        %get3A_1057 = tpu.vector_load %arg6[%get3A_1054, %get3A_1055, %get3A_1056] {strides = array<i32>} : memref<2x512x32xf32, #tpu.memory_space<vmem>>, vector<16xf32>,
        %add3A_1058 = arith.constant 0 : i32
        %add3A_1059 = vector.broadcast %add3A_1058 : i32 to vector<16xi32>
        %add3A_1060 = arith.addi %add3A_1059, %iota3A : vector<16xi32>
        %broadcast_in_dim3A_1061 = vector.broadcast %add3A_1052 : i32 to vector<16xi32>
        %scatter3A_1062 = arith.constant 1 : i32
        %scatter3A_1063 = arith.constant 0 : i32
        %scatter3A_1064 = arith.constant 0 : i32
        %scatter3A_1065 = tpu.memref_slice %arg7[%scatter3A_1062, %scatter3A_1063, %scatter3A_1064] : memref<2x32x513xf32, #tpu.memory_space<vmem>> -> memref<1x32x513xf32, #tpu.memory_space<vmem>>
        %scatter3A_1066 = tpu.memref_squeeze %scatter3A_1065 : memref<1x32x513xf32, #tpu.memory_space<vmem>> -> memref<32x513xf32, #tpu.memory_space<vmem>>
        tpu.vector_store_idx %scatter3A_1066[%add3A_1060, %broadcast_in_dim3A_1061], %get3A_1057 : memref<32x513xf32, #tpu.memory_space<vmem>>[vector<16xi32>, vector<16xi32>], vector<16xf32>,
        %mul3A_1067 = arith.constant 4 : i32
        %mul3A_1068 = arith.muli %mul3A_1067, %scan3A_1015 : i32
        %add3A_1069 = arith.constant 3 : i32
        %add3A_1070 = arith.addi %mul3A_1068, %add3A_1069 : i32
        %get3A_1071 = arith.constant 1 : i32
        %get3A_1072 = arith.index_cast %get3A_1071 : i32 to index
        %get3A_1073 = arith.index_cast %add3A_1070 : i32 to index
        %get3A_1074 = arith.constant 0 : index
        %get3A_1075 = tpu.vector_load %arg6[%get3A_1072, %get3A_1073, %get3A_1074] {strides = array<i32>} : memref<2x512x32xf32, #tpu.memory_space<vmem>>, vector<16xf32>,
        %add3A_1076 = arith.constant 0 : i32
        %add3A_1077 = vector.broadcast %add3A_1076 : i32 to vector<16xi32>
        %add3A_1078 = arith.addi %add3A_1077, %iota3A : vector<16xi32>
        %broadcast_in_dim3A_1079 = vector.broadcast %add3A_1070 : i32 to vector<16xi32>
        %scatter3A_1080 = arith.constant 1 : i32
        %scatter3A_1081 = arith.constant 0 : i32
        %scatter3A_1082 = arith.constant 0 : i32
        %scatter3A_1083 = tpu.memref_slice %arg7[%scatter3A_1080, %scatter3A_1081, %scatter3A_1082] : memref<2x32x513xf32, #tpu.memory_space<vmem>> -> memref<1x32x513xf32, #tpu.memory_space<vmem>>
        %scatter3A_1084 = tpu.memref_squeeze %scatter3A_1083 : memref<1x32x513xf32, #tpu.memory_space<vmem>> -> memref<32x513xf32, #tpu.memory_space<vmem>>
        tpu.vector_store_idx %scatter3A_1084[%add3A_1078, %broadcast_in_dim3A_1079], %get3A_1075 : memref<32x513xf32, #tpu.memory_space<vmem>>[vector<16xi32>, vector<16xi32>], vector<16xf32>,
      }
      %scan3A_651 = arith.constant 128 : i32
      %mul3A_652 = arith.constant 4 : i32
      %mul3A_653 = arith.muli %select_n3A_620, %mul3A_652 : i32
      %add3A_654 = arith.constant 0 : i32
      %add3A_655 = arith.addi %mul3A_653, %add3A_654 : i32
      %dma_start3A_656 = arith.constant 1 : i32
      %dma_start3A_657 = arith.constant 0 : i32
      %dma_start3A_658 = arith.constant 0 : i32
      %dma_start3A_659 = arith.constant 0 : i32
      %dma_start3A_660 = tpu.memref_slice %arg7[%dma_start3A_656, %dma_start3A_658, %dma_start3A_659] : memref<2x32x513xf32, #tpu.memory_space<vmem>> -> memref<1x8x128xf32, #tpu.memory_space<vmem>>
      %dma_start3A_661 = tpu.memref_squeeze %dma_start3A_660 : memref<1x8x128xf32, #tpu.memory_space<vmem>> -> memref<8x128xf32, #tpu.memory_space<vmem>>
      %dma_start3A_662 = arith.constant 0 : i32
      %dma_start3A_663 = arith.constant 0 : i32
      %dma_start3A_664 = tpu.memref_slice %arg4[%select_n3A_604, %dma_start3A_657, %add3A_655, %dma_start3A_662, %dma_start3A_663] : memref<50x4x128x8x128xf32, #tpu.memory_space<hbm>> -> memref<1x1x1x8x128xf32, #tpu.memory_space<hbm>>
      %dma_start3A_665 = tpu.memref_squeeze %dma_start3A_664 : memref<1x1x1x8x128xf32, #tpu.memory_space<hbm>> -> memref<8x128xf32, #tpu.memory_space<hbm>>
      %dma_start3A_666 = arith.constant 0 : i32
      %dma_start3A_667 = arith.constant 0 : i32
      %dma_start3A_668 = tpu.memref_slice %arg4[%select_n3A_604, %dma_start3A_657, %add3A_655, %dma_start3A_666, %dma_start3A_667] : memref<50x4x128x8x128xf32, #tpu.memory_space<hbm>> -> memref<1x1x1x8x128xf32, #tpu.memory_space<hbm>>
      %dma_start3A_669 = tpu.memref_squeeze %dma_start3A_668 : memref<1x1x1x8x128xf32, #tpu.memory_space<hbm>> -> memref<8x128xf32, #tpu.memory_space<hbm>>
      %dma_start3A_670 = arith.constant 0 : i32
      %dma_start3A_671 = arith.constant 0 : i32
      %dma_start3A_672 = tpu.memref_slice %arg7[%dma_start3A_656, %dma_start3A_670, %dma_start3A_671] : memref<2x32x513xf32, #tpu.memory_space<vmem>> -> memref<1x8x128xf32, #tpu.memory_space<vmem>>
      %dma_start3A_673 = tpu.memref_squeeze %dma_start3A_672 : memref<1x8x128xf32, #tpu.memory_space<vmem>> -> memref<8x128xf32, #tpu.memory_space<vmem>>
      tpu.enqueue_dma source(%dma_start3A_673 : memref<8x128xf32, #tpu.memory_space<vmem>>) target(%dma_start3A_669 : memref<8x128xf32, #tpu.memory_space<hbm>>) target_semaphore(%arg12 : memref<!tpu.dma_semaphore, #tpu.memory_space<semaphore_mem>>)
      %mul3A_674 = arith.constant 4 : i32
      %mul3A_675 = arith.muli %select_n3A_620, %mul3A_674 : i32
      %add3A_676 = arith.constant 1 : i32
      %add3A_677 = arith.addi %mul3A_675, %add3A_676 : i32
      %dma_start3A_678 = arith.constant 1 : i32
      %dma_start3A_679 = arith.constant 0 : i32
      %dma_start3A_680 = arith.constant 0 : i32
      %dma_start3A_681 = arith.constant 128 : i32
      %dma_start3A_682 = tpu.memref_slice %arg7[%dma_start3A_678, %dma_start3A_680, %dma_start3A_681] : memref<2x32x513xf32, #tpu.memory_space<vmem>> -> memref<1x8x128xf32, #tpu.memory_space<vmem>>
      %dma_start3A_683 = tpu.memref_squeeze %dma_start3A_682 : memref<1x8x128xf32, #tpu.memory_space<vmem>> -> memref<8x128xf32, #tpu.memory_space<vmem>>
      %dma_start3A_684 = arith.constant 0 : i32
      %dma_start3A_685 = arith.constant 0 : i32
      %dma_start3A_686 = tpu.memref_slice %arg4[%select_n3A_604, %dma_start3A_679, %add3A_677, %dma_start3A_684, %dma_start3A_685] : memref<50x4x128x8x128xf32, #tpu.memory_space<hbm>> -> memref<1x1x1x8x128xf32, #tpu.memory_space<hbm>>
      %dma_start3A_687 = tpu.memref_squeeze %dma_start3A_686 : memref<1x1x1x8x128xf32, #tpu.memory_space<hbm>> -> memref<8x128xf32, #tpu.memory_space<hbm>>
      %dma_start3A_688 = arith.constant 0 : i32
      %dma_start3A_689 = arith.constant 0 : i32
      %dma_start3A_690 = tpu.memref_slice %arg4[%select_n3A_604, %dma_start3A_679, %add3A_677, %dma_start3A_688, %dma_start3A_689] : memref<50x4x128x8x128xf32, #tpu.memory_space<hbm>> -> memref<1x1x1x8x128xf32, #tpu.memory_space<hbm>>
      %dma_start3A_691 = tpu.memref_squeeze %dma_start3A_690 : memref<1x1x1x8x128xf32, #tpu.memory_space<hbm>> -> memref<8x128xf32, #tpu.memory_space<hbm>>
      %dma_start3A_692 = arith.constant 0 : i32
      %dma_start3A_693 = arith.constant 128 : i32
      %dma_start3A_694 = tpu.memref_slice %arg7[%dma_start3A_678, %dma_start3A_692, %dma_start3A_693] : memref<2x32x513xf32, #tpu.memory_space<vmem>> -> memref<1x8x128xf32, #tpu.memory_space<vmem>>
      %dma_start3A_695 = tpu.memref_squeeze %dma_start3A_694 : memref<1x8x128xf32, #tpu.memory_space<vmem>> -> memref<8x128xf32, #tpu.memory_space<vmem>>
      tpu.enqueue_dma source(%dma_start3A_695 : memref<8x128xf32, #tpu.memory_space<vmem>>) target(%dma_start3A_691 : memref<8x128xf32, #tpu.memory_space<hbm>>) target_semaphore(%arg12 : memref<!tpu.dma_semaphore, #tpu.memory_space<semaphore_mem>>)
      %mul3A_696 = arith.constant 4 : i32
      %mul3A_697 = arith.muli %select_n3A_620, %mul3A_696 : i32
      %add3A_698 = arith.constant 2 : i32
      %add3A_699 = arith.addi %mul3A_697, %add3A_698 : i32
      %dma_start3A_700 = arith.constant 1 : i32
      %dma_start3A_701 = arith.constant 0 : i32
      %dma_start3A_702 = arith.constant 0 : i32
      %dma_start3A_703 = arith.constant 256 : i32
      %dma_start3A_704 = tpu.memref_slice %arg7[%dma_start3A_700, %dma_start3A_702, %dma_start3A_703] : memref<2x32x513xf32, #tpu.memory_space<vmem>> -> memref<1x8x128xf32, #tpu.memory_space<vmem>>
      %dma_start3A_705 = tpu.memref_squeeze %dma_start3A_704 : memref<1x8x128xf32, #tpu.memory_space<vmem>> -> memref<8x128xf32, #tpu.memory_space<vmem>>
      %dma_start3A_706 = arith.constant 0 : i32
      %dma_start3A_707 = arith.constant 0 : i32
      %dma_start3A_708 = tpu.memref_slice %arg4[%select_n3A_604, %dma_start3A_701, %add3A_699, %dma_start3A_706, %dma_start3A_707] : memref<50x4x128x8x128xf32, #tpu.memory_space<hbm>> -> memref<1x1x1x8x128xf32, #tpu.memory_space<hbm>>
      %dma_start3A_709 = tpu.memref_squeeze %dma_start3A_708 : memref<1x1x1x8x128xf32, #tpu.memory_space<hbm>> -> memref<8x128xf32, #tpu.memory_space<hbm>>
      %dma_start3A_710 = arith.constant 0 : i32
      %dma_start3A_711 = arith.constant 0 : i32
      %dma_start3A_712 = tpu.memref_slice %arg4[%select_n3A_604, %dma_start3A_701, %add3A_699, %dma_start3A_710, %dma_start3A_711] : memref<50x4x128x8x128xf32, #tpu.memory_space<hbm>> -> memref<1x1x1x8x128xf32, #tpu.memory_space<hbm>>
      %dma_start3A_713 = tpu.memref_squeeze %dma_start3A_712 : memref<1x1x1x8x128xf32, #tpu.memory_space<hbm>> -> memref<8x128xf32, #tpu.memory_space<hbm>>
      %dma_start3A_714 = arith.constant 0 : i32
      %dma_start3A_715 = arith.constant 256 : i32
      %dma_start3A_716 = tpu.memref_slice %arg7[%dma_start3A_700, %dma_start3A_714, %dma_start3A_715] : memref<2x32x513xf32, #tpu.memory_space<vmem>> -> memref<1x8x128xf32, #tpu.memory_space<vmem>>
      %dma_start3A_717 = tpu.memref_squeeze %dma_start3A_716 : memref<1x8x128xf32, #tpu.memory_space<vmem>> -> memref<8x128xf32, #tpu.memory_space<vmem>>
      tpu.enqueue_dma source(%dma_start3A_717 : memref<8x128xf32, #tpu.memory_space<vmem>>) target(%dma_start3A_713 : memref<8x128xf32, #tpu.memory_space<hbm>>) target_semaphore(%arg12 : memref<!tpu.dma_semaphore, #tpu.memory_space<semaphore_mem>>)
      %mul3A_718 = arith.constant 4 : i32
      %mul3A_719 = arith.muli %select_n3A_620, %mul3A_718 : i32
      %add3A_720 = arith.constant 3 : i32
      %add3A_721 = arith.addi %mul3A_719, %add3A_720 : i32
      %dma_start3A_722 = arith.constant 1 : i32
      %dma_start3A_723 = arith.constant 0 : i32
      %dma_start3A_724 = arith.constant 0 : i32
      %dma_start3A_725 = arith.constant 384 : i32
      %dma_start3A_726 = tpu.memref_slice %arg7[%dma_start3A_722, %dma_start3A_724, %dma_start3A_725] : memref<2x32x513xf32, #tpu.memory_space<vmem>> -> memref<1x8x128xf32, #tpu.memory_space<vmem>>
      %dma_start3A_727 = tpu.memref_squeeze %dma_start3A_726 : memref<1x8x128xf32, #tpu.memory_space<vmem>> -> memref<8x128xf32, #tpu.memory_space<vmem>>
      %dma_start3A_728 = arith.constant 0 : i32
      %dma_start3A_729 = arith.constant 0 : i32
      %dma_start3A_730 = tpu.memref_slice %arg4[%select_n3A_604, %dma_start3A_723, %add3A_721, %dma_start3A_728, %dma_start3A_729] : memref<50x4x128x8x128xf32, #tpu.memory_space<hbm>> -> memref<1x1x1x8x128xf32, #tpu.memory_space<hbm>>
      %dma_start3A_731 = tpu.memref_squeeze %dma_start3A_730 : memref<1x1x1x8x128xf32, #tpu.memory_space<hbm>> -> memref<8x128xf32, #tpu.memory_space<hbm>>
      %dma_start3A_732 = arith.constant 0 : i32
      %dma_start3A_733 = arith.constant 0 : i32
      %dma_start3A_734 = tpu.memref_slice %arg4[%select_n3A_604, %dma_start3A_723, %add3A_721, %dma_start3A_732, %dma_start3A_733] : memref<50x4x128x8x128xf32, #tpu.memory_space<hbm>> -> memref<1x1x1x8x128xf32, #tpu.memory_space<hbm>>
      %dma_start3A_735 = tpu.memref_squeeze %dma_start3A_734 : memref<1x1x1x8x128xf32, #tpu.memory_space<hbm>> -> memref<8x128xf32, #tpu.memory_space<hbm>>
      %dma_start3A_736 = arith.constant 0 : i32
      %dma_start3A_737 = arith.constant 384 : i32
      %dma_start3A_738 = tpu.memref_slice %arg7[%dma_start3A_722, %dma_start3A_736, %dma_start3A_737] : memref<2x32x513xf32, #tpu.memory_space<vmem>> -> memref<1x8x128xf32, #tpu.memory_space<vmem>>
      %dma_start3A_739 = tpu.memref_squeeze %dma_start3A_738 : memref<1x8x128xf32, #tpu.memory_space<vmem>> -> memref<8x128xf32, #tpu.memory_space<vmem>>
      tpu.enqueue_dma source(%dma_start3A_739 : memref<8x128xf32, #tpu.memory_space<vmem>>) target(%dma_start3A_735 : memref<8x128xf32, #tpu.memory_space<hbm>>) target_semaphore(%arg12 : memref<!tpu.dma_semaphore, #tpu.memory_space<semaphore_mem>>)
      %mul3A_740 = arith.constant 4 : i32
      %mul3A_741 = arith.muli %select_n3A_620, %mul3A_740 : i32
      %add3A_742 = arith.constant 0 : i32
      %add3A_743 = arith.addi %mul3A_741, %add3A_742 : i32
      %dma_start3A_744 = arith.constant 1 : i32
      %dma_start3A_745 = arith.constant 1 : i32
      %dma_start3A_746 = arith.constant 8 : i32
      %dma_start3A_747 = arith.constant 0 : i32
      %dma_start3A_748 = tpu.memref_slice %arg7[%dma_start3A_744, %dma_start3A_746, %dma_start3A_747] : memref<2x32x513xf32, #tpu.memory_space<vmem>> -> memref<1x8x128xf32, #tpu.memory_space<vmem>>
      %dma_start3A_749 = tpu.memref_squeeze %dma_start3A_748 : memref<1x8x128xf32, #tpu.memory_space<vmem>> -> memref<8x128xf32, #tpu.memory_space<vmem>>
      %dma_start3A_750 = arith.constant 0 : i32
      %dma_start3A_751 = arith.constant 0 : i32
      %dma_start3A_752 = tpu.memref_slice %arg4[%select_n3A_604, %dma_start3A_745, %add3A_743, %dma_start3A_750, %dma_start3A_751] : memref<50x4x128x8x128xf32, #tpu.memory_space<hbm>> -> memref<1x1x1x8x128xf32, #tpu.memory_space<hbm>>
      %dma_start3A_753 = tpu.memref_squeeze %dma_start3A_752 : memref<1x1x1x8x128xf32, #tpu.memory_space<hbm>> -> memref<8x128xf32, #tpu.memory_space<hbm>>
      %dma_start3A_754 = arith.constant 0 : i32
      %dma_start3A_755 = arith.constant 0 : i32
      %dma_start3A_756 = tpu.memref_slice %arg4[%select_n3A_604, %dma_start3A_745, %add3A_743, %dma_start3A_754, %dma_start3A_755] : memref<50x4x128x8x128xf32, #tpu.memory_space<hbm>> -> memref<1x1x1x8x128xf32, #tpu.memory_space<hbm>>
      %dma_start3A_757 = tpu.memref_squeeze %dma_start3A_756 : memref<1x1x1x8x128xf32, #tpu.memory_space<hbm>> -> memref<8x128xf32, #tpu.memory_space<hbm>>
      %dma_start3A_758 = arith.constant 8 : i32
      %dma_start3A_759 = arith.constant 0 : i32
      %dma_start3A_760 = tpu.memref_slice %arg7[%dma_start3A_744, %dma_start3A_758, %dma_start3A_759] : memref<2x32x513xf32, #tpu.memory_space<vmem>> -> memref<1x8x128xf32, #tpu.memory_space<vmem>>
      %dma_start3A_761 = tpu.memref_squeeze %dma_start3A_760 : memref<1x8x128xf32, #tpu.memory_space<vmem>> -> memref<8x128xf32, #tpu.memory_space<vmem>>
      tpu.enqueue_dma source(%dma_start3A_761 : memref<8x128xf32, #tpu.memory_space<vmem>>) target(%dma_start3A_757 : memref<8x128xf32, #tpu.memory_space<hbm>>) target_semaphore(%arg12 : memref<!tpu.dma_semaphore, #tpu.memory_space<semaphore_mem>>)
      %mul3A_762 = arith.constant 4 : i32
      %mul3A_763 = arith.muli %select_n3A_620, %mul3A_762 : i32
      %add3A_764 = arith.constant 1 : i32
      %add3A_765 = arith.addi %mul3A_763, %add3A_764 : i32
      %dma_start3A_766 = arith.constant 1 : i32
      %dma_start3A_767 = arith.constant 1 : i32
      %dma_start3A_768 = arith.constant 8 : i32
      %dma_start3A_769 = arith.constant 128 : i32
      %dma_start3A_770 = tpu.memref_slice %arg7[%dma_start3A_766, %dma_start3A_768, %dma_start3A_769] : memref<2x32x513xf32, #tpu.memory_space<vmem>> -> memref<1x8x128xf32, #tpu.memory_space<vmem>>
      %dma_start3A_771 = tpu.memref_squeeze %dma_start3A_770 : memref<1x8x128xf32, #tpu.memory_space<vmem>> -> memref<8x128xf32, #tpu.memory_space<vmem>>
      %dma_start3A_772 = arith.constant 0 : i32
      %dma_start3A_773 = arith.constant 0 : i32
      %dma_start3A_774 = tpu.memref_slice %arg4[%select_n3A_604, %dma_start3A_767, %add3A_765, %dma_start3A_772, %dma_start3A_773] : memref<50x4x128x8x128xf32, #tpu.memory_space<hbm>> -> memref<1x1x1x8x128xf32, #tpu.memory_space<hbm>>
      %dma_start3A_775 = tpu.memref_squeeze %dma_start3A_774 : memref<1x1x1x8x128xf32, #tpu.memory_space<hbm>> -> memref<8x128xf32, #tpu.memory_space<hbm>>
      %dma_start3A_776 = arith.constant 0 : i32
      %dma_start3A_777 = arith.constant 0 : i32
      %dma_start3A_778 = tpu.memref_slice %arg4[%select_n3A_604, %dma_start3A_767, %add3A_765, %dma_start3A_776, %dma_start3A_777] : memref<50x4x128x8x128xf32, #tpu.memory_space<hbm>> -> memref<1x1x1x8x128xf32, #tpu.memory_space<hbm>>
      %dma_start3A_779 = tpu.memref_squeeze %dma_start3A_778 : memref<1x1x1x8x128xf32, #tpu.memory_space<hbm>> -> memref<8x128xf32, #tpu.memory_space<hbm>>
      %dma_start3A_780 = arith.constant 8 : i32
      %dma_start3A_781 = arith.constant 128 : i32
      %dma_start3A_782 = tpu.memref_slice %arg7[%dma_start3A_766, %dma_start3A_780, %dma_start3A_781] : memref<2x32x513xf32, #tpu.memory_space<vmem>> -> memref<1x8x128xf32, #tpu.memory_space<vmem>>
      %dma_start3A_783 = tpu.memref_squeeze %dma_start3A_782 : memref<1x8x128xf32, #tpu.memory_space<vmem>> -> memref<8x128xf32, #tpu.memory_space<vmem>>
      tpu.enqueue_dma source(%dma_start3A_783 : memref<8x128xf32, #tpu.memory_space<vmem>>) target(%dma_start3A_779 : memref<8x128xf32, #tpu.memory_space<hbm>>) target_semaphore(%arg12 : memref<!tpu.dma_semaphore, #tpu.memory_space<semaphore_mem>>)
      %mul3A_784 = arith.constant 4 : i32
      %mul3A_785 = arith.muli %select_n3A_620, %mul3A_784 : i32
      %add3A_786 = arith.constant 2 : i32
      %add3A_787 = arith.addi %mul3A_785, %add3A_786 : i32
      %dma_start3A_788 = arith.constant 1 : i32
      %dma_start3A_789 = arith.constant 1 : i32
      %dma_start3A_790 = arith.constant 8 : i32
      %dma_start3A_791 = arith.constant 256 : i32
      %dma_start3A_792 = tpu.memref_slice %arg7[%dma_start3A_788, %dma_start3A_790, %dma_start3A_791] : memref<2x32x513xf32, #tpu.memory_space<vmem>> -> memref<1x8x128xf32, #tpu.memory_space<vmem>>
      %dma_start3A_793 = tpu.memref_squeeze %dma_start3A_792 : memref<1x8x128xf32, #tpu.memory_space<vmem>> -> memref<8x128xf32, #tpu.memory_space<vmem>>
      %dma_start3A_794 = arith.constant 0 : i32
      %dma_start3A_795 = arith.constant 0 : i32
      %dma_start3A_796 = tpu.memref_slice %arg4[%select_n3A_604, %dma_start3A_789, %add3A_787, %dma_start3A_794, %dma_start3A_795] : memref<50x4x128x8x128xf32, #tpu.memory_space<hbm>> -> memref<1x1x1x8x128xf32, #tpu.memory_space<hbm>>
      %dma_start3A_797 = tpu.memref_squeeze %dma_start3A_796 : memref<1x1x1x8x128xf32, #tpu.memory_space<hbm>> -> memref<8x128xf32, #tpu.memory_space<hbm>>
      %dma_start3A_798 = arith.constant 0 : i32
      %dma_start3A_799 = arith.constant 0 : i32
      %dma_start3A_800 = tpu.memref_slice %arg4[%select_n3A_604, %dma_start3A_789, %add3A_787, %dma_start3A_798, %dma_start3A_799] : memref<50x4x128x8x128xf32, #tpu.memory_space<hbm>> -> memref<1x1x1x8x128xf32, #tpu.memory_space<hbm>>
      %dma_start3A_801 = tpu.memref_squeeze %dma_start3A_800 : memref<1x1x1x8x128xf32, #tpu.memory_space<hbm>> -> memref<8x128xf32, #tpu.memory_space<hbm>>
      %dma_start3A_802 = arith.constant 8 : i32
      %dma_start3A_803 = arith.constant 256 : i32
      %dma_start3A_804 = tpu.memref_slice %arg7[%dma_start3A_788, %dma_start3A_802, %dma_start3A_803] : memref<2x32x513xf32, #tpu.memory_space<vmem>> -> memref<1x8x128xf32, #tpu.memory_space<vmem>>
      %dma_start3A_805 = tpu.memref_squeeze %dma_start3A_804 : memref<1x8x128xf32, #tpu.memory_space<vmem>> -> memref<8x128xf32, #tpu.memory_space<vmem>>
      tpu.enqueue_dma source(%dma_start3A_805 : memref<8x128xf32, #tpu.memory_space<vmem>>) target(%dma_start3A_801 : memref<8x128xf32, #tpu.memory_space<hbm>>) target_semaphore(%arg12 : memref<!tpu.dma_semaphore, #tpu.memory_space<semaphore_mem>>)
      %mul3A_806 = arith.constant 4 : i32
      %mul3A_807 = arith.muli %select_n3A_620, %mul3A_806 : i32
      %add3A_808 = arith.constant 3 : i32
      %add3A_809 = arith.addi %mul3A_807, %add3A_808 : i32
      %dma_start3A_810 = arith.constant 1 : i32
      %dma_start3A_811 = arith.constant 1 : i32
      %dma_start3A_812 = arith.constant 8 : i32
      %dma_start3A_813 = arith.constant 384 : i32
      %dma_start3A_814 = tpu.memref_slice %arg7[%dma_start3A_810, %dma_start3A_812, %dma_start3A_813] : memref<2x32x513xf32, #tpu.memory_space<vmem>> -> memref<1x8x128xf32, #tpu.memory_space<vmem>>
      %dma_start3A_815 = tpu.memref_squeeze %dma_start3A_814 : memref<1x8x128xf32, #tpu.memory_space<vmem>> -> memref<8x128xf32, #tpu.memory_space<vmem>>
      %dma_start3A_816 = arith.constant 0 : i32
      %dma_start3A_817 = arith.constant 0 : i32
      %dma_start3A_818 = tpu.memref_slice %arg4[%select_n3A_604, %dma_start3A_811, %add3A_809, %dma_start3A_816, %dma_start3A_817] : memref<50x4x128x8x128xf32, #tpu.memory_space<hbm>> -> memref<1x1x1x8x128xf32, #tpu.memory_space<hbm>>
      %dma_start3A_819 = tpu.memref_squeeze %dma_start3A_818 : memref<1x1x1x8x128xf32, #tpu.memory_space<hbm>> -> memref<8x128xf32, #tpu.memory_space<hbm>>
      %dma_start3A_820 = arith.constant 0 : i32
      %dma_start3A_821 = arith.constant 0 : i32
      %dma_start3A_822 = tpu.memref_slice %arg4[%select_n3A_604, %dma_start3A_811, %add3A_809, %dma_start3A_820, %dma_start3A_821] : memref<50x4x128x8x128xf32, #tpu.memory_space<hbm>> -> memref<1x1x1x8x128xf32, #tpu.memory_space<hbm>>
      %dma_start3A_823 = tpu.memref_squeeze %dma_start3A_822 : memref<1x1x1x8x128xf32, #tpu.memory_space<hbm>> -> memref<8x128xf32, #tpu.memory_space<hbm>>
      %dma_start3A_824 = arith.constant 8 : i32
      %dma_start3A_825 = arith.constant 384 : i32
      %dma_start3A_826 = tpu.memref_slice %arg7[%dma_start3A_810, %dma_start3A_824, %dma_start3A_825] : memref<2x32x513xf32, #tpu.memory_space<vmem>> -> memref<1x8x128xf32, #tpu.memory_space<vmem>>
      %dma_start3A_827 = tpu.memref_squeeze %dma_start3A_826 : memref<1x8x128xf32, #tpu.memory_space<vmem>> -> memref<8x128xf32, #tpu.memory_space<vmem>>
      tpu.enqueue_dma source(%dma_start3A_827 : memref<8x128xf32, #tpu.memory_space<vmem>>) target(%dma_start3A_823 : memref<8x128xf32, #tpu.memory_space<hbm>>) target_semaphore(%arg12 : memref<!tpu.dma_semaphore, #tpu.memory_space<semaphore_mem>>)
      %scan3A_828 = arith.constant 0 : i32
      %scan3A_829 = arith.constant 0 : i32
      %scan3A_830 = arith.constant 128 : i32
      %scan3A_831 = arith.addi %scan3A_829, %scan3A_830 : i32
      %scan3A_832 = arith.constant 1 : i32
      scf.for %scan3A_1015 = %scan3A_829 to %scan3A_831 step %scan3A_832  : i32 {
        %mul3A_1016 = arith.constant 4 : i32
        %mul3A_1017 = arith.muli %mul3A_1016, %scan3A_1015 : i32
        %add3A_1018 = arith.constant 0 : i32
        %add3A_1019 = arith.addi %mul3A_1017, %add3A_1018 : i32
        %get3A = arith.constant 1 : i32
        %get3A_1020 = arith.index_cast %get3A : i32 to index
        %get3A_1021 = arith.index_cast %add3A_1019 : i32 to index
        %get3A_1022 = arith.constant 16 : index
        %get3A_1023 = tpu.vector_load %arg6[%get3A_1020, %get3A_1021, %get3A_1022] {strides = array<i32>} : memref<2x512x32xf32, #tpu.memory_space<vmem>>, vector<16xf32>,
        %add3A_1024 = arith.constant 16 : i32
        %add3A_1025 = vector.broadcast %add3A_1024 : i32 to vector<16xi32>
        %add3A_1026 = arith.addi %add3A_1025, %iota3A : vector<16xi32>
        %broadcast_in_dim3A = vector.broadcast %add3A_1019 : i32 to vector<16xi32>
        %scatter3A = arith.constant 1 : i32
        %scatter3A_1027 = arith.constant 0 : i32
        %scatter3A_1028 = arith.constant 0 : i32
        %scatter3A_1029 = tpu.memref_slice %arg7[%scatter3A, %scatter3A_1027, %scatter3A_1028] : memref<2x32x513xf32, #tpu.memory_space<vmem>> -> memref<1x32x513xf32, #tpu.memory_space<vmem>>
        %scatter3A_1030 = tpu.memref_squeeze %scatter3A_1029 : memref<1x32x513xf32, #tpu.memory_space<vmem>> -> memref<32x513xf32, #tpu.memory_space<vmem>>
        tpu.vector_store_idx %scatter3A_1030[%add3A_1026, %broadcast_in_dim3A], %get3A_1023 : memref<32x513xf32, #tpu.memory_space<vmem>>[vector<16xi32>, vector<16xi32>], vector<16xf32>,
        %mul3A_1031 = arith.constant 4 : i32
        %mul3A_1032 = arith.muli %mul3A_1031, %scan3A_1015 : i32
        %add3A_1033 = arith.constant 1 : i32
        %add3A_1034 = arith.addi %mul3A_1032, %add3A_1033 : i32
        %get3A_1035 = arith.constant 1 : i32
        %get3A_1036 = arith.index_cast %get3A_1035 : i32 to index
        %get3A_1037 = arith.index_cast %add3A_1034 : i32 to index
        %get3A_1038 = arith.constant 16 : index
        %get3A_1039 = tpu.vector_load %arg6[%get3A_1036, %get3A_1037, %get3A_1038] {strides = array<i32>} : memref<2x512x32xf32, #tpu.memory_space<vmem>>, vector<16xf32>,
        %add3A_1040 = arith.constant 16 : i32
        %add3A_1041 = vector.broadcast %add3A_1040 : i32 to vector<16xi32>
        %add3A_1042 = arith.addi %add3A_1041, %iota3A : vector<16xi32>
        %broadcast_in_dim3A_1043 = vector.broadcast %add3A_1034 : i32 to vector<16xi32>
        %scatter3A_1044 = arith.constant 1 : i32
        %scatter3A_1045 = arith.constant 0 : i32
        %scatter3A_1046 = arith.constant 0 : i32
        %scatter3A_1047 = tpu.memref_slice %arg7[%scatter3A_1044, %scatter3A_1045, %scatter3A_1046] : memref<2x32x513xf32, #tpu.memory_space<vmem>> -> memref<1x32x513xf32, #tpu.memory_space<vmem>>
        %scatter3A_1048 = tpu.memref_squeeze %scatter3A_1047 : memref<1x32x513xf32, #tpu.memory_space<vmem>> -> memref<32x513xf32, #tpu.memory_space<vmem>>
        tpu.vector_store_idx %scatter3A_1048[%add3A_1042, %broadcast_in_dim3A_1043], %get3A_1039 : memref<32x513xf32, #tpu.memory_space<vmem>>[vector<16xi32>, vector<16xi32>], vector<16xf32>,
        %mul3A_1049 = arith.constant 4 : i32
        %mul3A_1050 = arith.muli %mul3A_1049, %scan3A_1015 : i32
        %add3A_1051 = arith.constant 2 : i32
        %add3A_1052 = arith.addi %mul3A_1050, %add3A_1051 : i32
        %get3A_1053 = arith.constant 1 : i32
        %get3A_1054 = arith.index_cast %get3A_1053 : i32 to index
        %get3A_1055 = arith.index_cast %add3A_1052 : i32 to index
        %get3A_1056 = arith.constant 16 : index
        %get3A_1057 = tpu.vector_load %arg6[%get3A_1054, %get3A_1055, %get3A_1056] {strides = array<i32>} : memref<2x512x32xf32, #tpu.memory_space<vmem>>, vector<16xf32>,
        %add3A_1058 = arith.constant 16 : i32
        %add3A_1059 = vector.broadcast %add3A_1058 : i32 to vector<16xi32>
        %add3A_1060 = arith.addi %add3A_1059, %iota3A : vector<16xi32>
        %broadcast_in_dim3A_1061 = vector.broadcast %add3A_1052 : i32 to vector<16xi32>
        %scatter3A_1062 = arith.constant 1 : i32
        %scatter3A_1063 = arith.constant 0 : i32
        %scatter3A_1064 = arith.constant 0 : i32
        %scatter3A_1065 = tpu.memref_slice %arg7[%scatter3A_1062, %scatter3A_1063, %scatter3A_1064] : memref<2x32x513xf32, #tpu.memory_space<vmem>> -> memref<1x32x513xf32, #tpu.memory_space<vmem>>
        %scatter3A_1066 = tpu.memref_squeeze %scatter3A_1065 : memref<1x32x513xf32, #tpu.memory_space<vmem>> -> memref<32x513xf32, #tpu.memory_space<vmem>>
        tpu.vector_store_idx %scatter3A_1066[%add3A_1060, %broadcast_in_dim3A_1061], %get3A_1057 : memref<32x513xf32, #tpu.memory_space<vmem>>[vector<16xi32>, vector<16xi32>], vector<16xf32>,
        %mul3A_1067 = arith.constant 4 : i32
        %mul3A_1068 = arith.muli %mul3A_1067, %scan3A_1015 : i32
        %add3A_1069 = arith.constant 3 : i32
        %add3A_1070 = arith.addi %mul3A_1068, %add3A_1069 : i32
        %get3A_1071 = arith.constant 1 : i32
        %get3A_1072 = arith.index_cast %get3A_1071 : i32 to index
        %get3A_1073 = arith.index_cast %add3A_1070 : i32 to index
        %get3A_1074 = arith.constant 16 : index
        %get3A_1075 = tpu.vector_load %arg6[%get3A_1072, %get3A_1073, %get3A_1074] {strides = array<i32>} : memref<2x512x32xf32, #tpu.memory_space<vmem>>, vector<16xf32>,
        %add3A_1076 = arith.constant 16 : i32
        %add3A_1077 = vector.broadcast %add3A_1076 : i32 to vector<16xi32>
        %add3A_1078 = arith.addi %add3A_1077, %iota3A : vector<16xi32>
        %broadcast_in_dim3A_1079 = vector.broadcast %add3A_1070 : i32 to vector<16xi32>
        %scatter3A_1080 = arith.constant 1 : i32
        %scatter3A_1081 = arith.constant 0 : i32
        %scatter3A_1082 = arith.constant 0 : i32
        %scatter3A_1083 = tpu.memref_slice %arg7[%scatter3A_1080, %scatter3A_1081, %scatter3A_1082] : memref<2x32x513xf32, #tpu.memory_space<vmem>> -> memref<1x32x513xf32, #tpu.memory_space<vmem>>
        %scatter3A_1084 = tpu.memref_squeeze %scatter3A_1083 : memref<1x32x513xf32, #tpu.memory_space<vmem>> -> memref<32x513xf32, #tpu.memory_space<vmem>>
        tpu.vector_store_idx %scatter3A_1084[%add3A_1078, %broadcast_in_dim3A_1079], %get3A_1075 : memref<32x513xf32, #tpu.memory_space<vmem>>[vector<16xi32>, vector<16xi32>], vector<16xf32>,
      }
      %scan3A_833 = arith.constant 128 : i32
      %mul3A_834 = arith.constant 4 : i32
      %mul3A_835 = arith.muli %select_n3A_620, %mul3A_834 : i32
      %add3A_836 = arith.constant 0 : i32
      %add3A_837 = arith.addi %mul3A_835, %add3A_836 : i32
      %dma_start3A_838 = arith.constant 1 : i32
      %dma_start3A_839 = arith.constant 2 : i32
      %dma_start3A_840 = arith.constant 16 : i32
      %dma_start3A_841 = arith.constant 0 : i32
      %dma_start3A_842 = tpu.memref_slice %arg7[%dma_start3A_838, %dma_start3A_840, %dma_start3A_841] : memref<2x32x513xf32, #tpu.memory_space<vmem>> -> memref<1x8x128xf32, #tpu.memory_space<vmem>>
      %dma_start3A_843 = tpu.memref_squeeze %dma_start3A_842 : memref<1x8x128xf32, #tpu.memory_space<vmem>> -> memref<8x128xf32, #tpu.memory_space<vmem>>
      %dma_start3A_844 = arith.constant 0 : i32
      %dma_start3A_845 = arith.constant 0 : i32
      %dma_start3A_846 = tpu.memref_slice %arg4[%select_n3A_604, %dma_start3A_839, %add3A_837, %dma_start3A_844, %dma_start3A_845] : memref<50x4x128x8x128xf32, #tpu.memory_space<hbm>> -> memref<1x1x1x8x128xf32, #tpu.memory_space<hbm>>
      %dma_start3A_847 = tpu.memref_squeeze %dma_start3A_846 : memref<1x1x1x8x128xf32, #tpu.memory_space<hbm>> -> memref<8x128xf32, #tpu.memory_space<hbm>>
      %dma_start3A_848 = arith.constant 0 : i32
      %dma_start3A_849 = arith.constant 0 : i32
      %dma_start3A_850 = tpu.memref_slice %arg4[%select_n3A_604, %dma_start3A_839, %add3A_837, %dma_start3A_848, %dma_start3A_849] : memref<50x4x128x8x128xf32, #tpu.memory_space<hbm>> -> memref<1x1x1x8x128xf32, #tpu.memory_space<hbm>>
      %dma_start3A_851 = tpu.memref_squeeze %dma_start3A_850 : memref<1x1x1x8x128xf32, #tpu.memory_space<hbm>> -> memref<8x128xf32, #tpu.memory_space<hbm>>
      %dma_start3A_852 = arith.constant 16 : i32
      %dma_start3A_853 = arith.constant 0 : i32
      %dma_start3A_854 = tpu.memref_slice %arg7[%dma_start3A_838, %dma_start3A_852, %dma_start3A_853] : memref<2x32x513xf32, #tpu.memory_space<vmem>> -> memref<1x8x128xf32, #tpu.memory_space<vmem>>
      %dma_start3A_855 = tpu.memref_squeeze %dma_start3A_854 : memref<1x8x128xf32, #tpu.memory_space<vmem>> -> memref<8x128xf32, #tpu.memory_space<vmem>>
      tpu.enqueue_dma source(%dma_start3A_855 : memref<8x128xf32, #tpu.memory_space<vmem>>) target(%dma_start3A_851 : memref<8x128xf32, #tpu.memory_space<hbm>>) target_semaphore(%arg12 : memref<!tpu.dma_semaphore, #tpu.memory_space<semaphore_mem>>)
      %mul3A_856 = arith.constant 4 : i32
      %mul3A_857 = arith.muli %select_n3A_620, %mul3A_856 : i32
      %add3A_858 = arith.constant 1 : i32
      %add3A_859 = arith.addi %mul3A_857, %add3A_858 : i32
      %dma_start3A_860 = arith.constant 1 : i32
      %dma_start3A_861 = arith.constant 2 : i32
      %dma_start3A_862 = arith.constant 16 : i32
      %dma_start3A_863 = arith.constant 128 : i32
      %dma_start3A_864 = tpu.memref_slice %arg7[%dma_start3A_860, %dma_start3A_862, %dma_start3A_863] : memref<2x32x513xf32, #tpu.memory_space<vmem>> -> memref<1x8x128xf32, #tpu.memory_space<vmem>>
      %dma_start3A_865 = tpu.memref_squeeze %dma_start3A_864 : memref<1x8x128xf32, #tpu.memory_space<vmem>> -> memref<8x128xf32, #tpu.memory_space<vmem>>
      %dma_start3A_866 = arith.constant 0 : i32
      %dma_start3A_867 = arith.constant 0 : i32
      %dma_start3A_868 = tpu.memref_slice %arg4[%select_n3A_604, %dma_start3A_861, %add3A_859, %dma_start3A_866, %dma_start3A_867] : memref<50x4x128x8x128xf32, #tpu.memory_space<hbm>> -> memref<1x1x1x8x128xf32, #tpu.memory_space<hbm>>
      %dma_start3A_869 = tpu.memref_squeeze %dma_start3A_868 : memref<1x1x1x8x128xf32, #tpu.memory_space<hbm>> -> memref<8x128xf32, #tpu.memory_space<hbm>>
      %dma_start3A_870 = arith.constant 0 : i32
      %dma_start3A_871 = arith.constant 0 : i32
      %dma_start3A_872 = tpu.memref_slice %arg4[%select_n3A_604, %dma_start3A_861, %add3A_859, %dma_start3A_870, %dma_start3A_871] : memref<50x4x128x8x128xf32, #tpu.memory_space<hbm>> -> memref<1x1x1x8x128xf32, #tpu.memory_space<hbm>>
      %dma_start3A_873 = tpu.memref_squeeze %dma_start3A_872 : memref<1x1x1x8x128xf32, #tpu.memory_space<hbm>> -> memref<8x128xf32, #tpu.memory_space<hbm>>
      %dma_start3A_874 = arith.constant 16 : i32
      %dma_start3A_875 = arith.constant 128 : i32
      %dma_start3A_876 = tpu.memref_slice %arg7[%dma_start3A_860, %dma_start3A_874, %dma_start3A_875] : memref<2x32x513xf32, #tpu.memory_space<vmem>> -> memref<1x8x128xf32, #tpu.memory_space<vmem>>
      %dma_start3A_877 = tpu.memref_squeeze %dma_start3A_876 : memref<1x8x128xf32, #tpu.memory_space<vmem>> -> memref<8x128xf32, #tpu.memory_space<vmem>>
      tpu.enqueue_dma source(%dma_start3A_877 : memref<8x128xf32, #tpu.memory_space<vmem>>) target(%dma_start3A_873 : memref<8x128xf32, #tpu.memory_space<hbm>>) target_semaphore(%arg12 : memref<!tpu.dma_semaphore, #tpu.memory_space<semaphore_mem>>)
      %mul3A_878 = arith.constant 4 : i32
      %mul3A_879 = arith.muli %select_n3A_620, %mul3A_878 : i32
      %add3A_880 = arith.constant 2 : i32
      %add3A_881 = arith.addi %mul3A_879, %add3A_880 : i32
      %dma_start3A_882 = arith.constant 1 : i32
      %dma_start3A_883 = arith.constant 2 : i32
      %dma_start3A_884 = arith.constant 16 : i32
      %dma_start3A_885 = arith.constant 256 : i32
      %dma_start3A_886 = tpu.memref_slice %arg7[%dma_start3A_882, %dma_start3A_884, %dma_start3A_885] : memref<2x32x513xf32, #tpu.memory_space<vmem>> -> memref<1x8x128xf32, #tpu.memory_space<vmem>>
      %dma_start3A_887 = tpu.memref_squeeze %dma_start3A_886 : memref<1x8x128xf32, #tpu.memory_space<vmem>> -> memref<8x128xf32, #tpu.memory_space<vmem>>
      %dma_start3A_888 = arith.constant 0 : i32
      %dma_start3A_889 = arith.constant 0 : i32
      %dma_start3A_890 = tpu.memref_slice %arg4[%select_n3A_604, %dma_start3A_883, %add3A_881, %dma_start3A_888, %dma_start3A_889] : memref<50x4x128x8x128xf32, #tpu.memory_space<hbm>> -> memref<1x1x1x8x128xf32, #tpu.memory_space<hbm>>
      %dma_start3A_891 = tpu.memref_squeeze %dma_start3A_890 : memref<1x1x1x8x128xf32, #tpu.memory_space<hbm>> -> memref<8x128xf32, #tpu.memory_space<hbm>>
      %dma_start3A_892 = arith.constant 0 : i32
      %dma_start3A_893 = arith.constant 0 : i32
      %dma_start3A_894 = tpu.memref_slice %arg4[%select_n3A_604, %dma_start3A_883, %add3A_881, %dma_start3A_892, %dma_start3A_893] : memref<50x4x128x8x128xf32, #tpu.memory_space<hbm>> -> memref<1x1x1x8x128xf32, #tpu.memory_space<hbm>>
      %dma_start3A_895 = tpu.memref_squeeze %dma_start3A_894 : memref<1x1x1x8x128xf32, #tpu.memory_space<hbm>> -> memref<8x128xf32, #tpu.memory_space<hbm>>
      %dma_start3A_896 = arith.constant 16 : i32
      %dma_start3A_897 = arith.constant 256 : i32
      %dma_start3A_898 = tpu.memref_slice %arg7[%dma_start3A_882, %dma_start3A_896, %dma_start3A_897] : memref<2x32x513xf32, #tpu.memory_space<vmem>> -> memref<1x8x128xf32, #tpu.memory_space<vmem>>
      %dma_start3A_899 = tpu.memref_squeeze %dma_start3A_898 : memref<1x8x128xf32, #tpu.memory_space<vmem>> -> memref<8x128xf32, #tpu.memory_space<vmem>>
      tpu.enqueue_dma source(%dma_start3A_899 : memref<8x128xf32, #tpu.memory_space<vmem>>) target(%dma_start3A_895 : memref<8x128xf32, #tpu.memory_space<hbm>>) target_semaphore(%arg12 : memref<!tpu.dma_semaphore, #tpu.memory_space<semaphore_mem>>)
      %mul3A_900 = arith.constant 4 : i32
      %mul3A_901 = arith.muli %select_n3A_620, %mul3A_900 : i32
      %add3A_902 = arith.constant 3 : i32
      %add3A_903 = arith.addi %mul3A_901, %add3A_902 : i32
      %dma_start3A_904 = arith.constant 1 : i32
      %dma_start3A_905 = arith.constant 2 : i32
      %dma_start3A_906 = arith.constant 16 : i32
      %dma_start3A_907 = arith.constant 384 : i32
      %dma_start3A_908 = tpu.memref_slice %arg7[%dma_start3A_904, %dma_start3A_906, %dma_start3A_907] : memref<2x32x513xf32, #tpu.memory_space<vmem>> -> memref<1x8x128xf32, #tpu.memory_space<vmem>>
      %dma_start3A_909 = tpu.memref_squeeze %dma_start3A_908 : memref<1x8x128xf32, #tpu.memory_space<vmem>> -> memref<8x128xf32, #tpu.memory_space<vmem>>
      %dma_start3A_910 = arith.constant 0 : i32
      %dma_start3A_911 = arith.constant 0 : i32
      %dma_start3A_912 = tpu.memref_slice %arg4[%select_n3A_604, %dma_start3A_905, %add3A_903, %dma_start3A_910, %dma_start3A_911] : memref<50x4x128x8x128xf32, #tpu.memory_space<hbm>> -> memref<1x1x1x8x128xf32, #tpu.memory_space<hbm>>
      %dma_start3A_913 = tpu.memref_squeeze %dma_start3A_912 : memref<1x1x1x8x128xf32, #tpu.memory_space<hbm>> -> memref<8x128xf32, #tpu.memory_space<hbm>>
      %dma_start3A_914 = arith.constant 0 : i32
      %dma_start3A_915 = arith.constant 0 : i32
      %dma_start3A_916 = tpu.memref_slice %arg4[%select_n3A_604, %dma_start3A_905, %add3A_903, %dma_start3A_914, %dma_start3A_915] : memref<50x4x128x8x128xf32, #tpu.memory_space<hbm>> -> memref<1x1x1x8x128xf32, #tpu.memory_space<hbm>>
      %dma_start3A_917 = tpu.memref_squeeze %dma_start3A_916 : memref<1x1x1x8x128xf32, #tpu.memory_space<hbm>> -> memref<8x128xf32, #tpu.memory_space<hbm>>
      %dma_start3A_918 = arith.constant 16 : i32
      %dma_start3A_919 = arith.constant 384 : i32
      %dma_start3A_920 = tpu.memref_slice %arg7[%dma_start3A_904, %dma_start3A_918, %dma_start3A_919] : memref<2x32x513xf32, #tpu.memory_space<vmem>> -> memref<1x8x128xf32, #tpu.memory_space<vmem>>
      %dma_start3A_921 = tpu.memref_squeeze %dma_start3A_920 : memref<1x8x128xf32, #tpu.memory_space<vmem>> -> memref<8x128xf32, #tpu.memory_space<vmem>>
      tpu.enqueue_dma source(%dma_start3A_921 : memref<8x128xf32, #tpu.memory_space<vmem>>) target(%dma_start3A_917 : memref<8x128xf32, #tpu.memory_space<hbm>>) target_semaphore(%arg12 : memref<!tpu.dma_semaphore, #tpu.memory_space<semaphore_mem>>)
      %mul3A_922 = arith.constant 4 : i32
      %mul3A_923 = arith.muli %select_n3A_620, %mul3A_922 : i32
      %add3A_924 = arith.constant 0 : i32
      %add3A_925 = arith.addi %mul3A_923, %add3A_924 : i32
      %dma_start3A_926 = arith.constant 1 : i32
      %dma_start3A_927 = arith.constant 3 : i32
      %dma_start3A_928 = arith.constant 24 : i32
      %dma_start3A_929 = arith.constant 0 : i32
      %dma_start3A_930 = tpu.memref_slice %arg7[%dma_start3A_926, %dma_start3A_928, %dma_start3A_929] : memref<2x32x513xf32, #tpu.memory_space<vmem>> -> memref<1x8x128xf32, #tpu.memory_space<vmem>>
      %dma_start3A_931 = tpu.memref_squeeze %dma_start3A_930 : memref<1x8x128xf32, #tpu.memory_space<vmem>> -> memref<8x128xf32, #tpu.memory_space<vmem>>
      %dma_start3A_932 = arith.constant 0 : i32
      %dma_start3A_933 = arith.constant 0 : i32
      %dma_start3A_934 = tpu.memref_slice %arg4[%select_n3A_604, %dma_start3A_927, %add3A_925, %dma_start3A_932, %dma_start3A_933] : memref<50x4x128x8x128xf32, #tpu.memory_space<hbm>> -> memref<1x1x1x8x128xf32, #tpu.memory_space<hbm>>
      %dma_start3A_935 = tpu.memref_squeeze %dma_start3A_934 : memref<1x1x1x8x128xf32, #tpu.memory_space<hbm>> -> memref<8x128xf32, #tpu.memory_space<hbm>>
      %dma_start3A_936 = arith.constant 0 : i32
      %dma_start3A_937 = arith.constant 0 : i32
      %dma_start3A_938 = tpu.memref_slice %arg4[%select_n3A_604, %dma_start3A_927, %add3A_925, %dma_start3A_936, %dma_start3A_937] : memref<50x4x128x8x128xf32, #tpu.memory_space<hbm>> -> memref<1x1x1x8x128xf32, #tpu.memory_space<hbm>>
      %dma_start3A_939 = tpu.memref_squeeze %dma_start3A_938 : memref<1x1x1x8x128xf32, #tpu.memory_space<hbm>> -> memref<8x128xf32, #tpu.memory_space<hbm>>
      %dma_start3A_940 = arith.constant 24 : i32
      %dma_start3A_941 = arith.constant 0 : i32
      %dma_start3A_942 = tpu.memref_slice %arg7[%dma_start3A_926, %dma_start3A_940, %dma_start3A_941] : memref<2x32x513xf32, #tpu.memory_space<vmem>> -> memref<1x8x128xf32, #tpu.memory_space<vmem>>
      %dma_start3A_943 = tpu.memref_squeeze %dma_start3A_942 : memref<1x8x128xf32, #tpu.memory_space<vmem>> -> memref<8x128xf32, #tpu.memory_space<vmem>>
      tpu.enqueue_dma source(%dma_start3A_943 : memref<8x128xf32, #tpu.memory_space<vmem>>) target(%dma_start3A_939 : memref<8x128xf32, #tpu.memory_space<hbm>>) target_semaphore(%arg12 : memref<!tpu.dma_semaphore, #tpu.memory_space<semaphore_mem>>)
      %mul3A_944 = arith.constant 4 : i32
      %mul3A_945 = arith.muli %select_n3A_620, %mul3A_944 : i32
      %add3A_946 = arith.constant 1 : i32
      %add3A_947 = arith.addi %mul3A_945, %add3A_946 : i32
      %dma_start3A_948 = arith.constant 1 : i32
      %dma_start3A_949 = arith.constant 3 : i32
      %dma_start3A_950 = arith.constant 24 : i32
      %dma_start3A_951 = arith.constant 128 : i32
      %dma_start3A_952 = tpu.memref_slice %arg7[%dma_start3A_948, %dma_start3A_950, %dma_start3A_951] : memref<2x32x513xf32, #tpu.memory_space<vmem>> -> memref<1x8x128xf32, #tpu.memory_space<vmem>>
      %dma_start3A_953 = tpu.memref_squeeze %dma_start3A_952 : memref<1x8x128xf32, #tpu.memory_space<vmem>> -> memref<8x128xf32, #tpu.memory_space<vmem>>
      %dma_start3A_954 = arith.constant 0 : i32
      %dma_start3A_955 = arith.constant 0 : i32
      %dma_start3A_956 = tpu.memref_slice %arg4[%select_n3A_604, %dma_start3A_949, %add3A_947, %dma_start3A_954, %dma_start3A_955] : memref<50x4x128x8x128xf32, #tpu.memory_space<hbm>> -> memref<1x1x1x8x128xf32, #tpu.memory_space<hbm>>
      %dma_start3A_957 = tpu.memref_squeeze %dma_start3A_956 : memref<1x1x1x8x128xf32, #tpu.memory_space<hbm>> -> memref<8x128xf32, #tpu.memory_space<hbm>>
      %dma_start3A_958 = arith.constant 0 : i32
      %dma_start3A_959 = arith.constant 0 : i32
      %dma_start3A_960 = tpu.memref_slice %arg4[%select_n3A_604, %dma_start3A_949, %add3A_947, %dma_start3A_958, %dma_start3A_959] : memref<50x4x128x8x128xf32, #tpu.memory_space<hbm>> -> memref<1x1x1x8x128xf32, #tpu.memory_space<hbm>>
      %dma_start3A_961 = tpu.memref_squeeze %dma_start3A_960 : memref<1x1x1x8x128xf32, #tpu.memory_space<hbm>> -> memref<8x128xf32, #tpu.memory_space<hbm>>
      %dma_start3A_962 = arith.constant 24 : i32
      %dma_start3A_963 = arith.constant 128 : i32
      %dma_start3A_964 = tpu.memref_slice %arg7[%dma_start3A_948, %dma_start3A_962, %dma_start3A_963] : memref<2x32x513xf32, #tpu.memory_space<vmem>> -> memref<1x8x128xf32, #tpu.memory_space<vmem>>
      %dma_start3A_965 = tpu.memref_squeeze %dma_start3A_964 : memref<1x8x128xf32, #tpu.memory_space<vmem>> -> memref<8x128xf32, #tpu.memory_space<vmem>>
      tpu.enqueue_dma source(%dma_start3A_965 : memref<8x128xf32, #tpu.memory_space<vmem>>) target(%dma_start3A_961 : memref<8x128xf32, #tpu.memory_space<hbm>>) target_semaphore(%arg12 : memref<!tpu.dma_semaphore, #tpu.memory_space<semaphore_mem>>)
      %mul3A_966 = arith.constant 4 : i32
      %mul3A_967 = arith.muli %select_n3A_620, %mul3A_966 : i32
      %add3A_968 = arith.constant 2 : i32
      %add3A_969 = arith.addi %mul3A_967, %add3A_968 : i32
      %dma_start3A_970 = arith.constant 1 : i32
      %dma_start3A_971 = arith.constant 3 : i32
      %dma_start3A_972 = arith.constant 24 : i32
      %dma_start3A_973 = arith.constant 256 : i32
      %dma_start3A_974 = tpu.memref_slice %arg7[%dma_start3A_970, %dma_start3A_972, %dma_start3A_973] : memref<2x32x513xf32, #tpu.memory_space<vmem>> -> memref<1x8x128xf32, #tpu.memory_space<vmem>>
      %dma_start3A_975 = tpu.memref_squeeze %dma_start3A_974 : memref<1x8x128xf32, #tpu.memory_space<vmem>> -> memref<8x128xf32, #tpu.memory_space<vmem>>
      %dma_start3A_976 = arith.constant 0 : i32
      %dma_start3A_977 = arith.constant 0 : i32
      %dma_start3A_978 = tpu.memref_slice %arg4[%select_n3A_604, %dma_start3A_971, %add3A_969, %dma_start3A_976, %dma_start3A_977] : memref<50x4x128x8x128xf32, #tpu.memory_space<hbm>> -> memref<1x1x1x8x128xf32, #tpu.memory_space<hbm>>
      %dma_start3A_979 = tpu.memref_squeeze %dma_start3A_978 : memref<1x1x1x8x128xf32, #tpu.memory_space<hbm>> -> memref<8x128xf32, #tpu.memory_space<hbm>>
      %dma_start3A_980 = arith.constant 0 : i32
      %dma_start3A_981 = arith.constant 0 : i32
      %dma_start3A_982 = tpu.memref_slice %arg4[%select_n3A_604, %dma_start3A_971, %add3A_969, %dma_start3A_980, %dma_start3A_981] : memref<50x4x128x8x128xf32, #tpu.memory_space<hbm>> -> memref<1x1x1x8x128xf32, #tpu.memory_space<hbm>>
      %dma_start3A_983 = tpu.memref_squeeze %dma_start3A_982 : memref<1x1x1x8x128xf32, #tpu.memory_space<hbm>> -> memref<8x128xf32, #tpu.memory_space<hbm>>
      %dma_start3A_984 = arith.constant 24 : i32
      %dma_start3A_985 = arith.constant 256 : i32
      %dma_start3A_986 = tpu.memref_slice %arg7[%dma_start3A_970, %dma_start3A_984, %dma_start3A_985] : memref<2x32x513xf32, #tpu.memory_space<vmem>> -> memref<1x8x128xf32, #tpu.memory_space<vmem>>
      %dma_start3A_987 = tpu.memref_squeeze %dma_start3A_986 : memref<1x8x128xf32, #tpu.memory_space<vmem>> -> memref<8x128xf32, #tpu.memory_space<vmem>>
      tpu.enqueue_dma source(%dma_start3A_987 : memref<8x128xf32, #tpu.memory_space<vmem>>) target(%dma_start3A_983 : memref<8x128xf32, #tpu.memory_space<hbm>>) target_semaphore(%arg12 : memref<!tpu.dma_semaphore, #tpu.memory_space<semaphore_mem>>)
      %mul3A_988 = arith.constant 4 : i32
      %mul3A_989 = arith.muli %select_n3A_620, %mul3A_988 : i32
      %add3A_990 = arith.constant 3 : i32
      %add3A_991 = arith.addi %mul3A_989, %add3A_990 : i32
      %dma_start3A_992 = arith.constant 1 : i32
      %dma_start3A_993 = arith.constant 3 : i32
      %dma_start3A_994 = arith.constant 24 : i32
      %dma_start3A_995 = arith.constant 384 : i32
      %dma_start3A_996 = tpu.memref_slice %arg7[%dma_start3A_992, %dma_start3A_994, %dma_start3A_995] : memref<2x32x513xf32, #tpu.memory_space<vmem>> -> memref<1x8x128xf32, #tpu.memory_space<vmem>>
      %dma_start3A_997 = tpu.memref_squeeze %dma_start3A_996 : memref<1x8x128xf32, #tpu.memory_space<vmem>> -> memref<8x128xf32, #tpu.memory_space<vmem>>
      %dma_start3A_998 = arith.constant 0 : i32
      %dma_start3A_999 = arith.constant 0 : i32
      %dma_start3A_1000 = tpu.memref_slice %arg4[%select_n3A_604, %dma_start3A_993, %add3A_991, %dma_start3A_998, %dma_start3A_999] : memref<50x4x128x8x128xf32, #tpu.memory_space<hbm>> -> memref<1x1x1x8x128xf32, #tpu.memory_space<hbm>>
      %dma_start3A_1001 = tpu.memref_squeeze %dma_start3A_1000 : memref<1x1x1x8x128xf32, #tpu.memory_space<hbm>> -> memref<8x128xf32, #tpu.memory_space<hbm>>
      %dma_start3A_1002 = arith.constant 0 : i32
      %dma_start3A_1003 = arith.constant 0 : i32
      %dma_start3A_1004 = tpu.memref_slice %arg4[%select_n3A_604, %dma_start3A_993, %add3A_991, %dma_start3A_1002, %dma_start3A_1003] : memref<50x4x128x8x128xf32, #tpu.memory_space<hbm>> -> memref<1x1x1x8x128xf32, #tpu.memory_space<hbm>>
      %dma_start3A_1005 = tpu.memref_squeeze %dma_start3A_1004 : memref<1x1x1x8x128xf32, #tpu.memory_space<hbm>> -> memref<8x128xf32, #tpu.memory_space<hbm>>
      %dma_start3A_1006 = arith.constant 24 : i32
      %dma_start3A_1007 = arith.constant 384 : i32
      %dma_start3A_1008 = tpu.memref_slice %arg7[%dma_start3A_992, %dma_start3A_1006, %dma_start3A_1007] : memref<2x32x513xf32, #tpu.memory_space<vmem>> -> memref<1x8x128xf32, #tpu.memory_space<vmem>>
      %dma_start3A_1009 = tpu.memref_squeeze %dma_start3A_1008 : memref<1x8x128xf32, #tpu.memory_space<vmem>> -> memref<8x128xf32, #tpu.memory_space<vmem>>
      tpu.enqueue_dma source(%dma_start3A_1009 : memref<8x128xf32, #tpu.memory_space<vmem>>) target(%dma_start3A_1005 : memref<8x128xf32, #tpu.memory_space<hbm>>) target_semaphore(%arg12 : memref<!tpu.dma_semaphore, #tpu.memory_space<semaphore_mem>>)
      %lt3A_1010 = arith.constant 48 : i32
      %lt3A_1011 = arith.cmpi slt, %add3A_579, %lt3A_1010 : i32
      %convert_element_type3A_1012 = arith.extui %lt3A_1011 : i1 to i32
      %cond3A_1013 = arith.constant 0 : i32
      %cond3A_1014 = arith.cmpi ne, %convert_element_type3A_1012, %cond3A_1013 : i32
      scf.if %cond3A_1014 {
        %add3A_1015 = arith.constant 2 : i32
        %add3A_1016 = arith.addi %add3A_579, %add3A_1015 : i32
        %add3A_1017 = arith.addi %mul3A_2, %add3A_1016 : i32
        %jit3A_1018 = arith.constant 32 : i32
        %div3A_1019 = arith.divsi %add3A_1017, %jit3A_1018 : i32
        %sign3A_1020 = arith.constant 0 : i32
        %sign3A_1021 = arith.cmpi sgt, %add3A_1017, %sign3A_1020 : i32
        %sign3A_1022 = arith.extui %sign3A_1021 : i1 to i32
        %sign3A_1023 = arith.constant 0 : i32
        %sign3A_1024 = arith.cmpi slt, %add3A_1017, %sign3A_1023 : i32
        %sign3A_1025 = arith.extui %sign3A_1024 : i1 to i32
        %sign3A_1026 = arith.subi %sign3A_1022, %sign3A_1025 : i32
        %sign3A_1027 = arith.constant 0 : i32
        %sign3A_1028 = arith.cmpi sgt, %jit3A_1018, %sign3A_1027 : i32
        %sign3A_1029 = arith.extui %sign3A_1028 : i1 to i32
        %sign3A_1030 = arith.constant 0 : i32
        %sign3A_1031 = arith.cmpi slt, %jit3A_1018, %sign3A_1030 : i32
        %sign3A_1032 = arith.extui %sign3A_1031 : i1 to i32
        %sign3A_1033 = arith.subi %sign3A_1029, %sign3A_1032 : i32
        %ne3A_1034 = arith.cmpi ne, %sign3A_1026, %sign3A_1033 : i32
        %rem3A_1035 = arith.remsi %add3A_1017, %jit3A_1018 : i32
        %ne3A_1036 = arith.constant 0 : i32
        %ne3A_1037 = arith.cmpi ne, %rem3A_1035, %ne3A_1036 : i32
        %and3A_1038 = arith.andi %ne3A_1034, %ne3A_1037 : i1
        %sub3A_1039 = arith.constant 1 : i32
        %sub3A_1040 = arith.subi %div3A_1019, %sub3A_1039 : i32
        %select_n3A_1041 = arith.select %and3A_1038, %sub3A_1040, %div3A_1019 : i32
        %jit3A_1042 = arith.constant 32 : i32
        %eq3A_1043 = arith.constant 0 : i32
        %eq3A_1044 = arith.cmpi eq, %jit3A_1042, %eq3A_1043 : i32
        %jit3A_1045 = arith.constant 1 : i32
        %select_n3A_1046 = arith.select %eq3A_1044, %jit3A_1045, %jit3A_1042 : i32
        %rem3A_1047 = arith.remsi %add3A_1017, %select_n3A_1046 : i32
        %ne3A_1048 = arith.constant 0 : i32
        %ne3A_1049 = arith.cmpi ne, %rem3A_1047, %ne3A_1048 : i32
        %lt3A_1050 = arith.constant 0 : i32
        %lt3A_1051 = arith.cmpi slt, %rem3A_1047, %lt3A_1050 : i32
        %lt3A_1052 = arith.constant 0 : i32
        %lt3A_1053 = arith.cmpi slt, %select_n3A_1046, %lt3A_1052 : i32
        %ne3A_1054 = arith.xori %lt3A_1051, %lt3A_1053 : i1
        %and3A_1055 = arith.andi %ne3A_1054, %ne3A_1049 : i1
        %add3A_1056 = arith.addi %rem3A_1047, %select_n3A_1046 : i32
        %select_n3A_1057 = arith.select %and3A_1055, %add3A_1056, %rem3A_1047 : i32
        %mul3A_1058 = arith.constant 512 : i32
        %mul3A_1059 = arith.muli %select_n3A_1057, %mul3A_1058 : i32
        %dma_start3A_1060 = arith.constant 1 : i32
        %dma_start3A_1061 = arith.constant 0 : i32
        %dma_start3A_1062 = tpu.memref_slice %arg5[%dma_start3A_1060, %dma_start3A_1061] : memref<2x512xi32, #tpu.memory_space<vmem>> -> memref<1x512xi32, #tpu.memory_space<vmem>>
        %dma_start3A_1063 = tpu.memref_squeeze %dma_start3A_1062 : memref<1x512xi32, #tpu.memory_space<vmem>> -> memref<512xi32, #tpu.memory_space<vmem>>
        %dma_start3A_1064 = tpu.memref_slice %arg2[%select_n3A_1041, %mul3A_1059] : memref<50x16384xi32, #tpu.memory_space<hbm>> -> memref<1x512xi32, #tpu.memory_space<hbm>>
        %dma_start3A_1065 = tpu.memref_squeeze %dma_start3A_1064 : memref<1x512xi32, #tpu.memory_space<hbm>> -> memref<512xi32, #tpu.memory_space<hbm>>
        %dma_start3A_1066 = arith.constant 0 : i32
        %dma_start3A_1067 = tpu.memref_slice %arg5[%dma_start3A_1060, %dma_start3A_1066] : memref<2x512xi32, #tpu.memory_space<vmem>> -> memref<1x512xi32, #tpu.memory_space<vmem>>
        %dma_start3A_1068 = tpu.memref_squeeze %dma_start3A_1067 : memref<1x512xi32, #tpu.memory_space<vmem>> -> memref<512xi32, #tpu.memory_space<vmem>>
        %dma_start3A_1069 = tpu.memref_slice %arg2[%select_n3A_1041, %mul3A_1059] : memref<50x16384xi32, #tpu.memory_space<hbm>> -> memref<1x512xi32, #tpu.memory_space<hbm>>
        %dma_start3A_1070 = tpu.memref_squeeze %dma_start3A_1069 : memref<1x512xi32, #tpu.memory_space<hbm>> -> memref<512xi32, #tpu.memory_space<hbm>>
        tpu.enqueue_dma source(%dma_start3A_1070 : memref<512xi32, #tpu.memory_space<hbm>>) target(%dma_start3A_1068 : memref<512xi32, #tpu.memory_space<vmem>>) target_semaphore(%arg8 : memref<!tpu.dma_semaphore, #tpu.memory_space<semaphore_mem>>)
      } else {
      }
    }
    %scan3A_134 = arith.constant 25 : i32
    %scan3A_135 = arith.constant 0 : i32
    %scan3A_136 = arith.constant 0 : i32
    %scan3A_137 = arith.constant 16 : i32
    %scan3A_138 = arith.addi %scan3A_136, %scan3A_137 : i32
    %scan3A_139 = arith.constant 1 : i32
    scf.for %scan3A_141 = %scan3A_136 to %scan3A_138 step %scan3A_139  : i32 {
      %dma_wait3A_142 = arith.constant 0 : i32
      %dma_wait3A_143 = arith.constant 0 : i32
      %dma_wait3A_144 = arith.constant 0 : i32
      %dma_wait3A_145 = arith.constant 0 : i32
      %dma_wait3A_146 = arith.constant 0 : i32
      %dma_wait3A_147 = arith.constant 0 : i32
      %dma_wait3A_148 = tpu.memref_slice %arg7[%dma_wait3A_145, %dma_wait3A_146, %dma_wait3A_147] : memref<2x32x513xf32, #tpu.memory_space<vmem>> -> memref<1x8x128xf32, #tpu.memory_space<vmem>>
      %dma_wait3A_149 = tpu.memref_squeeze %dma_wait3A_148 : memref<1x8x128xf32, #tpu.memory_space<vmem>> -> memref<8x128xf32, #tpu.memory_space<vmem>>
      %dma_wait3A_150 = arith.constant 0 : i32
      %dma_wait3A_151 = arith.constant 0 : i32
      %dma_wait3A_152 = tpu.memref_slice %arg4[%dma_wait3A_142, %dma_wait3A_143, %dma_wait3A_144, %dma_wait3A_150, %dma_wait3A_151] : memref<50x4x128x8x128xf32, #tpu.memory_space<hbm>> -> memref<1x1x1x8x128xf32, #tpu.memory_space<hbm>>
      %dma_wait3A_153 = tpu.memref_squeeze %dma_wait3A_152 : memref<1x1x1x8x128xf32, #tpu.memory_space<hbm>> -> memref<8x128xf32, #tpu.memory_space<hbm>>
      %dma_wait3A_154 = arith.constant 0 : i32
      %dma_wait3A_155 = arith.constant 0 : i32
      %dma_wait3A_156 = tpu.memref_slice %arg7[%dma_wait3A_145, %dma_wait3A_154, %dma_wait3A_155] : memref<2x32x513xf32, #tpu.memory_space<vmem>> -> memref<1x8x128xf32, #tpu.memory_space<vmem>>
      %dma_wait3A_157 = tpu.memref_squeeze %dma_wait3A_156 : memref<1x8x128xf32, #tpu.memory_space<vmem>> -> memref<8x128xf32, #tpu.memory_space<vmem>>
      %dma_wait3A_158 = arith.constant 0 : i32
      %dma_wait3A_159 = arith.constant 0 : i32
      %dma_wait3A_160 = tpu.memref_slice %arg4[%dma_wait3A_142, %dma_wait3A_143, %dma_wait3A_144, %dma_wait3A_158, %dma_wait3A_159] : memref<50x4x128x8x128xf32, #tpu.memory_space<hbm>> -> memref<1x1x1x8x128xf32, #tpu.memory_space<hbm>>
      %dma_wait3A_161 = tpu.memref_squeeze %dma_wait3A_160 : memref<1x1x1x8x128xf32, #tpu.memory_space<hbm>> -> memref<8x128xf32, #tpu.memory_space<hbm>>
      tpu.wait_dma2 semaphore(%arg11 : memref<!tpu.dma_semaphore, #tpu.memory_space<semaphore_mem>>) src(%dma_wait3A_161 : memref<8x128xf32, #tpu.memory_space<hbm>>) dst(%dma_wait3A_157 : memref<8x128xf32, #tpu.memory_space<vmem>>)
      %dma_wait3A_162 = arith.constant 0 : i32
      %dma_wait3A_163 = arith.constant 0 : i32
      %dma_wait3A_164 = arith.constant 0 : i32
      %dma_wait3A_165 = arith.constant 1 : i32
      %dma_wait3A_166 = arith.constant 0 : i32
      %dma_wait3A_167 = arith.constant 0 : i32
      %dma_wait3A_168 = tpu.memref_slice %arg7[%dma_wait3A_165, %dma_wait3A_166, %dma_wait3A_167] : memref<2x32x513xf32, #tpu.memory_space<vmem>> -> memref<1x8x128xf32, #tpu.memory_space<vmem>>
      %dma_wait3A_169 = tpu.memref_squeeze %dma_wait3A_168 : memref<1x8x128xf32, #tpu.memory_space<vmem>> -> memref<8x128xf32, #tpu.memory_space<vmem>>
      %dma_wait3A_170 = arith.constant 0 : i32
      %dma_wait3A_171 = arith.constant 0 : i32
      %dma_wait3A_172 = tpu.memref_slice %arg4[%dma_wait3A_162, %dma_wait3A_163, %dma_wait3A_164, %dma_wait3A_170, %dma_wait3A_171] : memref<50x4x128x8x128xf32, #tpu.memory_space<hbm>> -> memref<1x1x1x8x128xf32, #tpu.memory_space<hbm>>
      %dma_wait3A_173 = tpu.memref_squeeze %dma_wait3A_172 : memref<1x1x1x8x128xf32, #tpu.memory_space<hbm>> -> memref<8x128xf32, #tpu.memory_space<hbm>>
      %dma_wait3A_174 = arith.constant 0 : i32
      %dma_wait3A_175 = arith.constant 0 : i32
      %dma_wait3A_176 = tpu.memref_slice %arg7[%dma_wait3A_165, %dma_wait3A_174, %dma_wait3A_175] : memref<2x32x513xf32, #tpu.memory_space<vmem>> -> memref<1x8x128xf32, #tpu.memory_space<vmem>>
      %dma_wait3A_177 = tpu.memref_squeeze %dma_wait3A_176 : memref<1x8x128xf32, #tpu.memory_space<vmem>> -> memref<8x128xf32, #tpu.memory_space<vmem>>
      %dma_wait3A_178 = arith.constant 0 : i32
      %dma_wait3A_179 = arith.constant 0 : i32
      %dma_wait3A_180 = tpu.memref_slice %arg4[%dma_wait3A_162, %dma_wait3A_163, %dma_wait3A_164, %dma_wait3A_178, %dma_wait3A_179] : memref<50x4x128x8x128xf32, #tpu.memory_space<hbm>> -> memref<1x1x1x8x128xf32, #tpu.memory_space<hbm>>
      %dma_wait3A_181 = tpu.memref_squeeze %dma_wait3A_180 : memref<1x1x1x8x128xf32, #tpu.memory_space<hbm>> -> memref<8x128xf32, #tpu.memory_space<hbm>>
      tpu.wait_dma2 semaphore(%arg12 : memref<!tpu.dma_semaphore, #tpu.memory_space<semaphore_mem>>) src(%dma_wait3A_181 : memref<8x128xf32, #tpu.memory_space<hbm>>) dst(%dma_wait3A_177 : memref<8x128xf32, #tpu.memory_space<vmem>>)
    }
    %scan3A_140 = arith.constant 16 : i32
    return
  }
}

</mosaic_0001>

<sc_bundles>
// kernel: kernel.3.cloned.1.call-start
scs
__scs_entry_jumppad:
0x0: {  	(pc) =	sbr.rel $0x88, $3  }
0x1: {  	(tag) =	ssettag $0x0;
	lr =	simm.s32 $0x1  }
0x2: {  	[smem:$0x3F9F] =	sst lr;
	_ =	strace $0xD0000000  }
0x3: {  	_ = 	snop  }
0x4: {  	_ = 	snop  }
0x5: {  	_ = 	snop  }
0x6: {  	_ = 	snop  }
0x7: {  	_ = 	snop  }
__scs_overlays_trampoline_lowered:
0x8: {  	[smem:$0x3FAE] =	sst s0  }
0x9: {  	[smem:$0x3FAF] =	sst s1  }
0xa: {  	[smem:$0x3FB0] =	sst s2  }
0xb: {  	[smem:$0x3FB1] =	sst s3  }
0xc: {  	[smem:$0x3FB2] =	sst s4  }
0xd: {  	[smem:$0x3FB3] =	sst s5  }
0xe: {  	[smem:$0x3FB4] =	sst s6  }
0xf: {  	[smem:$0x3FB5] =	sst s7  }
0x10: {  	[smem:$0x3FB6] =	sst s8  }
0x11: {  	[smem:$0x3FB7] =	sst s9;
	s0 =	simm.s32 @!p0 $0x0  }
0x12: {  	s1 =	sld [smem:$0x3F9D];
	s0 =	simm.s32 @p0 $0x1  }
0x13: {  	[smem:$0x3FB8] =	sst s0;
	s0 =	simm.s32 @!p1 $0x0  }
0x14: {  	s2 =	sld [smem:$0x3F9C];
	s0 =	simm.s32 @p1 $0x1  }
0x15: {  	[smem:$0x3FB9] =	sst s0;
	s0 =	simm.s32 @!p2 $0x0  }
0x16: {  	s3 =	sld [smem:$0x3FDB];
	s0 =	simm.s32 @p2 $0x1  }
0x17: {  	s4 =	simm.s32 $0x1BF5;
	[smem:$0x3FBB] =	sst s0  }
0x18: {  	s0 =	sld [smem:$0x3F9E];
	_ =	swait.ge [sflag:s4], $0x0  }
0x19: {  	s7 =	sld [smem:$0x3F9F]  }
0x1a: {  	s8 =	sadd.s32 $0xFFFFE003, lr  }
0x1b: {  	s9 =	sadd.s32 $0xFFFFFEF7, lr;
	s5 =	simm.s32 $0xFFFFFFFF;
	p2 =	slt.u32 s8, $0xFFFFF086  }
0x1c: {  	p1 =	slt.u32 s9, $0xF7A;
	s5 =	simm.s32 @!p2 $0x0  }
0x1d: {  	s5 =	simm.s32 @p1 $0x1;
	p0 =	seq.s32 s7, s2  }
0x1e: {  	s7 =	smul.u32 @!p0 $0xF7A, s2;
	p2 =	seq.s32 @!p0 s5, $0x0  }
0x1f: {  	s9 =	smul.u32 $0xF7A, s1;
	s8 =	simm.s32 @!p0 $0x1BF5;
	p2 =	por !p2, p0  }
0x20: {  	[sflag:s8] =	ssyncset.s32 @!p0 $0xFFFFF086;
	s6 =	sadd.s32 @!p0 s3, s7;
	s7 =	simm.s32 @!p0 $0x108  }
0x21: {  	s3 =	sadd.s32 s3, s9;
	s6 =	sadd.s32 @!p0 $0x88, s6;
	s7 =	simm.s32 @p2 $0x1082  }
0x22: {  	[simem:s7], [sflag:s8] =	dma.local @!p0 [hbm:s6], $0xF7A  }
0x23: {  	s9 =	sor.u32 $0xD0000000, s2;
	s6 =	simm.s32 $0x108;
	_ =	swait.ge @!p0 [sflag:s8], $0x0  }
0x24: {  	s3 =	sadd.s32 $0x88, s3;
	s6 =	simm.s32 @!p1 $0x1082;
	[sflag:s4] =	ssyncset.s32 $0xFFFFF086  }
0x25: {  	[simem:s6], [sflag:s4] =	dma.local [hbm:s3], $0xF7A  }
0x26: {  	[smem:$0x3F9F] =	sst s1;
	(tag) =	ssettag s2;
	_ =	strace s9  }
0x27: {  	s1 =	sld [smem:$0x3FAF]  }
0x28: {  	s2 =	sld [smem:$0x3FB0]  }
0x29: {  	s4 =	sld [smem:$0x3FB2]  }
0x2a: {  	p0 =	seq.s32 s5, $0x0;
	s5 =	sld [smem:$0x3FB3]  }
0x2b: {  	s6 =	sld [smem:$0x3FB4]  }
0x2c: {  	s7 =	sld [smem:$0x3FB5]  }
0x2d: {  	s3 =	simm.s32 $0x108;
	s8 =	sld [smem:$0x3FB6]  }
0x2e: {  	s3 =	simm.s32 @!p0 $0x1082;
	s9 =	sld [smem:$0x3FB7]  }
0x2f: {  	lr =	sadd.s32 s0, s3;
	s0 =	sld [smem:$0x3FAE]  }
0x30: {  	s3 =	sld [smem:$0x3FB1]  }
0x31: {  	[smem:$0x3FBA] =	sst s10  }
0x32: {  	s10 =	sld [smem:$0x3FB8];
	_ =	sdelay $0x3  }
0x33: {  	p0 =	seq.s32 s10, $0x1;
	s10 =	sld [smem:$0x3FBA];
	_ =	sdelay $0x3  }
0x34: {  	[smem:$0x3FBA] =	sst s10  }
0x35: {  	s10 =	sld [smem:$0x3FB9];
	_ =	sdelay $0x3  }
0x36: {  	p1 =	seq.s32 s10, $0x1;
	s10 =	sld [smem:$0x3FBA];
	_ =	sdelay $0x3  }
0x37: {  	[smem:$0x3FBA] =	sst s10  }
0x38: {  	s10 =	sld [smem:$0x3FBB]  }
0x39: {  	_ = 	snop;
	(pc) =	sbr.ind lr, $3  }
0x3a: {  	_ = 	snop  }
0x3b: {  	_ = 	snop  }
0x3c: {  	p2 =	seq.s32 s10, $0x1;
	s10 =	sld [smem:$0x3FBA]  }
0x3d: {  	_ =	shalt  }
0x3e: {  	_ =	shalt  }
0x3f: {  	_ =	shalt  }
0x40: {  	_ =	shalt  }
0x41: {  	_ =	shalt  }
0x42: {  	_ =	shalt  }
0x43: {  	_ =	shalt  }
0x44: {  	_ =	shalt  }
0x45: {  	_ =	shalt  }
0x46: {  	_ =	shalt  }
0x47: {  	_ =	shalt  }
0x48: {  	_ =	shalt  }
0x49: {  	_ =	shalt  }
0x4a: {  	_ =	shalt  }
0x4b: {  	_ =	shalt  }
0x4c: {  	_ =	shalt  }
0x4d: {  	_ =	shalt  }
0x4e: {  	_ =	shalt  }
0x4f: {  	_ =	shalt  }
0x50: {  	_ =	shalt  }
0x51: {  	_ =	shalt  }
0x52: {  	_ =	shalt  }
0x53: {  	_ =	shalt  }
0x54: {  	_ =	shalt  }
0x55: {  	_ =	shalt  }
0x56: {  	_ =	shalt  }
0x57: {  	_ =	shalt  }
0x58: {  	_ =	shalt  }
0x59: {  	_ =	shalt  }
0x5a: {  	_ =	shalt  }
0x5b: {  	_ =	shalt  }
0x5c: {  	_ =	shalt  }
0x5d: {  	_ =	shalt  }
0x5e: {  	_ =	shalt  }
0x5f: {  	_ =	shalt  }
0x60: {  	_ =	shalt  }
0x61: {  	_ =	shalt  }
0x62: {  	_ =	shalt  }
0x63: {  	_ =	shalt  }
0x64: {  	_ =	shalt  }
0x65: {  	_ =	shalt  }
0x66: {  	_ =	shalt  }
0x67: {  	_ =	shalt  }
0x68: {  	_ =	shalt  }
0x69: {  	_ =	shalt  }
0x6a: {  	_ =	shalt  }
0x6b: {  	_ =	shalt  }
0x6c: {  	_ =	shalt  }
0x6d: {  	_ =	shalt  }
0x6e: {  	_ =	shalt  }
0x6f: {  	_ =	shalt  }
0x70: {  	_ =	shalt  }
0x71: {  	_ =	shalt  }
0x72: {  	_ =	shalt  }
0x73: {  	_ =	shalt  }
0x74: {  	_ =	shalt  }
0x75: {  	_ =	shalt  }
0x76: {  	_ =	shalt  }
0x77: {  	_ =	shalt  }
0x78: {  	_ =	shalt  }
0x79: {  	_ =	shalt  }
0x7a: {  	_ =	shalt  }
0x7b: {  	_ =	shalt  }
0x7c: {  	_ =	shalt  }
0x7d: {  	_ =	shalt  }
0x7e: {  	_ =	shalt  }
0x7f: {  	_ =	shalt  }
0x80: {  	_ =	shalt  }
0x81: {  	_ =	shalt  }
0x82: {  	_ =	shalt  }
0x83: {  	_ =	shalt  }
0x84: {  	_ =	shalt  }
0x85: {  	_ =	shalt  }
0x86: {  	_ =	shalt  }
0x87: {  	_ =	shalt  }
.Lfunc_end0:
.L_simem_size_0:
called_computation_lowered:
.L_overlay_start_0:
0x88: {  	s2 =	sld [smem:$0x3FD9]  }
0x89: {  	s3 =	sld [smem:$0x3FFE];
	_ =	sdelay $0x1  }
0x8a: {  	s1 =	srdreg.scid  }
0x8b: {  	s0 =	sand.u32 $0x1, s1  }
0x8c: {  	s17 =	sshll.u32 s0, $0xA;
	s2 =	sadd.s32 s3, s2  }
0x8d: {  	s2 =	sadd.s32 s2, s17  }
0x8e: {  	[smem:$0x3FC6] =	sst s2  }
0x8f: {  	_ = 	snop  }
0x90: {  	s2 =	sld [smem:$0x3FD0];
	(tm) =	ssettm $0x1  }
0x91: {  	s18 =	sld [smem:$0x3FFB];
	_ =	sdelay $0x3  }
0x92: {  	_ =	strace s18  }
0x93: {  	s3 =	sld [smem:$0x3FFC];
	_ =	sdelay $0x3  }
0x94: {  	_ =	strace s3  }
0x95: {  	s3 =	sld [smem:$0x3FFD];
	_ =	sdelay $0x3  }
0x96: {  	_ =	strace s3  }
0x97: {  	_ =	strace $0x8FFFFFFF  }
0x98: {  	s19 =	sld [smem:$0x3FDB];
	_ =	sdelay $0x1  }
0x99: {  	s4 =	simm.s32 $_scs_section_size  }
0x9a: {  	s5 =	simm.s32 $_size__tile_overlayer_lowered;
	s6 =	simm.s32 $_tile_overlayer_lowered  }
0x9b: {  	s22 =	simm.s32 $0x1BFF;
	s21 =	sshll.u32 s6, $0x1;
	s3 =	sadd.s32 s4, s19  }
0x9c: {  	s7 =	simm.s32 $0x0;
	s20 =	sshll.u32 s5, $0x1;
	s5 =	sadd.s32 s21, s3  }
0x9d: {  	[timem:s7], [sflag:s22] =	dma.local [hbm:s5], s20  }
0x9e: {  	_ =	swait.ge [sflag:s22], s20  }
0x9f: {  	s4 =	ssub.s32 $0x0, s20;
	[sflag:s22] =	ssyncset.done $0x0  }
0xa0: {  	[sflag:s22] =	ssyncadd.s32 s4;
	_ =	sdelay $0x1  }
0xa1: {  	s23 =	simm.s32 $0x1B8B  }
0xa2: {  	_ =	swait.ge [sflag:s23], $0x1  }
0xa3: {  	[sflag:s23] =	ssyncset.done $0x0  }
0xa4: {  	s25 =	simm.s32 $0x1B8E;
	s24 =	sld [smem:$0x3FFE];
	[sflag:s23] =	ssyncadd.s32 $0xFFFFFFFF  }
0xa5: {  	s26 =	simm.s32 $execute0_lowered;
	[smem:$0x3FD2] =	sst s25  }
0xa6: {  	s5 =	sshll.u32 s26, $0x1;
	_ =	strace $0x80000046;
	[dreg:$0x1] =	wrdreg $0xFFFFFFFF  }
0xa7: {  	s28 =	simm.s32 $_size_execute0_lowered;
	s3 =	sadd.s32 s3, s5;
	[dreg:$0x0] =	wrdreg $0x0  }
0xa8: {  	s5 =	sshll.u32 s28, $0x1;
	[dreg:$0x2] =	wrdreg s3  }
0xa9: {  	[dreg:$0x3] =	wrdreg s5  }
0xaa: {  	[dreg:$0x4] =	wrdreg $0xC0  }
0xab: {  	_ =	task [dreg:s7], $0x5FFFF  }
0xac: {  	[dreg:$0x1] =	wrdreg $0xFFFFFFFF  }
0xad: {  	[dreg:$0x0] =	wrdreg $0x60  }
0xae: {  	[dreg:$0x2] =	wrdreg s24  }
0xaf: {  	[dreg:$0x3] =	wrdreg s2  }
0xb0: {  	[dreg:$0x4] =	wrdreg $0x9  }
0xb1: {  	_ =	task.clear_ibuf [dreg:s7], $0x5FFFF;
	_ =	strace $0x90000046  }
0xb2: {  	s29 =	simm.s32 $0x9;
	_ =	strace $0x80000048  }
0xb3: {  	_ =	swait.ge [sflag:s29], $0x1  }
0xb4: {  	[sflag:s29] =	ssyncadd.s32 $0xFFFFFFFF  }
0xb5: {  	_ =	strace $0x90000048  }
0xb6: {  	_ =	sfence  }
0xb7: {  	s30 =	sld [smem:$0x0];
	_ =	sdelay $0x2  }
0xb8: {  	s31 =	sshll.u32 s1, $0xD;
	s1 =	sshrl.u32 s1, $0x2  }
0xb9: {  	s3 =	sand.u32 $0x4000, s31;
	s1 =	sadd.s32 s1, s30  }
0xba: {  	s0 =	sor.u32 s3, s0;
	s1 =	sshll.u32 s1, $0x11  }
0xbb: {  	s0 =	sor.u32 s1, s0  }
0xbc: {  	s0 =	sadd.s32 $0x8F2B, s0  }
0xbd: {  	[sflag:s0] =	ssyncadd.remote.s32 $0x1  }
0xbe: {  	_ =	sfence.sel $0xFFFF  }
0xbf: {  	[dreg:$0x0] =	wrdreg $0xFFFFFFFF;
	(pc) =	sbr.abs _section_cstart, $3  }
0xc0: {  	[dreg:$0x1] =	wrdreg $0xFFFFFFFF  }
0xc1: {  	_ =	task.clear_ibuf [dreg:s7], $0x2FFFF;
	_ =	strace $0x9FFFFFFF  }
0xc2: {  	(tm) =	ssettm $0x7FFFFFFF  }
0xc3: {  	_ =	shalt  }
tec
execute0_lowered:
.L_overlay_start_1:
0x0: {  	(tag) =	ssettag $0x1  }
0x1: {  	s0 =	srdreg.scid;
	s5 =	rddreg [dreg:$0x0]  }
0x2: {  	s1 =	stileid.u32;
	s2 =	rddreg [dreg:$0x1];
	s3 =	simm.s32 $0x0  }
0x3: {  	s16 =	simm.s32 $0x1;
	s17 =	simm.s32 $0x200;
	s20 =	simm.s32 $0x2  }
0x4: {  	s21 =	simm.s32 $0x8400;
	s24 =	simm.s32 $0x3;
	s25 =	simm.s32 $0x5  }
0x5: {  	s31 =	simm.s32 $0xFF60;
	s0 =	sand.u32 $0x1, s0;
	s1 =	sshll.u32 s1, $0x1  }
0x6: {  	s13 =	simm.s32 $0x10168;
	s12 =	simm.s32 $0x0;
	s1 =	sor.u32 s0, s1  }
0x7: {  	[smem:$0x7FF] =	sst s3;
	s9 =	sadd.s32 $0x4000, s2;
	s4 =	smul.u32 $0x6400, s1  }
0x8: {  	s10 =	sadd.s32 $0x8000, s2;
	s0 =	ssub.s32 $0x2, s0;
	s6 =	smul.u32 $0x2400, s1  }
0x9: {  	s11 =	sadd.s32 $0xC000, s2;
	_ =	strace $0x80000047;
	s26 =	sshrl.u32 s0, $0x1  }
0xa: {  	s0 =	ssub.s32 s0, s26;
	s7 =	sand.u32 $0xFC000, s4;
	s6 =	sand.u32 $0x3C00, s6  }
0xb: {  	s26 =	simm.s32 $0xC500;
	s4 =	sadd.s32 $0x600, s5;
	s6 =	sor.u32 s6, s7  }
0xc: {  	s0 =	smax.u32 s0, $0x1;
	s8 =	sshrl.u32 s6, $0x3;
	s6 =	smul.u32 $0x32, s1  }
.Ltmp0:
0xd: {  	[dreg:$0x7] =	wrdreg s0;
	s28 =	sadd.s32 s4, s8;
	(pc) =	sbr.rel .LBB2_1-.Ltmp0, $4  }
0xe: {  	v0 =	vlaneseq.u32;
	s5 =	sadd.s32 $0xF42C00, s5;
	[dreg:$0x3] =	wrdreg s28;
	s1 =	sadd.s32 $0x40, s28  }
0xf: {  	v0 =	vmul.u32 $0x208, v0;
	s0 =	simm.s32 $0x10578;
	s29 =	sadd.s32 $0x2, s6;
	[dreg:$0x4] =	wrdreg s1  }
0x10: {  	s8 =	simm.s32 $0x4;
	s30 =	sadd.s32 $0x31, s6;
	[dreg:$0x5] =	wrdreg s29  }
0x11: {  	v1 =	vadd.s32 $0x2080, v0;
	s14 =	sadd.s32 $0x3, s6;
	[dreg:$0x6] =	wrdreg s30;
	s1 =	simm.s32 $0x10370  }
.LBB2_24:
0x12: {  	_ =	swait.ge [sflag:s8], $0x400  }
0x13: {  	[sflag:s8] =	ssyncset.done $0x0  }
0x14: {  	[sflag:s8] =	ssyncadd.s32 $0xFFFFFC00  }
0x15: {  	_ =	swait.ge [sflag:s25], $0x400  }
0x16: {  	[sflag:s25] =	ssyncset.done $0x0  }
0x17: {  	[sflag:s25] =	ssyncadd.s32 $0xFFFFFC00  }
0x18: {  	_ =	swait.ge [sflag:s8], $0x400  }
0x19: {  	[sflag:s8] =	ssyncset.done $0x0  }
0x1a: {  	[sflag:s8] =	ssyncadd.s32 $0xFFFFFC00  }
0x1b: {  	_ =	swait.ge [sflag:s25], $0x400  }
0x1c: {  	[sflag:s25] =	ssyncset.done $0x0  }
0x1d: {  	[sflag:s25] =	ssyncadd.s32 $0xFFFFFC00  }
0x1e: {  	_ =	swait.ge [sflag:s8], $0x400  }
0x1f: {  	[sflag:s8] =	ssyncset.done $0x0  }
0x20: {  	[sflag:s8] =	ssyncadd.s32 $0xFFFFFC00  }
0x21: {  	_ =	swait.ge [sflag:s25], $0x400  }
0x22: {  	[sflag:s25] =	ssyncset.done $0x0  }
0x23: {  	[sflag:s25] =	ssyncadd.s32 $0xFFFFFC00  }
0x24: {  	_ =	swait.ge [sflag:s8], $0x400  }
0x25: {  	[sflag:s8] =	ssyncset.done $0x0  }
0x26: {  	[sflag:s8] =	ssyncadd.s32 $0xFFFFFC00  }
0x27: {  	_ =	swait.ge [sflag:s25], $0x400  }
0x28: {  	[sflag:s25] =	ssyncset.done $0x0  }
0x29: {  	[sflag:s25] =	ssyncadd.s32 $0xFFFFFC00  }
0x2a: {  	_ =	swait.ge [sflag:s8], $0x400  }
0x2b: {  	[sflag:s8] =	ssyncset.done $0x0  }
0x2c: {  	[sflag:s8] =	ssyncadd.s32 $0xFFFFFC00  }
0x2d: {  	_ =	swait.ge [sflag:s25], $0x400  }
0x2e: {  	[sflag:s25] =	ssyncset.done $0x0  }
0x2f: {  	[sflag:s25] =	ssyncadd.s32 $0xFFFFFC00  }
0x30: {  	_ =	swait.ge [sflag:s8], $0x400  }
0x31: {  	[sflag:s8] =	ssyncset.done $0x0  }
0x32: {  	[sflag:s8] =	ssyncadd.s32 $0xFFFFFC00  }
0x33: {  	_ =	swait.ge [sflag:s25], $0x400  }
0x34: {  	[sflag:s25] =	ssyncset.done $0x0  }
0x35: {  	[sflag:s25] =	ssyncadd.s32 $0xFFFFFC00  }
0x36: {  	_ =	swait.ge [sflag:s8], $0x400  }
0x37: {  	[sflag:s8] =	ssyncset.done $0x0  }
0x38: {  	[sflag:s8] =	ssyncadd.s32 $0xFFFFFC00  }
0x39: {  	_ =	swait.ge [sflag:s25], $0x400  }
0x3a: {  	[sflag:s25] =	ssyncset.done $0x0  }
0x3b: {  	[sflag:s25] =	ssyncadd.s32 $0xFFFFFC00  }
0x3c: {  	_ =	swait.ge [sflag:s8], $0x400  }
0x3d: {  	[sflag:s8] =	ssyncset.done $0x0  }
0x3e: {  	[sflag:s8] =	ssyncadd.s32 $0xFFFFFC00  }
0x3f: {  	_ =	swait.ge [sflag:s25], $0x400  }
0x40: {  	[sflag:s25] =	ssyncset.done $0x0  }
0x41: {  	[sflag:s25] =	ssyncadd.s32 $0xFFFFFC00  }
0x42: {  	_ =	swait.ge [sflag:s8], $0x400  }
0x43: {  	[sflag:s8] =	ssyncset.done $0x0  }
0x44: {  	[sflag:s8] =	ssyncadd.s32 $0xFFFFFC00  }
0x45: {  	_ =	swait.ge [sflag:s25], $0x400  }
0x46: {  	[sflag:s25] =	ssyncset.done $0x0  }
0x47: {  	[sflag:s25] =	ssyncadd.s32 $0xFFFFFC00  }
0x48: {  	_ =	swait.ge [sflag:s8], $0x400  }
0x49: {  	[sflag:s8] =	ssyncset.done $0x0  }
0x4a: {  	[sflag:s8] =	ssyncadd.s32 $0xFFFFFC00  }
0x4b: {  	_ =	swait.ge [sflag:s25], $0x400  }
0x4c: {  	[sflag:s25] =	ssyncset.done $0x0  }
0x4d: {  	[sflag:s25] =	ssyncadd.s32 $0xFFFFFC00  }
0x4e: {  	_ =	swait.ge [sflag:s8], $0x400  }
0x4f: {  	[sflag:s8] =	ssyncset.done $0x0  }
0x50: {  	[sflag:s8] =	ssyncadd.s32 $0xFFFFFC00  }
0x51: {  	_ =	swait.ge [sflag:s25], $0x400  }
0x52: {  	[sflag:s25] =	ssyncset.done $0x0  }
0x53: {  	[sflag:s25] =	ssyncadd.s32 $0xFFFFFC00  }
0x54: {  	_ =	swait.ge [sflag:s8], $0x400  }
0x55: {  	[sflag:s8] =	ssyncset.done $0x0  }
0x56: {  	[sflag:s8] =	ssyncadd.s32 $0xFFFFFC00  }
0x57: {  	_ =	swait.ge [sflag:s25], $0x400  }
0x58: {  	[sflag:s25] =	ssyncset.done $0x0  }
0x59: {  	[sflag:s25] =	ssyncadd.s32 $0xFFFFFC00  }
0x5a: {  	_ =	swait.ge [sflag:s8], $0x400  }
0x5b: {  	[sflag:s8] =	ssyncset.done $0x0  }
0x5c: {  	[sflag:s8] =	ssyncadd.s32 $0xFFFFFC00  }
0x5d: {  	_ =	swait.ge [sflag:s25], $0x400  }
0x5e: {  	[sflag:s25] =	ssyncset.done $0x0  }
0x5f: {  	[sflag:s25] =	ssyncadd.s32 $0xFFFFFC00  }
0x60: {  	_ =	swait.ge [sflag:s8], $0x400  }
0x61: {  	[sflag:s8] =	ssyncset.done $0x0  }
0x62: {  	[sflag:s8] =	ssyncadd.s32 $0xFFFFFC00  }
0x63: {  	_ =	swait.ge [sflag:s25], $0x400  }
0x64: {  	[sflag:s25] =	ssyncset.done $0x0  }
0x65: {  	[sflag:s25] =	ssyncadd.s32 $0xFFFFFC00  }
0x66: {  	_ =	swait.ge [sflag:s8], $0x400  }
0x67: {  	[sflag:s8] =	ssyncset.done $0x0  }
0x68: {  	[sflag:s8] =	ssyncadd.s32 $0xFFFFFC00  }
0x69: {  	_ =	swait.ge [sflag:s25], $0x400  }
0x6a: {  	[sflag:s25] =	ssyncset.done $0x0  }
0x6b: {  	[sflag:s25] =	ssyncadd.s32 $0xFFFFFC00  }
0x6c: {  	_ =	swait.ge [sflag:s8], $0x400  }
0x6d: {  	[sflag:s8] =	ssyncset.done $0x0  }
0x6e: {  	[sflag:s8] =	ssyncadd.s32 $0xFFFFFC00  }
0x6f: {  	_ =	swait.ge [sflag:s25], $0x400  }
0x70: {  	s12 =	rddreg [dreg:$0x8]  }
0x71: {  	s7 =	rddreg [dreg:$0x7];
	s12 =	sadd.s32 $0x1, s12  }
0x72: {  	p0 =	sne.s32 s12, s7  }
.Ltmp1:
0x73: {  	_ = 	snop;
	(pc) =	sbr.rel @!p0 .LBB2_25-.Ltmp1, $3  }
0x74: {  	_ =	sdelay $0x1  }
0x75: {  	[sflag:s25] =	ssyncset.done $0x0  }
0x76: {  	[sflag:s25] =	ssyncadd.s32 $0xFFFFFC00  }
.LBB2_1:
0x77: {  	[dreg:$0x8] =	wrdreg s12  }
0x78: {  	s7 =	rddreg [dreg:$0x3]  }
0x79: {  	[tilespmem:s3], [sflag:$0x1] =	stream.linear.gather [hbm4b:s7+s3], $0x200, $0x38;
	[tilespmem:$0x10600] =	vst v63  }
0x7a: {  	_ =	swait.ge [sflag:s16], $0x200  }
0x7b: {  	[sflag:s16] =	ssyncset.done $0x0  }
0x7c: {  	s12 =	simm.s32 $0x40;
	s7 =	simm.s32 $0x0;
	[sflag:s16] =	ssyncadd.s32 $0xFFFFFE00  }
.LBB2_2:
0x7d: {  	p0 =	sne.s32 s12, $0x7C0;
	v2 =	vld [tilespmem:s7+$0x0];
	_ =	sdelay $0x1  }
.Ltmp2:
0x7e: {  	(pc) =	sbr.rel @p0 .LBB2_2-.Ltmp2, $3  }
0x7f: {  	_ =	sdelay $0x1  }
0x80: {  	v2 =	vadd.s32 $0x1, v2  }
0x81: {  	[tilespmem:s7+$0x0] =	vst v2;
	s7 =	sshra.s32 s12, $0x2;
	s12 =	sadd.s32 $0x40, s12  }
0x82: {  	v2 =	vld [tilespmem:s7+$0x0];
	_ =	sdelay $0x4  }
0x83: {  	v2 =	vadd.s32 $0x1, v2  }
0x84: {  	s15 =	simm.s32 $0x0;
	s29 =	simm.s32 $0x400;
	[tilespmem:s7+$0x0] =	vst v2  }
0x85: {  	[tilespmem:s29], [sflag:$0x2] =	stream.indirect.gather [hbm4b:s5+s17], $0x20, s15, s17, $0xb8;
	[tilespmem:$0x10600] =	vst v63  }
0x86: {  	s30 =	rddreg [dreg:$0x4]  }
0x87: {  	[tilespmem:s17], [sflag:$0x1] =	stream.linear.gather [hbm4b:s30+s15], $0x200, $0x38;
	[tilespmem:$0x10600] =	vst v63  }
.LBB2_4:
0x88: {  	_ =	swait.ge [sflag:s16], $0x200  }
0x89: {  	[sflag:s16] =	ssyncset.done $0x0  }
0x8a: {  	s7 =	simm.s32 $0x0;
	s12 =	simm.s32 $0x40;
	[sflag:s16] =	ssyncadd.s32 $0xFFFFFE00  }
.LBB2_5:
0x8b: {  	p0 =	sne.s32 s12, $0x7C0;
	v2 =	vld [tilespmem:s7+$0x200];
	_ =	sdelay $0x1  }
.Ltmp3:
0x8c: {  	(pc) =	sbr.rel @p0 .LBB2_5-.Ltmp3, $3  }
0x8d: {  	_ =	sdelay $0x1  }
0x8e: {  	v2 =	vadd.s32 $0x1, v2  }
0x8f: {  	[tilespmem:s7+$0x200] =	vst v2;
	s7 =	sshra.s32 s12, $0x2;
	s12 =	sadd.s32 $0x40, s12  }
0x90: {  	v2 =	vld [tilespmem:s7+$0x200];
	_ =	sdelay $0x4  }
0x91: {  	v2 =	vadd.s32 $0x1, v2  }
0x92: {  	s23 =	simm.s32 $0x4400;
	[tilespmem:s7+$0x200] =	vst v2  }
0x93: {  	[tilespmem:s23], [sflag:$0x3] =	stream.indirect.gather [hbm4b:s5+s17], $0x20, s17, s17, $0xb8;
	[tilespmem:$0x10600] =	vst v63  }
0x94: {  	_ =	swait.ge [sflag:s20], $0x4000  }
0x95: {  	p0 =	seq.s32 s15, $0x0;
	[sflag:s20] =	ssyncset.done $0x0  }
0x96: {  	s7 =	simm.s32 @!p0 $0x4;
	[sflag:s20] =	ssyncadd.s32 $0xFFFFC000  }
0x97: {  	_ =	swait.ge @!p0 [sflag:s7], $0x400  }
0x98: {  	[sflag:s7] =	ssyncset.done @!p0 $0x0  }
0x99: {  	[sflag:s7] =	ssyncadd.s32 @!p0 $0xFFFFFC00  }
0x9a: {  	_ =	swait.ge @!p0 [sflag:s7], $0x400  }
0x9b: {  	[sflag:s7] =	ssyncset.done @!p0 $0x0  }
0x9c: {  	[sflag:s7] =	ssyncadd.s32 @!p0 $0xFFFFFC00  }
0x9d: {  	_ =	swait.ge @!p0 [sflag:s7], $0x400  }
0x9e: {  	[sflag:s7] =	ssyncset.done @!p0 $0x0  }
0x9f: {  	[sflag:s7] =	ssyncadd.s32 @!p0 $0xFFFFFC00  }
0xa0: {  	_ =	swait.ge @!p0 [sflag:s7], $0x400  }
0xa1: {  	[sflag:s7] =	ssyncset.done @!p0 $0x0  }
0xa2: {  	[sflag:s7] =	ssyncadd.s32 @!p0 $0xFFFFFC00  }
0xa3: {  	_ =	swait.ge @!p0 [sflag:s7], $0x400  }
0xa4: {  	[sflag:s7] =	ssyncset.done @!p0 $0x0  }
0xa5: {  	[sflag:s7] =	ssyncadd.s32 @!p0 $0xFFFFFC00  }
0xa6: {  	_ =	swait.ge @!p0 [sflag:s7], $0x400  }
0xa7: {  	[sflag:s7] =	ssyncset.done @!p0 $0x0  }
0xa8: {  	[sflag:s7] =	ssyncadd.s32 @!p0 $0xFFFFFC00  }
0xa9: {  	_ =	swait.ge @!p0 [sflag:s7], $0x400  }
0xaa: {  	[sflag:s7] =	ssyncset.done @!p0 $0x0  }
0xab: {  	[sflag:s7] =	ssyncadd.s32 @!p0 $0xFFFFFC00  }
0xac: {  	_ =	swait.ge @!p0 [sflag:s7], $0x400  }
0xad: {  	[sflag:s7] =	ssyncset.done @!p0 $0x0  }
0xae: {  	[sflag:s7] =	ssyncadd.s32 @!p0 $0xFFFFFC00  }
0xaf: {  	_ =	swait.ge @!p0 [sflag:s7], $0x400  }
0xb0: {  	[sflag:s7] =	ssyncset.done @!p0 $0x0  }
0xb1: {  	[sflag:s7] =	ssyncadd.s32 @!p0 $0xFFFFFC00  }
0xb2: {  	_ =	swait.ge @!p0 [sflag:s7], $0x400  }
0xb3: {  	[sflag:s7] =	ssyncset.done @!p0 $0x0  }
0xb4: {  	[sflag:s7] =	ssyncadd.s32 @!p0 $0xFFFFFC00  }
0xb5: {  	_ =	swait.ge @!p0 [sflag:s7], $0x400  }
0xb6: {  	[sflag:s7] =	ssyncset.done @!p0 $0x0  }
0xb7: {  	[sflag:s7] =	ssyncadd.s32 @!p0 $0xFFFFFC00  }
0xb8: {  	_ =	swait.ge @!p0 [sflag:s7], $0x400  }
0xb9: {  	[sflag:s7] =	ssyncset.done @!p0 $0x0  }
0xba: {  	[sflag:s7] =	ssyncadd.s32 @!p0 $0xFFFFFC00  }
0xbb: {  	_ =	swait.ge @!p0 [sflag:s7], $0x400  }
0xbc: {  	[sflag:s7] =	ssyncset.done @!p0 $0x0  }
0xbd: {  	[sflag:s7] =	ssyncadd.s32 @!p0 $0xFFFFFC00  }
0xbe: {  	_ =	swait.ge @!p0 [sflag:s7], $0x400  }
0xbf: {  	[sflag:s7] =	ssyncset.done @!p0 $0x0  }
0xc0: {  	[sflag:s7] =	ssyncadd.s32 @!p0 $0xFFFFFC00  }
0xc1: {  	_ =	swait.ge @!p0 [sflag:s7], $0x400  }
0xc2: {  	[sflag:s7] =	ssyncset.done @!p0 $0x0  }
0xc3: {  	[sflag:s7] =	ssyncadd.s32 @!p0 $0xFFFFFC00  }
0xc4: {  	s12 =	simm.s32 $0x0;
	_ =	swait.ge @!p0 [sflag:s7], $0x400  }
0xc5: {  	v2 =	vmov s12;
	[sflag:s7] =	ssyncset.done @!p0 $0x0  }
0xc6: {  	s18 =	simm.s32 $0x440;
	v2 =	vand.u32 $0x1FC, v2;
	[sflag:s7] =	ssyncadd.s32 @!p0 $0xFFFFFC00  }
0xc7: {  	v2 =	vadd.s32 v0, v2;
	v3 =	vld [tilespmem:s18+$0xFFFFFFC0];
	_ =	sdelay $0x2  }
0xc8: {  	s28 =	simm.s32 $0x1  }
0xc9: {  	v4 =	vmov s28  }
0xca: {  	[tilespmem:v2+s21+$0x0] =	vst.idx.msk $0xffff, v3;
	v2 =	vand.u32 $0x1FD, v4  }
0xcb: {  	v3 =	vld [tilespmem:s18+$0xFFFFFFE0];
	v2 =	vadd.s32 v0, v2;
	_ =	sdelay $0x2  }
0xcc: {  	s29 =	simm.s32 $0x2  }
0xcd: {  	v4 =	vmov s29  }
0xce: {  	[tilespmem:v2+s21+$0x0] =	vst.idx.msk $0xffff, v3;
	v2 =	vand.u32 $0x1FE, v4  }
0xcf: {  	v3 =	vld [tilespmem:s18+$0x0];
	v2 =	vadd.s32 v0, v2;
	_ =	sdelay $0x2  }
0xd0: {  	s30 =	simm.s32 $0x3  }
0xd1: {  	v4 =	vmov s30  }
0xd2: {  	[tilespmem:v2+s21+$0x0] =	vst.idx.msk $0xffff, v3;
	v3 =	vand.u32 $0x1FF, v4  }
0xd3: {  	v2 =	vld [tilespmem:s18+$0x20];
	v3 =	vadd.s32 v0, v3;
	_ =	sdelay $0x2  }
0xd4: {  	s19 =	simm.s32 $0x4;
	s7 =	sshll.u32 s15, $0x1  }
0xd5: {  	s22 =	simm.s32 $0x8;
	s12 =	sadd.s32 s6, s7;
	v4 =	vmov s19  }
.LBB2_7:
0xd6: {  	p1 =	sne.s32 s22, $0x1FC;
	v4 =	vand.u32 $0x1FC, v4;
	[tilespmem:v3+s21+$0x0] =	vst.idx.msk $0xffff, v2;
	s18 =	sadd.s32 $0x80, s18  }
0xd7: {  	v2 =	vld [tilespmem:s18+$0xFFFFFFC0];
	v3 =	vadd.s32 v0, v4;
	_ =	sdelay $0x2  }
0xd8: {  	s23 =	sadd.s32 $0x1, s19  }
0xd9: {  	v4 =	vmov s23  }
0xda: {  	[tilespmem:v3+s21+$0x0] =	vst.idx.msk $0xffff, v2;
	v2 =	vand.u32 $0x1FD, v4  }
0xdb: {  	v3 =	vld [tilespmem:s18+$0xFFFFFFE0];
	v2 =	vadd.s32 v0, v2;
	_ =	sdelay $0x2  }
0xdc: {  	s23 =	sadd.s32 $0x2, s19  }
0xdd: {  	v4 =	vmov s23  }
0xde: {  	[tilespmem:v2+s21+$0x0] =	vst.idx.msk $0xffff, v3;
	v2 =	vand.u32 $0x1FE, v4  }
0xdf: {  	v3 =	vld [tilespmem:s18+$0x0];
	v2 =	vadd.s32 v0, v2;
	_ =	sdelay $0x2  }
0xe0: {  	s23 =	sadd.s32 $0x3, s19;
	s19 =	smov.u32 s22  }
0xe1: {  	v4 =	vmov s23  }
0xe2: {  	[tilespmem:v2+s21+$0x0] =	vst.idx.msk $0xffff, v3;
	v3 =	vand.u32 $0x1FF, v4  }
.Ltmp4:
0xe3: {  	v2 =	vld [tilespmem:s18+$0x20];
	v3 =	vadd.s32 v0, v3;
	(pc) =	sbr.rel @p1 .LBB2_7-.Ltmp4, $2  }
0xe4: {  	_ =	sdelay $0x2  }
0xe5: {  	s22 =	sadd.s32 $0x4, s22;
	v4 =	vmov s19  }
0xe6: {  	_ =	sdelay $0x3  }
0xe7: {  	v4 =	vand.u32 $0x1FC, v4;
	[tilespmem:v3+s21+$0x0] =	vst.idx.msk $0xffff, v2;
	s18 =	sadd.s32 $0x80, s18  }
0xe8: {  	v2 =	vld [tilespmem:s18+$0xFFFFFFC0];
	v3 =	vadd.s32 v0, v4;
	_ =	sdelay $0x2  }
0xe9: {  	s22 =	sadd.s32 $0x1, s19  }
0xea: {  	v4 =	vmov s22  }
0xeb: {  	[tilespmem:v3+s21+$0x0] =	vst.idx.msk $0xffff, v2;
	v2 =	vand.u32 $0x1FD, v4  }
0xec: {  	v3 =	vld [tilespmem:s18+$0xFFFFFFE0];
	v2 =	vadd.s32 v0, v2;
	_ =	sdelay $0x2  }
0xed: {  	s30 =	sadd.s32 $0x2, s19  }
0xee: {  	v4 =	vmov s30  }
0xef: {  	[tilespmem:v2+s21+$0x0] =	vst.idx.msk $0xffff, v3;
	v2 =	vand.u32 $0x1FE, v4  }
0xf0: {  	v3 =	vld [tilespmem:s18+$0x0];
	v2 =	vadd.s32 v0, v2;
	_ =	sdelay $0x2  }
0xf1: {  	s23 =	sadd.s32 $0x3, s19  }
0xf2: {  	v4 =	vmov s23  }
0xf3: {  	[tilespmem:v2+s21+$0x0] =	vst.idx.msk $0xffff, v3;
	v2 =	vand.u32 $0x1FF, v4  }
0xf4: {  	v3 =	vld [tilespmem:s18+$0x20];
	v2 =	vadd.s32 v0, v2  }
0xf5: {  	s19 =	sshll.u32 s12, $0xE;
	s30 =	sshll.u32 s12, $0xC  }
0xf6: {  	s12 =	sand.u32 $0x7FF80000, s19;
	s18 =	sand.u32 $0x1E000, s30  }
0xf7: {  	s12 =	sor.u32 s18, s12  }
0xf8: {  	s18 =	sshrl.u32 s12, $0x3  }
0xf9: {  	s23 =	simm.s32 $0x0;
	s12 =	sadd.s32 s2, s18;
	[tilespmem:v2+s21+$0x0] =	vst.idx.msk $0xffff, v3  }
0xfa: {  	[hbm4b:s12+s23] =	stream.linear.scatter [tilespmem:s21], [sflag:$0x4], $0x80, $0x38;
	[tilespmem:$0x10600] =	vst v63  }
0xfb: {  	s30 =	simm.s32 $0x8608;
	s22 =	sadd.s32 $0x10, s12  }
0xfc: {  	[hbm4b:s22+s23] =	stream.linear.scatter [tilespmem:s30], [sflag:$0x4], $0x80, $0x38;
	[tilespmem:$0x10600] =	vst v63  }
0xfd: {  	s22 =	sadd.s32 $0x20, s12;
	s30 =	simm.s32 $0x8810  }
0xfe: {  	[hbm4b:s22+s23] =	stream.linear.scatter [tilespmem:s30], [sflag:$0x4], $0x80, $0x38;
	[tilespmem:$0x10600] =	vst v63  }
0xff: {  	s22 =	sadd.s32 $0x30, s12;
	s30 =	simm.s32 $0x8A18  }
0x100: {  	[hbm4b:s22+s23] =	stream.linear.scatter [tilespmem:s30], [sflag:$0x4], $0x80, $0x38;
	[tilespmem:$0x10600] =	vst v63  }
0x101: {  	s22 =	sadd.s32 $0x40, s12;
	s30 =	simm.s32 $0x8C20  }
0x102: {  	[hbm4b:s22+s23] =	stream.linear.scatter [tilespmem:s30], [sflag:$0x4], $0x80, $0x38;
	[tilespmem:$0x10600] =	vst v63  }
0x103: {  	s22 =	sadd.s32 $0x50, s12;
	s30 =	simm.s32 $0x8E28  }
0x104: {  	[hbm4b:s22+s23] =	stream.linear.scatter [tilespmem:s30], [sflag:$0x4], $0x80, $0x38;
	[tilespmem:$0x10600] =	vst v63  }
0x105: {  	s22 =	sadd.s32 $0x60, s12;
	s30 =	simm.s32 $0x9030  }
0x106: {  	[hbm4b:s22+s23] =	stream.linear.scatter [tilespmem:s30], [sflag:$0x4], $0x80, $0x38;
	[tilespmem:$0x10600] =	vst v63  }
0x107: {  	s12 =	sadd.s32 $0x70, s12;
	s22 =	simm.s32 $0x9238  }
0x108: {  	[hbm4b:s12+s23] =	stream.linear.scatter [tilespmem:s22], [sflag:$0x4], $0x80, $0x38;
	[tilespmem:$0x10600] =	vst v63  }
0x109: {  	s12 =	sor.u32 $0x80, s18  }
0x10a: {  	s30 =	simm.s32 $0x8480;
	s19 =	sadd.s32 s2, s12  }
0x10b: {  	[hbm4b:s19+s23] =	stream.linear.scatter [tilespmem:s30], [sflag:$0x4], $0x80, $0x38;
	[tilespmem:$0x10600] =	vst v63  }
0x10c: {  	s28 =	simm.s32 $0x8688;
	s30 =	sadd.s32 $0x10, s19  }
0x10d: {  	[hbm4b:s30+s23] =	stream.linear.scatter [tilespmem:s28], [sflag:$0x4], $0x80, $0x38;
	[tilespmem:$0x10600] =	vst v63  }
0x10e: {  	s30 =	sadd.s32 $0x20, s19;
	s28 =	simm.s32 $0x8890  }
0x10f: {  	[hbm4b:s30+s23] =	stream.linear.scatter [tilespmem:s28], [sflag:$0x4], $0x80, $0x38;
	[tilespmem:$0x10600] =	vst v63  }
0x110: {  	s30 =	sadd.s32 $0x30, s19;
	s28 =	simm.s32 $0x8A98  }
0x111: {  	[hbm4b:s30+s23] =	stream.linear.scatter [tilespmem:s28], [sflag:$0x4], $0x80, $0x38;
	[tilespmem:$0x10600] =	vst v63  }
0x112: {  	s30 =	sadd.s32 $0x40, s19;
	s28 =	simm.s32 $0x8CA0  }
0x113: {  	[hbm4b:s30+s23] =	stream.linear.scatter [tilespmem:s28], [sflag:$0x4], $0x80, $0x38;
	[tilespmem:$0x10600] =	vst v63  }
0x114: {  	s30 =	sadd.s32 $0x50, s19;
	s28 =	simm.s32 $0x8EA8  }
0x115: {  	[hbm4b:s30+s23] =	stream.linear.scatter [tilespmem:s28], [sflag:$0x4], $0x80, $0x38;
	[tilespmem:$0x10600] =	vst v63  }
0x116: {  	s30 =	sadd.s32 $0x60, s19;
	s28 =	simm.s32 $0x90B0  }
0x117: {  	[hbm4b:s30+s23] =	stream.linear.scatter [tilespmem:s28], [sflag:$0x4], $0x80, $0x38;
	[tilespmem:$0x10600] =	vst v63  }
0x118: {  	s19 =	sadd.s32 $0x70, s19;
	s30 =	simm.s32 $0x92B8  }
0x119: {  	[hbm4b:s19+s23] =	stream.linear.scatter [tilespmem:s30], [sflag:$0x4], $0x80, $0x38;
	[tilespmem:$0x10600] =	vst v63  }
0x11a: {  	s19 =	sor.u32 $0x100, s18  }
0x11b: {  	s28 =	simm.s32 $0x8500;
	s30 =	sadd.s32 s2, s19  }
0x11c: {  	[hbm4b:s30+s23] =	stream.linear.scatter [tilespmem:s28], [sflag:$0x4], $0x80, $0x38;
	[tilespmem:$0x10600] =	vst v63  }
0x11d: {  	s29 =	simm.s32 $0x8708;
	s28 =	sadd.s32 $0x10, s30  }
0x11e: {  	[hbm4b:s28+s23] =	stream.linear.scatter [tilespmem:s29], [sflag:$0x4], $0x80, $0x38;
	[tilespmem:$0x10600] =	vst v63  }
0x11f: {  	s28 =	sadd.s32 $0x20, s30;
	s29 =	simm.s32 $0x8910  }
0x120: {  	[hbm4b:s28+s23] =	stream.linear.scatter [tilespmem:s29], [sflag:$0x4], $0x80, $0x38;
	[tilespmem:$0x10600] =	vst v63  }
0x121: {  	s28 =	sadd.s32 $0x30, s30;
	s29 =	simm.s32 $0x8B18  }
0x122: {  	[hbm4b:s28+s23] =	stream.linear.scatter [tilespmem:s29], [sflag:$0x4], $0x80, $0x38;
	[tilespmem:$0x10600] =	vst v63  }
0x123: {  	s28 =	sadd.s32 $0x40, s30;
	s29 =	simm.s32 $0x8D20  }
0x124: {  	[hbm4b:s28+s23] =	stream.linear.scatter [tilespmem:s29], [sflag:$0x4], $0x80, $0x38;
	[tilespmem:$0x10600] =	vst v63  }
0x125: {  	s28 =	sadd.s32 $0x50, s30;
	s29 =	simm.s32 $0x8F28  }
0x126: {  	[hbm4b:s28+s23] =	stream.linear.scatter [tilespmem:s29], [sflag:$0x4], $0x80, $0x38;
	[tilespmem:$0x10600] =	vst v63  }
0x127: {  	s28 =	sadd.s32 $0x60, s30;
	s29 =	simm.s32 $0x9130  }
0x128: {  	[hbm4b:s28+s23] =	stream.linear.scatter [tilespmem:s29], [sflag:$0x4], $0x80, $0x38;
	[tilespmem:$0x10600] =	vst v63  }
0x129: {  	s22 =	sadd.s32 $0x70, s30;
	s28 =	simm.s32 $0x9338  }
0x12a: {  	[hbm4b:s22+s23] =	stream.linear.scatter [tilespmem:s28], [sflag:$0x4], $0x80, $0x38;
	[tilespmem:$0x10600] =	vst v63  }
0x12b: {  	s22 =	sor.u32 $0x180, s18  }
0x12c: {  	s29 =	simm.s32 $0x8580;
	s28 =	sadd.s32 s2, s22  }
0x12d: {  	[hbm4b:s28+s23] =	stream.linear.scatter [tilespmem:s29], [sflag:$0x4], $0x80, $0x38;
	[tilespmem:$0x10600] =	vst v63  }
0x12e: {  	s30 =	simm.s32 $0x8788;
	s29 =	sadd.s32 $0x10, s28  }
0x12f: {  	[hbm4b:s29+s23] =	stream.linear.scatter [tilespmem:s30], [sflag:$0x4], $0x80, $0x38;
	[tilespmem:$0x10600] =	vst v63  }
0x130: {  	s29 =	sadd.s32 $0x20, s28;
	s30 =	simm.s32 $0x8990  }
0x131: {  	[hbm4b:s29+s23] =	stream.linear.scatter [tilespmem:s30], [sflag:$0x4], $0x80, $0x38;
	[tilespmem:$0x10600] =	vst v63  }
0x132: {  	s29 =	sadd.s32 $0x30, s28;
	s30 =	simm.s32 $0x8B98  }
0x133: {  	[hbm4b:s29+s23] =	stream.linear.scatter [tilespmem:s30], [sflag:$0x4], $0x80, $0x38;
	[tilespmem:$0x10600] =	vst v63  }
0x134: {  	s29 =	sadd.s32 $0x40, s28;
	s30 =	simm.s32 $0x8DA0  }
0x135: {  	[hbm4b:s29+s23] =	stream.linear.scatter [tilespmem:s30], [sflag:$0x4], $0x80, $0x38;
	[tilespmem:$0x10600] =	vst v63  }
0x136: {  	s29 =	sadd.s32 $0x50, s28;
	s30 =	simm.s32 $0x8FA8  }
0x137: {  	[hbm4b:s29+s23] =	stream.linear.scatter [tilespmem:s30], [sflag:$0x4], $0x80, $0x38;
	[tilespmem:$0x10600] =	vst v63  }
0x138: {  	s29 =	sadd.s32 $0x60, s28;
	s30 =	simm.s32 $0x91B0  }
0x139: {  	[hbm4b:s29+s23] =	stream.linear.scatter [tilespmem:s30], [sflag:$0x4], $0x80, $0x38;
	[tilespmem:$0x10600] =	vst v63  }
0x13a: {  	s28 =	sadd.s32 $0x70, s28;
	s29 =	simm.s32 $0x93B8  }
0x13b: {  	[hbm4b:s28+s23] =	stream.linear.scatter [tilespmem:s29], [sflag:$0x4], $0x80, $0x38;
	[tilespmem:$0x10600] =	vst v63  }
0x13c: {  	s28 =	sadd.s32 s18, s9;
	s29 =	simm.s32 $0x9440  }
0x13d: {  	[hbm4b:s28+s23] =	stream.linear.scatter [tilespmem:s29], [sflag:$0x4], $0x80, $0x38;
	[tilespmem:$0x10600] =	vst v63  }
0x13e: {  	s30 =	simm.s32 $0x9648;
	s29 =	sadd.s32 $0x10, s28  }
0x13f: {  	[hbm4b:s29+s23] =	stream.linear.scatter [tilespmem:s30], [sflag:$0x4], $0x80, $0x38;
	[tilespmem:$0x10600] =	vst v63  }
0x140: {  	s29 =	sadd.s32 $0x20, s28;
	s30 =	simm.s32 $0x9850  }
0x141: {  	[hbm4b:s29+s23] =	stream.linear.scatter [tilespmem:s30], [sflag:$0x4], $0x80, $0x38;
	[tilespmem:$0x10600] =	vst v63  }
0x142: {  	s29 =	sadd.s32 $0x30, s28;
	s30 =	simm.s32 $0x9A58  }
0x143: {  	[hbm4b:s29+s23] =	stream.linear.scatter [tilespmem:s30], [sflag:$0x4], $0x80, $0x38;
	[tilespmem:$0x10600] =	vst v63  }
0x144: {  	s29 =	sadd.s32 $0x40, s28;
	s30 =	simm.s32 $0x9C60  }
0x145: {  	[hbm4b:s29+s23] =	stream.linear.scatter [tilespmem:s30], [sflag:$0x4], $0x80, $0x38;
	[tilespmem:$0x10600] =	vst v63  }
0x146: {  	s29 =	sadd.s32 $0x50, s28;
	s30 =	simm.s32 $0x9E68  }
0x147: {  	[hbm4b:s29+s23] =	stream.linear.scatter [tilespmem:s30], [sflag:$0x4], $0x80, $0x38;
	[tilespmem:$0x10600] =	vst v63  }
0x148: {  	s29 =	sadd.s32 $0x60, s28;
	s30 =	simm.s32 $0xA070  }
0x149: {  	[hbm4b:s29+s23] =	stream.linear.scatter [tilespmem:s30], [sflag:$0x4], $0x80, $0x38;
	[tilespmem:$0x10600] =	vst v63  }
0x14a: {  	s28 =	sadd.s32 $0x70, s28;
	s29 =	simm.s32 $0xA278  }
0x14b: {  	[hbm4b:s28+s23] =	stream.linear.scatter [tilespmem:s29], [sflag:$0x4], $0x80, $0x38;
	[tilespmem:$0x10600] =	vst v63  }
0x14c: {  	s28 =	sadd.s32 s12, s9;
	s29 =	simm.s32 $0x94C0  }
0x14d: {  	[hbm4b:s28+s23] =	stream.linear.scatter [tilespmem:s29], [sflag:$0x4], $0x80, $0x38;
	[tilespmem:$0x10600] =	vst v63  }
0x14e: {  	s30 =	simm.s32 $0x96C8;
	s29 =	sadd.s32 $0x10, s28  }
0x14f: {  	[hbm4b:s29+s23] =	stream.linear.scatter [tilespmem:s30], [sflag:$0x4], $0x80, $0x38;
	[tilespmem:$0x10600] =	vst v63  }
0x150: {  	s29 =	sadd.s32 $0x20, s28;
	s30 =	simm.s32 $0x98D0  }
0x151: {  	[hbm4b:s29+s23] =	stream.linear.scatter [tilespmem:s30], [sflag:$0x4], $0x80, $0x38;
	[tilespmem:$0x10600] =	vst v63  }
0x152: {  	s29 =	sadd.s32 $0x30, s28;
	s30 =	simm.s32 $0x9AD8  }
0x153: {  	[hbm4b:s29+s23] =	stream.linear.scatter [tilespmem:s30], [sflag:$0x4], $0x80, $0x38;
	[tilespmem:$0x10600] =	vst v63  }
0x154: {  	s29 =	sadd.s32 $0x40, s28;
	s30 =	simm.s32 $0x9CE0  }
0x155: {  	[hbm4b:s29+s23] =	stream.linear.scatter [tilespmem:s30], [sflag:$0x4], $0x80, $0x38;
	[tilespmem:$0x10600] =	vst v63  }
0x156: {  	s29 =	sadd.s32 $0x50, s28;
	s30 =	simm.s32 $0x9EE8  }
0x157: {  	[hbm4b:s29+s23] =	stream.linear.scatter [tilespmem:s30], [sflag:$0x4], $0x80, $0x38;
	[tilespmem:$0x10600] =	vst v63  }
0x158: {  	s29 =	sadd.s32 $0x60, s28;
	s30 =	simm.s32 $0xA0F0  }
0x159: {  	[hbm4b:s29+s23] =	stream.linear.scatter [tilespmem:s30], [sflag:$0x4], $0x80, $0x38;
	[tilespmem:$0x10600] =	vst v63  }
0x15a: {  	s28 =	sadd.s32 $0x70, s28;
	s29 =	simm.s32 $0xA2F8  }
0x15b: {  	[hbm4b:s28+s23] =	stream.linear.scatter [tilespmem:s29], [sflag:$0x4], $0x80, $0x38;
	[tilespmem:$0x10600] =	vst v63  }
0x15c: {  	s28 =	sadd.s32 s19, s9;
	s29 =	simm.s32 $0x9540  }
0x15d: {  	[hbm4b:s28+s23] =	stream.linear.scatter [tilespmem:s29], [sflag:$0x4], $0x80, $0x38;
	[tilespmem:$0x10600] =	vst v63  }
0x15e: {  	s30 =	simm.s32 $0x9748;
	s29 =	sadd.s32 $0x10, s28  }
0x15f: {  	[hbm4b:s29+s23] =	stream.linear.scatter [tilespmem:s30], [sflag:$0x4], $0x80, $0x38;
	[tilespmem:$0x10600] =	vst v63  }
0x160: {  	s29 =	sadd.s32 $0x20, s28;
	s30 =	simm.s32 $0x9950  }
0x161: {  	[hbm4b:s29+s23] =	stream.linear.scatter [tilespmem:s30], [sflag:$0x4], $0x80, $0x38;
	[tilespmem:$0x10600] =	vst v63  }
0x162: {  	s29 =	sadd.s32 $0x30, s28;
	s30 =	simm.s32 $0x9B58  }
0x163: {  	[hbm4b:s29+s23] =	stream.linear.scatter [tilespmem:s30], [sflag:$0x4], $0x80, $0x38;
	[tilespmem:$0x10600] =	vst v63  }
0x164: {  	s29 =	sadd.s32 $0x40, s28;
	s30 =	simm.s32 $0x9D60  }
0x165: {  	[hbm4b:s29+s23] =	stream.linear.scatter [tilespmem:s30], [sflag:$0x4], $0x80, $0x38;
	[tilespmem:$0x10600] =	vst v63  }
0x166: {  	s29 =	sadd.s32 $0x50, s28;
	s30 =	simm.s32 $0x9F68  }
0x167: {  	[hbm4b:s29+s23] =	stream.linear.scatter [tilespmem:s30], [sflag:$0x4], $0x80, $0x38;
	[tilespmem:$0x10600] =	vst v63  }
0x168: {  	s29 =	sadd.s32 $0x60, s28;
	s30 =	simm.s32 $0xA170  }
0x169: {  	[hbm4b:s29+s23] =	stream.linear.scatter [tilespmem:s30], [sflag:$0x4], $0x80, $0x38;
	[tilespmem:$0x10600] =	vst v63  }
0x16a: {  	s28 =	sadd.s32 $0x70, s28;
	s29 =	simm.s32 $0xA378  }
0x16b: {  	[hbm4b:s28+s23] =	stream.linear.scatter [tilespmem:s29], [sflag:$0x4], $0x80, $0x38;
	[tilespmem:$0x10600] =	vst v63  }
0x16c: {  	s28 =	sadd.s32 s22, s9;
	s29 =	simm.s32 $0x95C0  }
0x16d: {  	[hbm4b:s28+s23] =	stream.linear.scatter [tilespmem:s29], [sflag:$0x4], $0x80, $0x38;
	[tilespmem:$0x10600] =	vst v63  }
0x16e: {  	s30 =	simm.s32 $0x97C8;
	s29 =	sadd.s32 $0x10, s28  }
0x16f: {  	[hbm4b:s29+s23] =	stream.linear.scatter [tilespmem:s30], [sflag:$0x4], $0x80, $0x38;
	[tilespmem:$0x10600] =	vst v63  }
0x170: {  	s29 =	sadd.s32 $0x20, s28;
	s30 =	simm.s32 $0x99D0  }
0x171: {  	[hbm4b:s29+s23] =	stream.linear.scatter [tilespmem:s30], [sflag:$0x4], $0x80, $0x38;
	[tilespmem:$0x10600] =	vst v63  }
0x172: {  	s29 =	sadd.s32 $0x30, s28;
	s30 =	simm.s32 $0x9BD8  }
0x173: {  	[hbm4b:s29+s23] =	stream.linear.scatter [tilespmem:s30], [sflag:$0x4], $0x80, $0x38;
	[tilespmem:$0x10600] =	vst v63  }
0x174: {  	s29 =	sadd.s32 $0x40, s28;
	s30 =	simm.s32 $0x9DE0  }
0x175: {  	[hbm4b:s29+s23] =	stream.linear.scatter [tilespmem:s30], [sflag:$0x4], $0x80, $0x38;
	[tilespmem:$0x10600] =	vst v63  }
0x176: {  	s29 =	sadd.s32 $0x50, s28;
	s30 =	simm.s32 $0x9FE8  }
0x177: {  	[hbm4b:s29+s23] =	stream.linear.scatter [tilespmem:s30], [sflag:$0x4], $0x80, $0x38;
	[tilespmem:$0x10600] =	vst v63  }
0x178: {  	s29 =	sadd.s32 $0x60, s28;
	s30 =	simm.s32 $0xA1F0  }
0x179: {  	[hbm4b:s29+s23] =	stream.linear.scatter [tilespmem:s30], [sflag:$0x4], $0x80, $0x38;
	[tilespmem:$0x10600] =	vst v63  }
0x17a: {  	s28 =	sadd.s32 $0x70, s28;
	s29 =	simm.s32 $0xA3F8  }
0x17b: {  	v2 =	vmov s23;
	[hbm4b:s28+s23] =	stream.linear.scatter [tilespmem:s29], [sflag:$0x4], $0x80, $0x38;
	[tilespmem:$0x10600] =	vst v63  }
0x17c: {  	v2 =	vand.u32 $0x1FC, v2;
	s23 =	simm.s32 $0x450  }
0x17d: {  	v2 =	vadd.s32 v1, v2;
	v3 =	vld [tilespmem:s23+$0xFFFFFFC0];
	_ =	sdelay $0x2  }
0x17e: {  	s28 =	simm.s32 $0x1  }
0x17f: {  	v4 =	vmov s28  }
0x180: {  	[tilespmem:v2+s21+$0x0] =	vst.idx.msk $0xffff, v3;
	v2 =	vand.u32 $0x1FD, v4  }
0x181: {  	v3 =	vld [tilespmem:s23+$0xFFFFFFE0];
	v2 =	vadd.s32 v1, v2;
	_ =	sdelay $0x2  }
0x182: {  	s28 =	simm.s32 $0x2  }
0x183: {  	v4 =	vmov s28  }
0x184: {  	[tilespmem:v2+s21+$0x0] =	vst.idx.msk $0xffff, v3;
	v2 =	vand.u32 $0x1FE, v4  }
0x185: {  	v3 =	vld [tilespmem:s23+$0x0];
	v2 =	vadd.s32 v1, v2;
	_ =	sdelay $0x2  }
0x186: {  	s28 =	simm.s32 $0x3  }
0x187: {  	v4 =	vmov s28  }
0x188: {  	[tilespmem:v2+s21+$0x0] =	vst.idx.msk $0xffff, v3;
	v3 =	vand.u32 $0x1FF, v4  }
0x189: {  	v2 =	vld [tilespmem:s23+$0x20];
	v3 =	vadd.s32 v1, v3;
	_ =	sdelay $0x2  }
0x18a: {  	s28 =	simm.s32 $0x4  }
0x18b: {  	s29 =	simm.s32 $0x8;
	v4 =	vmov s28  }
.LBB2_9:
0x18c: {  	p1 =	sne.s32 s29, $0x1FC;
	v4 =	vand.u32 $0x1FC, v4;
	[tilespmem:v3+s21+$0x0] =	vst.idx.msk $0xffff, v2;
	s23 =	sadd.s32 $0x80, s23  }
0x18d: {  	v2 =	vld [tilespmem:s23+$0xFFFFFFC0];
	v3 =	vadd.s32 v1, v4;
	_ =	sdelay $0x2  }
0x18e: {  	s30 =	sadd.s32 $0x1, s28  }
0x18f: {  	v4 =	vmov s30  }
0x190: {  	[tilespmem:v3+s21+$0x0] =	vst.idx.msk $0xffff, v2;
	v2 =	vand.u32 $0x1FD, v4  }
0x191: {  	v3 =	vld [tilespmem:s23+$0xFFFFFFE0];
	v2 =	vadd.s32 v1, v2;
	_ =	sdelay $0x2  }
0x192: {  	s30 =	sadd.s32 $0x2, s28  }
0x193: {  	v4 =	vmov s30  }
0x194: {  	[tilespmem:v2+s21+$0x0] =	vst.idx.msk $0xffff, v3;
	v2 =	vand.u32 $0x1FE, v4  }
0x195: {  	v3 =	vld [tilespmem:s23+$0x0];
	v2 =	vadd.s32 v1, v2;
	_ =	sdelay $0x2  }
0x196: {  	s30 =	sadd.s32 $0x3, s28;
	s28 =	smov.u32 s29  }
0x197: {  	v4 =	vmov s30  }
0x198: {  	[tilespmem:v2+s21+$0x0] =	vst.idx.msk $0xffff, v3;
	v3 =	vand.u32 $0x1FF, v4  }
.Ltmp5:
0x199: {  	v2 =	vld [tilespmem:s23+$0x20];
	v3 =	vadd.s32 v1, v3;
	(pc) =	sbr.rel @p1 .LBB2_9-.Ltmp5, $2  }
0x19a: {  	_ =	sdelay $0x2  }
0x19b: {  	s29 =	sadd.s32 $0x4, s29;
	v4 =	vmov s28  }
0x19c: {  	_ =	sdelay $0x3  }
0x19d: {  	v4 =	vand.u32 $0x1FC, v4;
	[tilespmem:v3+s21+$0x0] =	vst.idx.msk $0xffff, v2;
	s23 =	sadd.s32 $0x80, s23  }
0x19e: {  	v2 =	vld [tilespmem:s23+$0xFFFFFFC0];
	v3 =	vadd.s32 v1, v4;
	_ =	sdelay $0x2  }
0x19f: {  	s29 =	sadd.s32 $0x1, s28  }
0x1a0: {  	v61 =	vmov s29  }
0x1a1: {  	[tilespmem:v3+s21+$0x0] =	vst.idx.msk $0xffff, v2;
	v2 =	vand.u32 $0x1FD, v61  }
0x1a2: {  	v3 =	vld [tilespmem:s23+$0xFFFFFFE0];
	v2 =	vadd.s32 v1, v2;
	_ =	sdelay $0x2  }
0x1a3: {  	s30 =	sadd.s32 $0x2, s28  }
0x1a4: {  	v62 =	vmov s30  }
0x1a5: {  	[tilespmem:v2+s21+$0x0] =	vst.idx.msk $0xffff, v3;
	v2 =	vand.u32 $0x1FE, v62  }
0x1a6: {  	v3 =	vld [tilespmem:s23+$0x0];
	v2 =	vadd.s32 v1, v2;
	_ =	sdelay $0x2  }
0x1a7: {  	s30 =	sadd.s32 $0x3, s28  }
0x1a8: {  	v63 =	vmov s30  }
0x1a9: {  	[tilespmem:v2+s21+$0x0] =	vst.idx.msk $0xffff, v3;
	v2 =	vand.u32 $0x1FF, v63  }
0x1aa: {  	v3 =	vld [tilespmem:s23+$0x20];
	v2 =	vadd.s32 v1, v2;
	_ =	sdelay $0x4  }
0x1ab: {  	s29 =	simm.s32 $0xA480;
	s23 =	sadd.s32 s18, s10;
	[tilespmem:v2+s21+$0x0] =	vst.idx.msk $0xffff, v3  }
0x1ac: {  	[hbm4b:s23+s3] =	stream.linear.scatter [tilespmem:s29], [sflag:$0x4], $0x80, $0x38;
	[tilespmem:$0x10600] =	vst v63  }
0x1ad: {  	s30 =	simm.s32 $0xA688;
	s28 =	sadd.s32 $0x10, s23  }
0x1ae: {  	[hbm4b:s28+s3] =	stream.linear.scatter [tilespmem:s30], [sflag:$0x4], $0x80, $0x38;
	[tilespmem:$0x10600] =	vst v63  }
0x1af: {  	s28 =	sadd.s32 $0x20, s23;
	s30 =	simm.s32 $0xA890  }
0x1b0: {  	[hbm4b:s28+s3] =	stream.linear.scatter [tilespmem:s30], [sflag:$0x4], $0x80, $0x38;
	[tilespmem:$0x10600] =	vst v63  }
0x1b1: {  	s28 =	sadd.s32 $0x30, s23;
	s30 =	simm.s32 $0xAA98  }
0x1b2: {  	[hbm4b:s28+s3] =	stream.linear.scatter [tilespmem:s30], [sflag:$0x4], $0x80, $0x38;
	[tilespmem:$0x10600] =	vst v63  }
0x1b3: {  	s28 =	sadd.s32 $0x40, s23;
	s30 =	simm.s32 $0xACA0  }
0x1b4: {  	[hbm4b:s28+s3] =	stream.linear.scatter [tilespmem:s30], [sflag:$0x4], $0x80, $0x38;
	[tilespmem:$0x10600] =	vst v63  }
0x1b5: {  	s28 =	sadd.s32 $0x50, s23;
	s30 =	simm.s32 $0xAEA8  }
0x1b6: {  	[hbm4b:s28+s3] =	stream.linear.scatter [tilespmem:s30], [sflag:$0x4], $0x80, $0x38;
	[tilespmem:$0x10600] =	vst v63  }
0x1b7: {  	s28 =	sadd.s32 $0x60, s23;
	s30 =	simm.s32 $0xB0B0  }
0x1b8: {  	[hbm4b:s28+s3] =	stream.linear.scatter [tilespmem:s30], [sflag:$0x4], $0x80, $0x38;
	[tilespmem:$0x10600] =	vst v63  }
0x1b9: {  	s23 =	sadd.s32 $0x70, s23;
	s30 =	simm.s32 $0xB2B8  }
0x1ba: {  	[hbm4b:s23+s3] =	stream.linear.scatter [tilespmem:s30], [sflag:$0x4], $0x80, $0x38;
	[tilespmem:$0x10600] =	vst v63  }
0x1bb: {  	s29 =	simm.s32 $0xA500;
	s23 =	sadd.s32 s12, s10  }
0x1bc: {  	[hbm4b:s23+s3] =	stream.linear.scatter [tilespmem:s29], [sflag:$0x4], $0x80, $0x38;
	[tilespmem:$0x10600] =	vst v63  }
0x1bd: {  	s30 =	simm.s32 $0xA708;
	s28 =	sadd.s32 $0x10, s23  }
0x1be: {  	[hbm4b:s28+s3] =	stream.linear.scatter [tilespmem:s30], [sflag:$0x4], $0x80, $0x38;
	[tilespmem:$0x10600] =	vst v63  }
0x1bf: {  	s28 =	sadd.s32 $0x20, s23;
	s30 =	simm.s32 $0xA910  }
0x1c0: {  	[hbm4b:s28+s3] =	stream.linear.scatter [tilespmem:s30], [sflag:$0x4], $0x80, $0x38;
	[tilespmem:$0x10600] =	vst v63  }
0x1c1: {  	s28 =	sadd.s32 $0x30, s23;
	s30 =	simm.s32 $0xAB18  }
0x1c2: {  	[hbm4b:s28+s3] =	stream.linear.scatter [tilespmem:s30], [sflag:$0x4], $0x80, $0x38;
	[tilespmem:$0x10600] =	vst v63  }
0x1c3: {  	s28 =	sadd.s32 $0x40, s23;
	s30 =	simm.s32 $0xAD20  }
0x1c4: {  	[hbm4b:s28+s3] =	stream.linear.scatter [tilespmem:s30], [sflag:$0x4], $0x80, $0x38;
	[tilespmem:$0x10600] =	vst v63  }
0x1c5: {  	s28 =	sadd.s32 $0x50, s23;
	s30 =	simm.s32 $0xAF28  }
0x1c6: {  	[hbm4b:s28+s3] =	stream.linear.scatter [tilespmem:s30], [sflag:$0x4], $0x80, $0x38;
	[tilespmem:$0x10600] =	vst v63  }
0x1c7: {  	s28 =	sadd.s32 $0x60, s23;
	s30 =	simm.s32 $0xB130  }
0x1c8: {  	[hbm4b:s28+s3] =	stream.linear.scatter [tilespmem:s30], [sflag:$0x4], $0x80, $0x38;
	[tilespmem:$0x10600] =	vst v63  }
0x1c9: {  	s23 =	sadd.s32 $0x70, s23;
	s30 =	simm.s32 $0xB338  }
0x1ca: {  	[hbm4b:s23+s3] =	stream.linear.scatter [tilespmem:s30], [sflag:$0x4], $0x80, $0x38;
	[tilespmem:$0x10600] =	vst v63  }
0x1cb: {  	s29 =	simm.s32 $0xA580;
	s23 =	sadd.s32 s19, s10  }
0x1cc: {  	[hbm4b:s23+s3] =	stream.linear.scatter [tilespmem:s29], [sflag:$0x4], $0x80, $0x38;
	[tilespmem:$0x10600] =	vst v63  }
0x1cd: {  	s30 =	simm.s32 $0xA788;
	s28 =	sadd.s32 $0x10, s23  }
0x1ce: {  	[hbm4b:s28+s3] =	stream.linear.scatter [tilespmem:s30], [sflag:$0x4], $0x80, $0x38;
	[tilespmem:$0x10600] =	vst v63  }
0x1cf: {  	s28 =	sadd.s32 $0x20, s23;
	s30 =	simm.s32 $0xA990  }
0x1d0: {  	[hbm4b:s28+s3] =	stream.linear.scatter [tilespmem:s30], [sflag:$0x4], $0x80, $0x38;
	[tilespmem:$0x10600] =	vst v63  }
0x1d1: {  	s28 =	sadd.s32 $0x30, s23;
	s30 =	simm.s32 $0xAB98  }
0x1d2: {  	[hbm4b:s28+s3] =	stream.linear.scatter [tilespmem:s30], [sflag:$0x4], $0x80, $0x38;
	[tilespmem:$0x10600] =	vst v63  }
0x1d3: {  	s28 =	sadd.s32 $0x40, s23;
	s30 =	simm.s32 $0xADA0  }
0x1d4: {  	[hbm4b:s28+s3] =	stream.linear.scatter [tilespmem:s30], [sflag:$0x4], $0x80, $0x38;
	[tilespmem:$0x10600] =	vst v63  }
0x1d5: {  	s28 =	sadd.s32 $0x50, s23;
	s30 =	simm.s32 $0xAFA8  }
0x1d6: {  	[hbm4b:s28+s3] =	stream.linear.scatter [tilespmem:s30], [sflag:$0x4], $0x80, $0x38;
	[tilespmem:$0x10600] =	vst v63  }
0x1d7: {  	s28 =	sadd.s32 $0x60, s23;
	s30 =	simm.s32 $0xB1B0  }
0x1d8: {  	[hbm4b:s28+s3] =	stream.linear.scatter [tilespmem:s30], [sflag:$0x4], $0x80, $0x38;
	[tilespmem:$0x10600] =	vst v63  }
0x1d9: {  	s23 =	sadd.s32 $0x70, s23;
	s30 =	simm.s32 $0xB3B8  }
0x1da: {  	[hbm4b:s23+s3] =	stream.linear.scatter [tilespmem:s30], [sflag:$0x4], $0x80, $0x38;
	[tilespmem:$0x10600] =	vst v63  }
0x1db: {  	s29 =	simm.s32 $0xA600;
	s23 =	sadd.s32 s22, s10  }
0x1dc: {  	[hbm4b:s23+s3] =	stream.linear.scatter [tilespmem:s29], [sflag:$0x4], $0x80, $0x38;
	[tilespmem:$0x10600] =	vst v63  }
0x1dd: {  	s30 =	simm.s32 $0xA808;
	s28 =	sadd.s32 $0x10, s23  }
0x1de: {  	[hbm4b:s28+s3] =	stream.linear.scatter [tilespmem:s30], [sflag:$0x4], $0x80, $0x38;
	[tilespmem:$0x10600] =	vst v63  }
0x1df: {  	s28 =	sadd.s32 $0x20, s23;
	s30 =	simm.s32 $0xAA10  }
0x1e0: {  	[hbm4b:s28+s3] =	stream.linear.scatter [tilespmem:s30], [sflag:$0x4], $0x80, $0x38;
	[tilespmem:$0x10600] =	vst v63  }
0x1e1: {  	s28 =	sadd.s32 $0x30, s23;
	s30 =	simm.s32 $0xAC18  }
0x1e2: {  	[hbm4b:s28+s3] =	stream.linear.scatter [tilespmem:s30], [sflag:$0x4], $0x80, $0x38;
	[tilespmem:$0x10600] =	vst v63  }
0x1e3: {  	s28 =	sadd.s32 $0x40, s23;
	s30 =	simm.s32 $0xAE20  }
0x1e4: {  	[hbm4b:s28+s3] =	stream.linear.scatter [tilespmem:s30], [sflag:$0x4], $0x80, $0x38;
	[tilespmem:$0x10600] =	vst v63  }
0x1e5: {  	s28 =	sadd.s32 $0x50, s23;
	s30 =	simm.s32 $0xB028  }
0x1e6: {  	[hbm4b:s28+s3] =	stream.linear.scatter [tilespmem:s30], [sflag:$0x4], $0x80, $0x38;
	[tilespmem:$0x10600] =	vst v63  }
0x1e7: {  	s28 =	sadd.s32 $0x60, s23;
	s30 =	simm.s32 $0xB230  }
0x1e8: {  	[hbm4b:s28+s3] =	stream.linear.scatter [tilespmem:s30], [sflag:$0x4], $0x80, $0x38;
	[tilespmem:$0x10600] =	vst v63  }
0x1e9: {  	s23 =	sadd.s32 $0x70, s23;
	s30 =	simm.s32 $0xB438  }
0x1ea: {  	[hbm4b:s23+s3] =	stream.linear.scatter [tilespmem:s30], [sflag:$0x4], $0x80, $0x38;
	[tilespmem:$0x10600] =	vst v63  }
0x1eb: {  	s18 =	sadd.s32 s18, s11;
	s29 =	simm.s32 $0xB4C0  }
0x1ec: {  	[hbm4b:s18+s3] =	stream.linear.scatter [tilespmem:s29], [sflag:$0x4], $0x80, $0x38;
	[tilespmem:$0x10600] =	vst v63  }
0x1ed: {  	s30 =	sadd.s32 $0x10, s18;
	s29 =	simm.s32 $0xB6C8  }
0x1ee: {  	[hbm4b:s30+s3] =	stream.linear.scatter [tilespmem:s29], [sflag:$0x4], $0x80, $0x38;
	[tilespmem:$0x10600] =	vst v63  }
0x1ef: {  	s30 =	sadd.s32 $0x20, s18;
	s29 =	simm.s32 $0xB8D0  }
0x1f0: {  	[hbm4b:s30+s3] =	stream.linear.scatter [tilespmem:s29], [sflag:$0x4], $0x80, $0x38;
	[tilespmem:$0x10600] =	vst v63  }
0x1f1: {  	s30 =	sadd.s32 $0x30, s18;
	s29 =	simm.s32 $0xBAD8  }
0x1f2: {  	[hbm4b:s30+s3] =	stream.linear.scatter [tilespmem:s29], [sflag:$0x4], $0x80, $0x38;
	[tilespmem:$0x10600] =	vst v63  }
0x1f3: {  	s30 =	sadd.s32 $0x40, s18;
	s29 =	simm.s32 $0xBCE0  }
0x1f4: {  	[hbm4b:s30+s3] =	stream.linear.scatter [tilespmem:s29], [sflag:$0x4], $0x80, $0x38;
	[tilespmem:$0x10600] =	vst v63  }
0x1f5: {  	s30 =	sadd.s32 $0x50, s18;
	s29 =	simm.s32 $0xBEE8  }
0x1f6: {  	[hbm4b:s30+s3] =	stream.linear.scatter [tilespmem:s29], [sflag:$0x4], $0x80, $0x38;
	[tilespmem:$0x10600] =	vst v63  }
0x1f7: {  	s30 =	sadd.s32 $0x60, s18;
	s29 =	simm.s32 $0xC0F0  }
0x1f8: {  	[hbm4b:s30+s3] =	stream.linear.scatter [tilespmem:s29], [sflag:$0x4], $0x80, $0x38;
	[tilespmem:$0x10600] =	vst v63  }
0x1f9: {  	s18 =	sadd.s32 $0x70, s18;
	s30 =	simm.s32 $0xC2F8  }
0x1fa: {  	[hbm4b:s18+s3] =	stream.linear.scatter [tilespmem:s30], [sflag:$0x4], $0x80, $0x38;
	[tilespmem:$0x10600] =	vst v63  }
0x1fb: {  	s12 =	sadd.s32 s12, s11;
	s28 =	simm.s32 $0xB540  }
0x1fc: {  	[hbm4b:s12+s3] =	stream.linear.scatter [tilespmem:s28], [sflag:$0x4], $0x80, $0x38;
	[tilespmem:$0x10600] =	vst v63  }
0x1fd: {  	s29 =	sadd.s32 $0x10, s12;
	s30 =	simm.s32 $0xB748  }
0x1fe: {  	[hbm4b:s29+s3] =	stream.linear.scatter [tilespmem:s30], [sflag:$0x4], $0x80, $0x38;
	[tilespmem:$0x10600] =	vst v63  }
0x1ff: {  	s23 =	sadd.s32 $0x20, s12;
	s28 =	simm.s32 $0xB950  }
0x200: {  	[hbm4b:s23+s3] =	stream.linear.scatter [tilespmem:s28], [sflag:$0x4], $0x80, $0x38;
	[tilespmem:$0x10600] =	vst v63  }
0x201: {  	s29 =	sadd.s32 $0x30, s12;
	s30 =	simm.s32 $0xBB58  }
0x202: {  	[hbm4b:s29+s3] =	stream.linear.scatter [tilespmem:s30], [sflag:$0x4], $0x80, $0x38;
	[tilespmem:$0x10600] =	vst v63  }
0x203: {  	s23 =	sadd.s32 $0x40, s12;
	s28 =	simm.s32 $0xBD60  }
0x204: {  	[hbm4b:s23+s3] =	stream.linear.scatter [tilespmem:s28], [sflag:$0x4], $0x80, $0x38;
	[tilespmem:$0x10600] =	vst v63  }
0x205: {  	s29 =	sadd.s32 $0x50, s12;
	s30 =	simm.s32 $0xBF68  }
0x206: {  	[hbm4b:s29+s3] =	stream.linear.scatter [tilespmem:s30], [sflag:$0x4], $0x80, $0x38;
	[tilespmem:$0x10600] =	vst v63  }
0x207: {  	s28 =	sadd.s32 $0x60, s12;
	s29 =	simm.s32 $0xC170  }
0x208: {  	[hbm4b:s28+s3] =	stream.linear.scatter [tilespmem:s29], [sflag:$0x4], $0x80, $0x38;
	[tilespmem:$0x10600] =	vst v63  }
0x209: {  	s12 =	sadd.s32 $0x70, s12;
	s30 =	simm.s32 $0xC378  }
0x20a: {  	[hbm4b:s12+s3] =	stream.linear.scatter [tilespmem:s30], [sflag:$0x4], $0x80, $0x38;
	[tilespmem:$0x10600] =	vst v63  }
0x20b: {  	s12 =	sadd.s32 s19, s11;
	s19 =	simm.s32 $0xB5C0  }
0x20c: {  	[hbm4b:s12+s3] =	stream.linear.scatter [tilespmem:s19], [sflag:$0x4], $0x80, $0x38;
	[tilespmem:$0x10600] =	vst v63  }
0x20d: {  	s28 =	simm.s32 $0xB7C8;
	s23 =	sadd.s32 $0x10, s12  }
0x20e: {  	[hbm4b:s23+s3] =	stream.linear.scatter [tilespmem:s28], [sflag:$0x4], $0x80, $0x38;
	[tilespmem:$0x10600] =	vst v63  }
0x20f: {  	s30 =	simm.s32 $0xB9D0;
	s29 =	sadd.s32 $0x20, s12  }
0x210: {  	[hbm4b:s29+s3] =	stream.linear.scatter [tilespmem:s30], [sflag:$0x4], $0x80, $0x38;
	[tilespmem:$0x10600] =	vst v63  }
0x211: {  	s23 =	sadd.s32 $0x30, s12;
	s28 =	simm.s32 $0xBBD8  }
0x212: {  	[hbm4b:s23+s3] =	stream.linear.scatter [tilespmem:s28], [sflag:$0x4], $0x80, $0x38;
	[tilespmem:$0x10600] =	vst v63  }
0x213: {  	s29 =	sadd.s32 $0x40, s12;
	s30 =	simm.s32 $0xBDE0  }
0x214: {  	[hbm4b:s29+s3] =	stream.linear.scatter [tilespmem:s30], [sflag:$0x4], $0x80, $0x38;
	[tilespmem:$0x10600] =	vst v63  }
0x215: {  	s23 =	sadd.s32 $0x50, s12;
	s28 =	simm.s32 $0xBFE8  }
0x216: {  	[hbm4b:s23+s3] =	stream.linear.scatter [tilespmem:s28], [sflag:$0x4], $0x80, $0x38;
	[tilespmem:$0x10600] =	vst v63  }
0x217: {  	s29 =	sadd.s32 $0x60, s12;
	s30 =	simm.s32 $0xC1F0  }
0x218: {  	[hbm4b:s29+s3] =	stream.linear.scatter [tilespmem:s30], [sflag:$0x4], $0x80, $0x38;
	[tilespmem:$0x10600] =	vst v63  }
0x219: {  	s12 =	sadd.s32 $0x70, s12;
	s23 =	simm.s32 $0xC3F8  }
0x21a: {  	[hbm4b:s12+s3] =	stream.linear.scatter [tilespmem:s23], [sflag:$0x4], $0x80, $0x38;
	[tilespmem:$0x10600] =	vst v63  }
0x21b: {  	s28 =	simm.s32 $0xB640;
	s12 =	sadd.s32 s22, s11  }
0x21c: {  	[hbm4b:s12+s3] =	stream.linear.scatter [tilespmem:s28], [sflag:$0x4], $0x80, $0x38;
	[tilespmem:$0x10600] =	vst v63  }
0x21d: {  	s30 =	simm.s32 $0xB848;
	s29 =	sadd.s32 $0x10, s12  }
0x21e: {  	[hbm4b:s29+s3] =	stream.linear.scatter [tilespmem:s30], [sflag:$0x4], $0x80, $0x38;
	[tilespmem:$0x10600] =	vst v63  }
0x21f: {  	s22 =	simm.s32 $0xBA50;
	s19 =	sadd.s32 $0x20, s12  }
0x220: {  	[hbm4b:s19+s3] =	stream.linear.scatter [tilespmem:s22], [sflag:$0x4], $0x80, $0x38;
	[tilespmem:$0x10600] =	vst v63  }
0x221: {  	s23 =	sadd.s32 $0x30, s12;
	s28 =	simm.s32 $0xBC58  }
0x222: {  	[hbm4b:s23+s3] =	stream.linear.scatter [tilespmem:s28], [sflag:$0x4], $0x80, $0x38;
	[tilespmem:$0x10600] =	vst v63  }
0x223: {  	s29 =	sadd.s32 $0x40, s12;
	s30 =	simm.s32 $0xBE60  }
0x224: {  	[hbm4b:s29+s3] =	stream.linear.scatter [tilespmem:s30], [sflag:$0x4], $0x80, $0x38;
	[tilespmem:$0x10600] =	vst v63  }
0x225: {  	p1 =	sne.s32 s15, $0x18;
	s22 =	sadd.s32 $0x50, s12;
	s23 =	simm.s32 $0xC068  }
0x226: {  	[hbm4b:s22+s3] =	stream.linear.scatter [tilespmem:s23], [sflag:$0x4], $0x80, $0x38;
	[tilespmem:$0x10600] =	vst v63  }
.Ltmp6:
0x227: {  	_ = 	snop;
	(pc) =	sbr.rel @p1 .LBB2_12-.Ltmp6, $4  }
0x228: {  	s28 =	sadd.s32 $0x60, s12;
	s29 =	simm.s32 $0xC270  }
0x229: {  	[hbm4b:s28+s3] =	stream.linear.scatter [tilespmem:s29], [sflag:$0x4], $0x80, $0x38;
	[tilespmem:$0x10600] =	vst v63  }
0x22a: {  	s12 =	sadd.s32 $0x70, s12;
	s30 =	simm.s32 $0xC478  }
0x22b: {  	[hbm4b:s12+s3] =	stream.linear.scatter [tilespmem:s30], [sflag:$0x4], $0x80, $0x38;
	[tilespmem:$0x10600] =	vst v63  }
.Ltmp7:
0x22c: {  	(pc) =	sbr.rel .LBB2_17-.Ltmp7, $4  }
0x22d: {  	_ = 	snop  }
0x22e: {  	_ =	swait.ge [sflag:s24], $0x4000  }
0x22f: {  	[sflag:s24] =	ssyncset.done $0x0  }
0x230: {  	s12 =	rddreg [dreg:$0x6];
	[sflag:s24] =	ssyncadd.s32 $0xFFFFC000  }
.LBB2_12:
0x231: {  	s12 =	rddreg [dreg:$0x5]  }
0x232: {  	s12 =	sadd.s32 s7, s12  }
0x233: {  	s12 =	sshll.u32 s12, $0x6  }
0x234: {  	s12 =	sand.u32 $0xFFFFF80, s12  }
0x235: {  	s12 =	sadd.s32 s4, s12  }
0x236: {  	[tilespmem:s3], [sflag:$0x1] =	stream.linear.gather [hbm4b:s12+s3], $0x200, $0x38;
	[tilespmem:$0x10600] =	vst v63  }
0x237: {  	s12 =	sor.u32 $0x1, s7  }
0x238: {  	p1 =	sgt.u32 s12, $0x30  }
.Ltmp8:
0x239: {  	_ = 	snop;
	(pc) =	sbr.rel @p1 .LBB2_16-.Ltmp8, $1  }
0x23a: {  	_ =	sdelay $0x3  }
0x23b: {  	_ =	swait.ge [sflag:s16], $0x200  }
0x23c: {  	[sflag:s16] =	ssyncset.done $0x0  }
0x23d: {  	s18 =	simm.s32 $0x0;
	s19 =	simm.s32 $0x40;
	[sflag:s16] =	ssyncadd.s32 $0xFFFFFE00  }
.LBB2_14:
0x23e: {  	p1 =	sne.s32 s19, $0x7C0;
	v2 =	vld [tilespmem:s18+$0x0];
	_ =	sdelay $0x1  }
.Ltmp9:
0x23f: {  	(pc) =	sbr.rel @p1 .LBB2_14-.Ltmp9, $3  }
0x240: {  	_ =	sdelay $0x1  }
0x241: {  	v2 =	vadd.s32 $0x1, v2  }
0x242: {  	[tilespmem:s18+$0x0] =	vst v2;
	s18 =	sshra.s32 s19, $0x2;
	s19 =	sadd.s32 $0x40, s19  }
0x243: {  	v2 =	vld [tilespmem:s18+$0x0];
	_ =	sdelay $0x4  }
0x244: {  	v2 =	vadd.s32 $0x1, v2  }
0x245: {  	s30 =	simm.s32 $0x400;
	[tilespmem:s18+$0x0] =	vst v2  }
0x246: {  	[tilespmem:s30], [sflag:$0x2] =	stream.indirect.gather [hbm4b:s5+s17], $0x20, s3, s17, $0xb8;
	[tilespmem:$0x10600] =	vst v63  }
.LBB2_16:
.Ltmp10:
0x247: {  	(pc) =	sbr.rel @p0 .LBB2_18-.Ltmp10, $4  }
0x248: {  	_ = 	snop  }
0x249: {  	_ =	swait.ge [sflag:s24], $0x4000  }
0x24a: {  	[sflag:s24] =	ssyncset.done $0x0  }
0x24b: {  	s12 =	sadd.s32 s6, s12;
	[sflag:s24] =	ssyncadd.s32 $0xFFFFC000  }
.LBB2_17:
0x24c: {  	_ =	swait.ge [sflag:s25], $0x400  }
0x24d: {  	[sflag:s25] =	ssyncset.done $0x0  }
0x24e: {  	[sflag:s25] =	ssyncadd.s32 $0xFFFFFC00  }
0x24f: {  	_ =	swait.ge [sflag:s25], $0x400  }
0x250: {  	[sflag:s25] =	ssyncset.done $0x0  }
0x251: {  	[sflag:s25] =	ssyncadd.s32 $0xFFFFFC00  }
0x252: {  	_ =	swait.ge [sflag:s25], $0x400  }
0x253: {  	[sflag:s25] =	ssyncset.done $0x0  }
0x254: {  	[sflag:s25] =	ssyncadd.s32 $0xFFFFFC00  }
0x255: {  	_ =	swait.ge [sflag:s25], $0x400  }
0x256: {  	[sflag:s25] =	ssyncset.done $0x0  }
0x257: {  	[sflag:s25] =	ssyncadd.s32 $0xFFFFFC00  }
0x258: {  	_ =	swait.ge [sflag:s25], $0x400  }
0x259: {  	[sflag:s25] =	ssyncset.done $0x0  }
0x25a: {  	[sflag:s25] =	ssyncadd.s32 $0xFFFFFC00  }
0x25b: {  	_ =	swait.ge [sflag:s25], $0x400  }
0x25c: {  	[sflag:s25] =	ssyncset.done $0x0  }
0x25d: {  	[sflag:s25] =	ssyncadd.s32 $0xFFFFFC00  }
0x25e: {  	_ =	swait.ge [sflag:s25], $0x400  }
0x25f: {  	[sflag:s25] =	ssyncset.done $0x0  }
0x260: {  	[sflag:s25] =	ssyncadd.s32 $0xFFFFFC00  }
0x261: {  	_ =	swait.ge [sflag:s25], $0x400  }
0x262: {  	[sflag:s25] =	ssyncset.done $0x0  }
0x263: {  	[sflag:s25] =	ssyncadd.s32 $0xFFFFFC00  }
0x264: {  	_ =	swait.ge [sflag:s25], $0x400  }
0x265: {  	[sflag:s25] =	ssyncset.done $0x0  }
0x266: {  	[sflag:s25] =	ssyncadd.s32 $0xFFFFFC00  }
0x267: {  	_ =	swait.ge [sflag:s25], $0x400  }
0x268: {  	[sflag:s25] =	ssyncset.done $0x0  }
0x269: {  	[sflag:s25] =	ssyncadd.s32 $0xFFFFFC00  }
0x26a: {  	_ =	swait.ge [sflag:s25], $0x400  }
0x26b: {  	[sflag:s25] =	ssyncset.done $0x0  }
0x26c: {  	[sflag:s25] =	ssyncadd.s32 $0xFFFFFC00  }
0x26d: {  	_ =	swait.ge [sflag:s25], $0x400  }
0x26e: {  	[sflag:s25] =	ssyncset.done $0x0  }
0x26f: {  	[sflag:s25] =	ssyncadd.s32 $0xFFFFFC00  }
0x270: {  	_ =	swait.ge [sflag:s25], $0x400  }
0x271: {  	[sflag:s25] =	ssyncset.done $0x0  }
0x272: {  	[sflag:s25] =	ssyncadd.s32 $0xFFFFFC00  }
0x273: {  	_ =	swait.ge [sflag:s25], $0x400  }
0x274: {  	[sflag:s25] =	ssyncset.done $0x0  }
0x275: {  	[sflag:s25] =	ssyncadd.s32 $0xFFFFFC00  }
0x276: {  	_ =	swait.ge [sflag:s25], $0x400  }
0x277: {  	[sflag:s25] =	ssyncset.done $0x0  }
0x278: {  	[sflag:s25] =	ssyncadd.s32 $0xFFFFFC00  }
0x279: {  	_ =	swait.ge [sflag:s25], $0x400  }
0x27a: {  	[sflag:s25] =	ssyncset.done $0x0  }
0x27b: {  	[sflag:s25] =	ssyncadd.s32 $0xFFFFFC00  }
.LBB2_18:
0x27c: {  	s18 =	simm.s32 $0x0  }
0x27d: {  	v2 =	vmov s18  }
0x27e: {  	s18 =	simm.s32 $0x4400;
	v2 =	vand.u32 $0x1FC, v2  }
0x27f: {  	v3 =	vld [tilespmem:s18+$0x0];
	v2 =	vadd.s32 v0, v2;
	_ =	sdelay $0x2  }
0x280: {  	s19 =	simm.s32 $0x1  }
0x281: {  	v4 =	vmov s19  }
0x282: {  	[tilespmem:v2+s26+$0x0] =	vst.idx.msk $0xffff, v3;
	v2 =	vand.u32 $0x1FD, v4  }
0x283: {  	v3 =	vld [tilespmem:s18+$0x20];
	v2 =	vadd.s32 v0, v2;
	_ =	sdelay $0x2  }
0x284: {  	s29 =	simm.s32 $0x2  }
0x285: {  	v4 =	vmov s29  }
0x286: {  	[tilespmem:v2+s26+$0x0] =	vst.idx.msk $0xffff, v3;
	v2 =	vand.u32 $0x1FE, v4  }
0x287: {  	v3 =	vld [tilespmem:s18+$0x40];
	v2 =	vadd.s32 v0, v2;
	_ =	sdelay $0x2  }
0x288: {  	s30 =	simm.s32 $0x3  }
0x289: {  	v4 =	vmov s30  }
0x28a: {  	[tilespmem:v2+s26+$0x0] =	vst.idx.msk $0xffff, v3;
	v3 =	vand.u32 $0x1FF, v4  }
0x28b: {  	v2 =	vld [tilespmem:s18+$0x60];
	v3 =	vadd.s32 v0, v3;
	_ =	sdelay $0x2  }
0x28c: {  	s23 =	simm.s32 $0x4;
	s22 =	simm.s32 $0xB;
	s19 =	simm.s32 $0x7  }
.LBB2_19:
0x28d: {  	p0 =	sne.s32 s22, $0x1FF;
	v4 =	vmov s23  }
0x28e: {  	s18 =	sadd.s32 $0x80, s18;
	v4 =	vand.u32 $0x1FC, v4;
	[tilespmem:v3+s26+$0x0] =	vst.idx.msk $0xffff, v2  }
0x28f: {  	v2 =	vld [tilespmem:s18+$0x0];
	v3 =	vadd.s32 v0, v4;
	_ =	sdelay $0x2  }
0x290: {  	s23 =	sadd.s32 $0xFFFFFFFE, s19  }
0x291: {  	v4 =	vmov s23  }
0x292: {  	[tilespmem:v3+s26+$0x0] =	vst.idx.msk $0xffff, v2;
	v2 =	vand.u32 $0x1FD, v4  }
0x293: {  	v3 =	vld [tilespmem:s18+$0x20];
	v2 =	vadd.s32 v0, v2;
	_ =	sdelay $0x2  }
0x294: {  	s23 =	sadd.s32 $0xFFFFFFFF, s19  }
0x295: {  	v4 =	vmov s23  }
0x296: {  	[tilespmem:v2+s26+$0x0] =	vst.idx.msk $0xffff, v3;
	v2 =	vand.u32 $0x1FE, v4  }
0x297: {  	v3 =	vld [tilespmem:s18+$0x40];
	v2 =	vadd.s32 v0, v2;
	_ =	sdelay $0x3  }
0x298: {  	v4 =	vmov s19;
	s19 =	smov.u32 s22  }
.Ltmp11:
0x299: {  	[tilespmem:v2+s26+$0x0] =	vst.idx.msk $0xffff, v3;
	v3 =	vand.u32 $0x1FF, v4;
	(pc) =	sbr.rel @p0 .LBB2_19-.Ltmp11, $2  }
0x29a: {  	v2 =	vld [tilespmem:s18+$0x60];
	v3 =	vadd.s32 v0, v3;
	_ =	sdelay $0x2  }
0x29b: {  	s22 =	sadd.s32 $0x4, s22;
	s23 =	sadd.s32 $0xFFFFFFFD, s19  }
0x29c: {  	_ =	sdelay $0x2  }
0x29d: {  	v4 =	vmov s23  }
0x29e: {  	s18 =	sadd.s32 $0x80, s18;
	v4 =	vand.u32 $0x1FC, v4;
	[tilespmem:v3+s26+$0x0] =	vst.idx.msk $0xffff, v2  }
0x29f: {  	v2 =	vld [tilespmem:s18+$0x0];
	v3 =	vadd.s32 v0, v4;
	_ =	sdelay $0x2  }
0x2a0: {  	s22 =	sadd.s32 $0xFFFFFFFE, s19  }
0x2a1: {  	v4 =	vmov s22  }
0x2a2: {  	[tilespmem:v3+s26+$0x0] =	vst.idx.msk $0xffff, v2;
	v2 =	vand.u32 $0x1FD, v4  }
0x2a3: {  	v3 =	vld [tilespmem:s18+$0x20];
	v2 =	vadd.s32 v0, v2;
	_ =	sdelay $0x2  }
0x2a4: {  	s23 =	sadd.s32 $0xFFFFFFFF, s19  }
0x2a5: {  	v4 =	vmov s23  }
0x2a6: {  	[tilespmem:v2+s26+$0x0] =	vst.idx.msk $0xffff, v3;
	v2 =	vand.u32 $0x1FE, v4  }
0x2a7: {  	v3 =	vld [tilespmem:s18+$0x40];
	v2 =	vadd.s32 v0, v2;
	_ =	sdelay $0x3  }
0x2a8: {  	v4 =	vmov s19  }
0x2a9: {  	[tilespmem:v2+s26+$0x0] =	vst.idx.msk $0xffff, v3;
	v2 =	vand.u32 $0x1FF, v4  }
0x2aa: {  	v3 =	vld [tilespmem:s18+$0x60];
	v2 =	vadd.s32 v0, v2  }
0x2ab: {  	s23 =	sshll.u32 s12, $0xC;
	s19 =	sshll.u32 s12, $0xE  }
0x2ac: {  	s12 =	sand.u32 $0x7FF80000, s19;
	s18 =	sand.u32 $0x1F000, s23  }
0x2ad: {  	s12 =	sor.u32 s18, s12  }
0x2ae: {  	s18 =	sshrl.u32 s12, $0x3  }
0x2af: {  	s12 =	sadd.s32 s2, s18;
	[tilespmem:v2+s26+$0x0] =	vst.idx.msk $0xffff, v3  }
0x2b0: {  	[hbm4b:s12+s3] =	stream.linear.scatter [tilespmem:s26], [sflag:$0x5], $0x80, $0x38;
	[tilespmem:$0x10600] =	vst v63  }
0x2b1: {  	s23 =	simm.s32 $0xC708;
	s22 =	sadd.s32 $0x10, s12  }
0x2b2: {  	[hbm4b:s22+s3] =	stream.linear.scatter [tilespmem:s23], [sflag:$0x5], $0x80, $0x38;
	[tilespmem:$0x10600] =	vst v63  }
0x2b3: {  	s22 =	sadd.s32 $0x20, s12;
	s23 =	simm.s32 $0xC910  }
0x2b4: {  	[hbm4b:s22+s3] =	stream.linear.scatter [tilespmem:s23], [sflag:$0x5], $0x80, $0x38;
	[tilespmem:$0x10600] =	vst v63  }
0x2b5: {  	s22 =	sadd.s32 $0x30, s12;
	s23 =	simm.s32 $0xCB18  }
0x2b6: {  	[hbm4b:s22+s3] =	stream.linear.scatter [tilespmem:s23], [sflag:$0x5], $0x80, $0x38;
	[tilespmem:$0x10600] =	vst v63  }
0x2b7: {  	s22 =	sadd.s32 $0x40, s12;
	s23 =	simm.s32 $0xCD20  }
0x2b8: {  	[hbm4b:s22+s3] =	stream.linear.scatter [tilespmem:s23], [sflag:$0x5], $0x80, $0x38;
	[tilespmem:$0x10600] =	vst v63  }
0x2b9: {  	s22 =	sadd.s32 $0x50, s12;
	s23 =	simm.s32 $0xCF28  }
0x2ba: {  	[hbm4b:s22+s3] =	stream.linear.scatter [tilespmem:s23], [sflag:$0x5], $0x80, $0x38;
	[tilespmem:$0x10600] =	vst v63  }
0x2bb: {  	s22 =	sadd.s32 $0x60, s12;
	s23 =	simm.s32 $0xD130  }
0x2bc: {  	[hbm4b:s22+s3] =	stream.linear.scatter [tilespmem:s23], [sflag:$0x5], $0x80, $0x38;
	[tilespmem:$0x10600] =	vst v63  }
0x2bd: {  	s12 =	sadd.s32 $0x70, s12;
	s22 =	simm.s32 $0xD338  }
0x2be: {  	[hbm4b:s12+s3] =	stream.linear.scatter [tilespmem:s22], [sflag:$0x5], $0x80, $0x38;
	[tilespmem:$0x10600] =	vst v63  }
0x2bf: {  	s12 =	sor.u32 $0x80, s18  }
0x2c0: {  	s23 =	simm.s32 $0xC580;
	s19 =	sadd.s32 s2, s12  }
0x2c1: {  	[hbm4b:s19+s3] =	stream.linear.scatter [tilespmem:s23], [sflag:$0x5], $0x80, $0x38;
	[tilespmem:$0x10600] =	vst v63  }
0x2c2: {  	s22 =	sadd.s32 $0x10, s19;
	s23 =	simm.s32 $0xC788  }
0x2c3: {  	[hbm4b:s22+s3] =	stream.linear.scatter [tilespmem:s23], [sflag:$0x5], $0x80, $0x38;
	[tilespmem:$0x10600] =	vst v63  }
0x2c4: {  	s22 =	sadd.s32 $0x20, s19;
	s23 =	simm.s32 $0xC990  }
0x2c5: {  	[hbm4b:s22+s3] =	stream.linear.scatter [tilespmem:s23], [sflag:$0x5], $0x80, $0x38;
	[tilespmem:$0x10600] =	vst v63  }
0x2c6: {  	s22 =	sadd.s32 $0x30, s19;
	s23 =	simm.s32 $0xCB98  }
0x2c7: {  	[hbm4b:s22+s3] =	stream.linear.scatter [tilespmem:s23], [sflag:$0x5], $0x80, $0x38;
	[tilespmem:$0x10600] =	vst v63  }
0x2c8: {  	s22 =	sadd.s32 $0x40, s19;
	s23 =	simm.s32 $0xCDA0  }
0x2c9: {  	[hbm4b:s22+s3] =	stream.linear.scatter [tilespmem:s23], [sflag:$0x5], $0x80, $0x38;
	[tilespmem:$0x10600] =	vst v63  }
0x2ca: {  	s22 =	sadd.s32 $0x50, s19;
	s23 =	simm.s32 $0xCFA8  }
0x2cb: {  	[hbm4b:s22+s3] =	stream.linear.scatter [tilespmem:s23], [sflag:$0x5], $0x80, $0x38;
	[tilespmem:$0x10600] =	vst v63  }
0x2cc: {  	s22 =	sadd.s32 $0x60, s19;
	s23 =	simm.s32 $0xD1B0  }
0x2cd: {  	[hbm4b:s22+s3] =	stream.linear.scatter [tilespmem:s23], [sflag:$0x5], $0x80, $0x38;
	[tilespmem:$0x10600] =	vst v63  }
0x2ce: {  	s19 =	sadd.s32 $0x70, s19;
	s23 =	simm.s32 $0xD3B8  }
0x2cf: {  	[hbm4b:s19+s3] =	stream.linear.scatter [tilespmem:s23], [sflag:$0x5], $0x80, $0x38;
	[tilespmem:$0x10600] =	vst v63  }
0x2d0: {  	s19 =	sor.u32 $0x100, s18  }
0x2d1: {  	s23 =	simm.s32 $0xC600;
	s22 =	sadd.s32 s2, s19  }
0x2d2: {  	[hbm4b:s22+s3] =	stream.linear.scatter [tilespmem:s23], [sflag:$0x5], $0x80, $0x38;
	[tilespmem:$0x10600] =	vst v63  }
0x2d3: {  	s28 =	simm.s32 $0xC808;
	s23 =	sadd.s32 $0x10, s22  }
0x2d4: {  	[hbm4b:s23+s3] =	stream.linear.scatter [tilespmem:s28], [sflag:$0x5], $0x80, $0x38;
	[tilespmem:$0x10600] =	vst v63  }
0x2d5: {  	s23 =	sadd.s32 $0x20, s22;
	s28 =	simm.s32 $0xCA10  }
0x2d6: {  	[hbm4b:s23+s3] =	stream.linear.scatter [tilespmem:s28], [sflag:$0x5], $0x80, $0x38;
	[tilespmem:$0x10600] =	vst v63  }
0x2d7: {  	s23 =	sadd.s32 $0x30, s22;
	s28 =	simm.s32 $0xCC18  }
0x2d8: {  	[hbm4b:s23+s3] =	stream.linear.scatter [tilespmem:s28], [sflag:$0x5], $0x80, $0x38;
	[tilespmem:$0x10600] =	vst v63  }
0x2d9: {  	s23 =	sadd.s32 $0x40, s22;
	s28 =	simm.s32 $0xCE20  }
0x2da: {  	[hbm4b:s23+s3] =	stream.linear.scatter [tilespmem:s28], [sflag:$0x5], $0x80, $0x38;
	[tilespmem:$0x10600] =	vst v63  }
0x2db: {  	s23 =	sadd.s32 $0x50, s22;
	s28 =	simm.s32 $0xD028  }
0x2dc: {  	[hbm4b:s23+s3] =	stream.linear.scatter [tilespmem:s28], [sflag:$0x5], $0x80, $0x38;
	[tilespmem:$0x10600] =	vst v63  }
0x2dd: {  	s23 =	sadd.s32 $0x60, s22;
	s28 =	simm.s32 $0xD230  }
0x2de: {  	[hbm4b:s23+s3] =	stream.linear.scatter [tilespmem:s28], [sflag:$0x5], $0x80, $0x38;
	[tilespmem:$0x10600] =	vst v63  }
0x2df: {  	s22 =	sadd.s32 $0x70, s22;
	s23 =	simm.s32 $0xD438  }
0x2e0: {  	[hbm4b:s22+s3] =	stream.linear.scatter [tilespmem:s23], [sflag:$0x5], $0x80, $0x38;
	[tilespmem:$0x10600] =	vst v63  }
0x2e1: {  	s22 =	sor.u32 $0x180, s18  }
0x2e2: {  	s28 =	simm.s32 $0xC680;
	s23 =	sadd.s32 s2, s22  }
0x2e3: {  	[hbm4b:s23+s3] =	stream.linear.scatter [tilespmem:s28], [sflag:$0x5], $0x80, $0x38;
	[tilespmem:$0x10600] =	vst v63  }
0x2e4: {  	s29 =	simm.s32 $0xC888;
	s28 =	sadd.s32 $0x10, s23  }
0x2e5: {  	[hbm4b:s28+s3] =	stream.linear.scatter [tilespmem:s29], [sflag:$0x5], $0x80, $0x38;
	[tilespmem:$0x10600] =	vst v63  }
0x2e6: {  	s28 =	sadd.s32 $0x20, s23;
	s29 =	simm.s32 $0xCA90  }
0x2e7: {  	[hbm4b:s28+s3] =	stream.linear.scatter [tilespmem:s29], [sflag:$0x5], $0x80, $0x38;
	[tilespmem:$0x10600] =	vst v63  }
0x2e8: {  	s28 =	sadd.s32 $0x30, s23;
	s29 =	simm.s32 $0xCC98  }
0x2e9: {  	[hbm4b:s28+s3] =	stream.linear.scatter [tilespmem:s29], [sflag:$0x5], $0x80, $0x38;
	[tilespmem:$0x10600] =	vst v63  }
0x2ea: {  	s28 =	sadd.s32 $0x40, s23;
	s29 =	simm.s32 $0xCEA0  }
0x2eb: {  	[hbm4b:s28+s3] =	stream.linear.scatter [tilespmem:s29], [sflag:$0x5], $0x80, $0x38;
	[tilespmem:$0x10600] =	vst v63  }
0x2ec: {  	s28 =	sadd.s32 $0x50, s23;
	s29 =	simm.s32 $0xD0A8  }
0x2ed: {  	[hbm4b:s28+s3] =	stream.linear.scatter [tilespmem:s29], [sflag:$0x5], $0x80, $0x38;
	[tilespmem:$0x10600] =	vst v63  }
0x2ee: {  	s28 =	sadd.s32 $0x60, s23;
	s29 =	simm.s32 $0xD2B0  }
0x2ef: {  	[hbm4b:s28+s3] =	stream.linear.scatter [tilespmem:s29], [sflag:$0x5], $0x80, $0x38;
	[tilespmem:$0x10600] =	vst v63  }
0x2f0: {  	s23 =	sadd.s32 $0x70, s23;
	s28 =	simm.s32 $0xD4B8  }
0x2f1: {  	[hbm4b:s23+s3] =	stream.linear.scatter [tilespmem:s28], [sflag:$0x5], $0x80, $0x38;
	[tilespmem:$0x10600] =	vst v63  }
0x2f2: {  	s23 =	sadd.s32 s18, s9;
	s28 =	simm.s32 $0xD540  }
0x2f3: {  	[hbm4b:s23+s3] =	stream.linear.scatter [tilespmem:s28], [sflag:$0x5], $0x80, $0x38;
	[tilespmem:$0x10600] =	vst v63  }
0x2f4: {  	s29 =	simm.s32 $0xD748;
	s28 =	sadd.s32 $0x10, s23  }
0x2f5: {  	[hbm4b:s28+s3] =	stream.linear.scatter [tilespmem:s29], [sflag:$0x5], $0x80, $0x38;
	[tilespmem:$0x10600] =	vst v63  }
0x2f6: {  	s28 =	sadd.s32 $0x20, s23;
	s29 =	simm.s32 $0xD950  }
0x2f7: {  	[hbm4b:s28+s3] =	stream.linear.scatter [tilespmem:s29], [sflag:$0x5], $0x80, $0x38;
	[tilespmem:$0x10600] =	vst v63  }
0x2f8: {  	s28 =	sadd.s32 $0x30, s23;
	s29 =	simm.s32 $0xDB58  }
0x2f9: {  	[hbm4b:s28+s3] =	stream.linear.scatter [tilespmem:s29], [sflag:$0x5], $0x80, $0x38;
	[tilespmem:$0x10600] =	vst v63  }
0x2fa: {  	s28 =	sadd.s32 $0x40, s23;
	s29 =	simm.s32 $0xDD60  }
0x2fb: {  	[hbm4b:s28+s3] =	stream.linear.scatter [tilespmem:s29], [sflag:$0x5], $0x80, $0x38;
	[tilespmem:$0x10600] =	vst v63  }
0x2fc: {  	s28 =	sadd.s32 $0x50, s23;
	s29 =	simm.s32 $0xDF68  }
0x2fd: {  	[hbm4b:s28+s3] =	stream.linear.scatter [tilespmem:s29], [sflag:$0x5], $0x80, $0x38;
	[tilespmem:$0x10600] =	vst v63  }
0x2fe: {  	s28 =	sadd.s32 $0x60, s23;
	s29 =	simm.s32 $0xE170  }
0x2ff: {  	[hbm4b:s28+s3] =	stream.linear.scatter [tilespmem:s29], [sflag:$0x5], $0x80, $0x38;
	[tilespmem:$0x10600] =	vst v63  }
0x300: {  	s23 =	sadd.s32 $0x70, s23;
	s28 =	simm.s32 $0xE378  }
0x301: {  	[hbm4b:s23+s3] =	stream.linear.scatter [tilespmem:s28], [sflag:$0x5], $0x80, $0x38;
	[tilespmem:$0x10600] =	vst v63  }
0x302: {  	s23 =	sadd.s32 s12, s9;
	s28 =	simm.s32 $0xD5C0  }
0x303: {  	[hbm4b:s23+s3] =	stream.linear.scatter [tilespmem:s28], [sflag:$0x5], $0x80, $0x38;
	[tilespmem:$0x10600] =	vst v63  }
0x304: {  	s29 =	simm.s32 $0xD7C8;
	s28 =	sadd.s32 $0x10, s23  }
0x305: {  	[hbm4b:s28+s3] =	stream.linear.scatter [tilespmem:s29], [sflag:$0x5], $0x80, $0x38;
	[tilespmem:$0x10600] =	vst v63  }
0x306: {  	s28 =	sadd.s32 $0x20, s23;
	s29 =	simm.s32 $0xD9D0  }
0x307: {  	[hbm4b:s28+s3] =	stream.linear.scatter [tilespmem:s29], [sflag:$0x5], $0x80, $0x38;
	[tilespmem:$0x10600] =	vst v63  }
0x308: {  	s28 =	sadd.s32 $0x30, s23;
	s29 =	simm.s32 $0xDBD8  }
0x309: {  	[hbm4b:s28+s3] =	stream.linear.scatter [tilespmem:s29], [sflag:$0x5], $0x80, $0x38;
	[tilespmem:$0x10600] =	vst v63  }
0x30a: {  	s28 =	sadd.s32 $0x40, s23;
	s29 =	simm.s32 $0xDDE0  }
0x30b: {  	[hbm4b:s28+s3] =	stream.linear.scatter [tilespmem:s29], [sflag:$0x5], $0x80, $0x38;
	[tilespmem:$0x10600] =	vst v63  }
0x30c: {  	s28 =	sadd.s32 $0x50, s23;
	s29 =	simm.s32 $0xDFE8  }
0x30d: {  	[hbm4b:s28+s3] =	stream.linear.scatter [tilespmem:s29], [sflag:$0x5], $0x80, $0x38;
	[tilespmem:$0x10600] =	vst v63  }
0x30e: {  	s28 =	sadd.s32 $0x60, s23;
	s29 =	simm.s32 $0xE1F0  }
0x30f: {  	[hbm4b:s28+s3] =	stream.linear.scatter [tilespmem:s29], [sflag:$0x5], $0x80, $0x38;
	[tilespmem:$0x10600] =	vst v63  }
0x310: {  	s23 =	sadd.s32 $0x70, s23;
	s28 =	simm.s32 $0xE3F8  }
0x311: {  	[hbm4b:s23+s3] =	stream.linear.scatter [tilespmem:s28], [sflag:$0x5], $0x80, $0x38;
	[tilespmem:$0x10600] =	vst v63  }
0x312: {  	s23 =	sadd.s32 s19, s9;
	s28 =	simm.s32 $0xD640  }
0x313: {  	[hbm4b:s23+s3] =	stream.linear.scatter [tilespmem:s28], [sflag:$0x5], $0x80, $0x38;
	[tilespmem:$0x10600] =	vst v63  }
0x314: {  	s29 =	simm.s32 $0xD848;
	s28 =	sadd.s32 $0x10, s23  }
0x315: {  	[hbm4b:s28+s3] =	stream.linear.scatter [tilespmem:s29], [sflag:$0x5], $0x80, $0x38;
	[tilespmem:$0x10600] =	vst v63  }
0x316: {  	s28 =	sadd.s32 $0x20, s23;
	s29 =	simm.s32 $0xDA50  }
0x317: {  	[hbm4b:s28+s3] =	stream.linear.scatter [tilespmem:s29], [sflag:$0x5], $0x80, $0x38;
	[tilespmem:$0x10600] =	vst v63  }
0x318: {  	s28 =	sadd.s32 $0x30, s23;
	s29 =	simm.s32 $0xDC58  }
0x319: {  	[hbm4b:s28+s3] =	stream.linear.scatter [tilespmem:s29], [sflag:$0x5], $0x80, $0x38;
	[tilespmem:$0x10600] =	vst v63  }
0x31a: {  	s28 =	sadd.s32 $0x40, s23;
	s29 =	simm.s32 $0xDE60  }
0x31b: {  	[hbm4b:s28+s3] =	stream.linear.scatter [tilespmem:s29], [sflag:$0x5], $0x80, $0x38;
	[tilespmem:$0x10600] =	vst v63  }
0x31c: {  	s28 =	sadd.s32 $0x50, s23;
	s29 =	simm.s32 $0xE068  }
0x31d: {  	[hbm4b:s28+s3] =	stream.linear.scatter [tilespmem:s29], [sflag:$0x5], $0x80, $0x38;
	[tilespmem:$0x10600] =	vst v63  }
0x31e: {  	s28 =	sadd.s32 $0x60, s23;
	s29 =	simm.s32 $0xE270  }
0x31f: {  	[hbm4b:s28+s3] =	stream.linear.scatter [tilespmem:s29], [sflag:$0x5], $0x80, $0x38;
	[tilespmem:$0x10600] =	vst v63  }
0x320: {  	s23 =	sadd.s32 $0x70, s23;
	s28 =	simm.s32 $0xE478  }
0x321: {  	[hbm4b:s23+s3] =	stream.linear.scatter [tilespmem:s28], [sflag:$0x5], $0x80, $0x38;
	[tilespmem:$0x10600] =	vst v63  }
0x322: {  	s23 =	sadd.s32 s22, s9;
	s28 =	simm.s32 $0xD6C0  }
0x323: {  	[hbm4b:s23+s3] =	stream.linear.scatter [tilespmem:s28], [sflag:$0x5], $0x80, $0x38;
	[tilespmem:$0x10600] =	vst v63  }
0x324: {  	s29 =	simm.s32 $0xD8C8;
	s28 =	sadd.s32 $0x10, s23  }
0x325: {  	[hbm4b:s28+s3] =	stream.linear.scatter [tilespmem:s29], [sflag:$0x5], $0x80, $0x38;
	[tilespmem:$0x10600] =	vst v63  }
0x326: {  	s28 =	sadd.s32 $0x20, s23;
	s29 =	simm.s32 $0xDAD0  }
0x327: {  	[hbm4b:s28+s3] =	stream.linear.scatter [tilespmem:s29], [sflag:$0x5], $0x80, $0x38;
	[tilespmem:$0x10600] =	vst v63  }
0x328: {  	s28 =	sadd.s32 $0x30, s23;
	s29 =	simm.s32 $0xDCD8  }
0x329: {  	[hbm4b:s28+s3] =	stream.linear.scatter [tilespmem:s29], [sflag:$0x5], $0x80, $0x38;
	[tilespmem:$0x10600] =	vst v63  }
0x32a: {  	s28 =	sadd.s32 $0x40, s23;
	s29 =	simm.s32 $0xDEE0  }
0x32b: {  	[hbm4b:s28+s3] =	stream.linear.scatter [tilespmem:s29], [sflag:$0x5], $0x80, $0x38;
	[tilespmem:$0x10600] =	vst v63  }
0x32c: {  	s28 =	sadd.s32 $0x50, s23;
	s29 =	simm.s32 $0xE0E8  }
0x32d: {  	[hbm4b:s28+s3] =	stream.linear.scatter [tilespmem:s29], [sflag:$0x5], $0x80, $0x38;
	[tilespmem:$0x10600] =	vst v63  }
0x32e: {  	s28 =	sadd.s32 $0x60, s23;
	s29 =	simm.s32 $0xE2F0  }
0x32f: {  	[hbm4b:s28+s3] =	stream.linear.scatter [tilespmem:s29], [sflag:$0x5], $0x80, $0x38;
	[tilespmem:$0x10600] =	vst v63  }
0x330: {  	s23 =	sadd.s32 $0x70, s23;
	s28 =	simm.s32 $0x0;
	s29 =	simm.s32 $0xE4F8  }
0x331: {  	v2 =	vmov s28;
	[hbm4b:s23+s3] =	stream.linear.scatter [tilespmem:s29], [sflag:$0x5], $0x80, $0x38;
	[tilespmem:$0x10600] =	vst v63  }
0x332: {  	s23 =	simm.s32 $0x4410;
	v2 =	vand.u32 $0x1FC, v2  }
0x333: {  	v3 =	vld [tilespmem:s23+$0x0];
	v2 =	vadd.s32 v1, v2;
	_ =	sdelay $0x2  }
0x334: {  	s28 =	simm.s32 $0x1  }
0x335: {  	v4 =	vmov s28  }
0x336: {  	[tilespmem:v2+s26+$0x0] =	vst.idx.msk $0xffff, v3;
	v2 =	vand.u32 $0x1FD, v4  }
0x337: {  	v3 =	vld [tilespmem:s23+$0x20];
	v2 =	vadd.s32 v1, v2;
	_ =	sdelay $0x2  }
0x338: {  	s28 =	simm.s32 $0x2  }
0x339: {  	v4 =	vmov s28  }
0x33a: {  	[tilespmem:v2+s26+$0x0] =	vst.idx.msk $0xffff, v3;
	v2 =	vand.u32 $0x1FE, v4  }
0x33b: {  	v3 =	vld [tilespmem:s23+$0x40];
	v2 =	vadd.s32 v1, v2;
	_ =	sdelay $0x2  }
0x33c: {  	s28 =	simm.s32 $0x3  }
0x33d: {  	v4 =	vmov s28  }
0x33e: {  	[tilespmem:v2+s26+$0x0] =	vst.idx.msk $0xffff, v3;
	v3 =	vand.u32 $0x1FF, v4  }
0x33f: {  	v2 =	vld [tilespmem:s23+$0x60];
	v3 =	vadd.s32 v1, v3;
	_ =	sdelay $0x2  }
0x340: {  	s30 =	simm.s32 $0x4;
	s29 =	simm.s32 $0xB;
	s28 =	simm.s32 $0x7  }
.LBB2_21:
0x341: {  	p0 =	sne.s32 s29, $0x1FF;
	v4 =	vmov s30  }
0x342: {  	s23 =	sadd.s32 $0x80, s23;
	v4 =	vand.u32 $0x1FC, v4;
	[tilespmem:v3+s26+$0x0] =	vst.idx.msk $0xffff, v2  }
0x343: {  	v2 =	vld [tilespmem:s23+$0x0];
	v3 =	vadd.s32 v1, v4;
	_ =	sdelay $0x2  }
0x344: {  	s30 =	sadd.s32 $0xFFFFFFFE, s28  }
0x345: {  	v4 =	vmov s30  }
0x346: {  	[tilespmem:v3+s26+$0x0] =	vst.idx.msk $0xffff, v2;
	v2 =	vand.u32 $0x1FD, v4  }
0x347: {  	v3 =	vld [tilespmem:s23+$0x20];
	v2 =	vadd.s32 v1, v2;
	_ =	sdelay $0x2  }
0x348: {  	s30 =	sadd.s32 $0xFFFFFFFF, s28  }
0x349: {  	v4 =	vmov s30  }
0x34a: {  	[tilespmem:v2+s26+$0x0] =	vst.idx.msk $0xffff, v3;
	v2 =	vand.u32 $0x1FE, v4  }
0x34b: {  	v3 =	vld [tilespmem:s23+$0x40];
	v2 =	vadd.s32 v1, v2;
	_ =	sdelay $0x3  }
0x34c: {  	v4 =	vmov s28;
	s28 =	smov.u32 s29  }
.Ltmp12:
0x34d: {  	[tilespmem:v2+s26+$0x0] =	vst.idx.msk $0xffff, v3;
	v3 =	vand.u32 $0x1FF, v4;
	(pc) =	sbr.rel @p0 .LBB2_21-.Ltmp12, $2  }
0x34e: {  	v2 =	vld [tilespmem:s23+$0x60];
	v3 =	vadd.s32 v1, v3;
	_ =	sdelay $0x2  }
0x34f: {  	s29 =	sadd.s32 $0x4, s29;
	s30 =	sadd.s32 $0xFFFFFFFD, s28  }
0x350: {  	_ =	sdelay $0x2  }
0x351: {  	v4 =	vmov s30  }
0x352: {  	s23 =	sadd.s32 $0x80, s23;
	v4 =	vand.u32 $0x1FC, v4;
	[tilespmem:v3+s26+$0x0] =	vst.idx.msk $0xffff, v2  }
0x353: {  	v2 =	vld [tilespmem:s23+$0x0];
	v3 =	vadd.s32 v1, v4;
	_ =	sdelay $0x2  }
0x354: {  	s29 =	sadd.s32 $0xFFFFFFFE, s28  }
0x355: {  	v61 =	vmov s29  }
0x356: {  	[tilespmem:v3+s26+$0x0] =	vst.idx.msk $0xffff, v2;
	v2 =	vand.u32 $0x1FD, v61  }
0x357: {  	v3 =	vld [tilespmem:s23+$0x20];
	v2 =	vadd.s32 v1, v2;
	_ =	sdelay $0x2  }
0x358: {  	s30 =	sadd.s32 $0xFFFFFFFF, s28  }
0x359: {  	v62 =	vmov s30  }
0x35a: {  	[tilespmem:v2+s26+$0x0] =	vst.idx.msk $0xffff, v3;
	v2 =	vand.u32 $0x1FE, v62  }
0x35b: {  	v3 =	vld [tilespmem:s23+$0x40];
	v2 =	vadd.s32 v1, v2;
	_ =	sdelay $0x3  }
0x35c: {  	v63 =	vmov s28  }
0x35d: {  	[tilespmem:v2+s26+$0x0] =	vst.idx.msk $0xffff, v3;
	v2 =	vand.u32 $0x1FF, v63  }
0x35e: {  	v3 =	vld [tilespmem:s23+$0x60];
	v2 =	vadd.s32 v1, v2;
	_ =	sdelay $0x4  }
0x35f: {  	s29 =	simm.s32 $0xE580;
	s23 =	sadd.s32 s18, s10;
	[tilespmem:v2+s26+$0x0] =	vst.idx.msk $0xffff, v3  }
0x360: {  	[hbm4b:s23+s3] =	stream.linear.scatter [tilespmem:s29], [sflag:$0x5], $0x80, $0x38;
	[tilespmem:$0x10600] =	vst v63  }
0x361: {  	s30 =	simm.s32 $0xE788;
	s28 =	sadd.s32 $0x10, s23  }
0x362: {  	[hbm4b:s28+s3] =	stream.linear.scatter [tilespmem:s30], [sflag:$0x5], $0x80, $0x38;
	[tilespmem:$0x10600] =	vst v63  }
0x363: {  	s28 =	sadd.s32 $0x20, s23;
	s30 =	simm.s32 $0xE990  }
0x364: {  	[hbm4b:s28+s3] =	stream.linear.scatter [tilespmem:s30], [sflag:$0x5], $0x80, $0x38;
	[tilespmem:$0x10600] =	vst v63  }
0x365: {  	s28 =	sadd.s32 $0x30, s23;
	s30 =	simm.s32 $0xEB98  }
0x366: {  	[hbm4b:s28+s3] =	stream.linear.scatter [tilespmem:s30], [sflag:$0x5], $0x80, $0x38;
	[tilespmem:$0x10600] =	vst v63  }
0x367: {  	s28 =	sadd.s32 $0x40, s23;
	s30 =	simm.s32 $0xEDA0  }
0x368: {  	[hbm4b:s28+s3] =	stream.linear.scatter [tilespmem:s30], [sflag:$0x5], $0x80, $0x38;
	[tilespmem:$0x10600] =	vst v63  }
0x369: {  	s28 =	sadd.s32 $0x50, s23;
	s30 =	simm.s32 $0xEFA8  }
0x36a: {  	[hbm4b:s28+s3] =	stream.linear.scatter [tilespmem:s30], [sflag:$0x5], $0x80, $0x38;
	[tilespmem:$0x10600] =	vst v63  }
0x36b: {  	s28 =	sadd.s32 $0x60, s23;
	s30 =	simm.s32 $0xF1B0  }
0x36c: {  	[hbm4b:s28+s3] =	stream.linear.scatter [tilespmem:s30], [sflag:$0x5], $0x80, $0x38;
	[tilespmem:$0x10600] =	vst v63  }
0x36d: {  	s23 =	sadd.s32 $0x70, s23;
	s30 =	simm.s32 $0xF3B8  }
0x36e: {  	[hbm4b:s23+s3] =	stream.linear.scatter [tilespmem:s30], [sflag:$0x5], $0x80, $0x38;
	[tilespmem:$0x10600] =	vst v63  }
0x36f: {  	s29 =	simm.s32 $0xE600;
	s23 =	sadd.s32 s12, s10  }
0x370: {  	[hbm4b:s23+s3] =	stream.linear.scatter [tilespmem:s29], [sflag:$0x5], $0x80, $0x38;
	[tilespmem:$0x10600] =	vst v63  }
0x371: {  	s30 =	simm.s32 $0xE808;
	s28 =	sadd.s32 $0x10, s23  }
0x372: {  	[hbm4b:s28+s3] =	stream.linear.scatter [tilespmem:s30], [sflag:$0x5], $0x80, $0x38;
	[tilespmem:$0x10600] =	vst v63  }
0x373: {  	s28 =	sadd.s32 $0x20, s23;
	s30 =	simm.s32 $0xEA10  }
0x374: {  	[hbm4b:s28+s3] =	stream.linear.scatter [tilespmem:s30], [sflag:$0x5], $0x80, $0x38;
	[tilespmem:$0x10600] =	vst v63  }
0x375: {  	s28 =	sadd.s32 $0x30, s23;
	s30 =	simm.s32 $0xEC18  }
0x376: {  	[hbm4b:s28+s3] =	stream.linear.scatter [tilespmem:s30], [sflag:$0x5], $0x80, $0x38;
	[tilespmem:$0x10600] =	vst v63  }
0x377: {  	s28 =	sadd.s32 $0x40, s23;
	s30 =	simm.s32 $0xEE20  }
0x378: {  	[hbm4b:s28+s3] =	stream.linear.scatter [tilespmem:s30], [sflag:$0x5], $0x80, $0x38;
	[tilespmem:$0x10600] =	vst v63  }
0x379: {  	s28 =	sadd.s32 $0x50, s23;
	s30 =	simm.s32 $0xF028  }
0x37a: {  	[hbm4b:s28+s3] =	stream.linear.scatter [tilespmem:s30], [sflag:$0x5], $0x80, $0x38;
	[tilespmem:$0x10600] =	vst v63  }
0x37b: {  	s28 =	sadd.s32 $0x60, s23;
	s30 =	simm.s32 $0xF230  }
0x37c: {  	[hbm4b:s28+s3] =	stream.linear.scatter [tilespmem:s30], [sflag:$0x5], $0x80, $0x38;
	[tilespmem:$0x10600] =	vst v63  }
0x37d: {  	s23 =	sadd.s32 $0x70, s23;
	s30 =	simm.s32 $0xF438  }
0x37e: {  	[hbm4b:s23+s3] =	stream.linear.scatter [tilespmem:s30], [sflag:$0x5], $0x80, $0x38;
	[tilespmem:$0x10600] =	vst v63  }
0x37f: {  	s29 =	simm.s32 $0xE680;
	s23 =	sadd.s32 s19, s10  }
0x380: {  	[hbm4b:s23+s3] =	stream.linear.scatter [tilespmem:s29], [sflag:$0x5], $0x80, $0x38;
	[tilespmem:$0x10600] =	vst v63  }
0x381: {  	s30 =	simm.s32 $0xE888;
	s28 =	sadd.s32 $0x10, s23  }
0x382: {  	[hbm4b:s28+s3] =	stream.linear.scatter [tilespmem:s30], [sflag:$0x5], $0x80, $0x38;
	[tilespmem:$0x10600] =	vst v63  }
0x383: {  	s28 =	sadd.s32 $0x20, s23;
	s30 =	simm.s32 $0xEA90  }
0x384: {  	[hbm4b:s28+s3] =	stream.linear.scatter [tilespmem:s30], [sflag:$0x5], $0x80, $0x38;
	[tilespmem:$0x10600] =	vst v63  }
0x385: {  	s28 =	sadd.s32 $0x30, s23;
	s30 =	simm.s32 $0xEC98  }
0x386: {  	[hbm4b:s28+s3] =	stream.linear.scatter [tilespmem:s30], [sflag:$0x5], $0x80, $0x38;
	[tilespmem:$0x10600] =	vst v63  }
0x387: {  	s28 =	sadd.s32 $0x40, s23;
	s30 =	simm.s32 $0xEEA0  }
0x388: {  	[hbm4b:s28+s3] =	stream.linear.scatter [tilespmem:s30], [sflag:$0x5], $0x80, $0x38;
	[tilespmem:$0x10600] =	vst v63  }
0x389: {  	s28 =	sadd.s32 $0x50, s23;
	s30 =	simm.s32 $0xF0A8  }
0x38a: {  	[hbm4b:s28+s3] =	stream.linear.scatter [tilespmem:s30], [sflag:$0x5], $0x80, $0x38;
	[tilespmem:$0x10600] =	vst v63  }
0x38b: {  	s28 =	sadd.s32 $0x60, s23;
	s30 =	simm.s32 $0xF2B0  }
0x38c: {  	[hbm4b:s28+s3] =	stream.linear.scatter [tilespmem:s30], [sflag:$0x5], $0x80, $0x38;
	[tilespmem:$0x10600] =	vst v63  }
0x38d: {  	s23 =	sadd.s32 $0x70, s23;
	s30 =	simm.s32 $0xF4B8  }
0x38e: {  	[hbm4b:s23+s3] =	stream.linear.scatter [tilespmem:s30], [sflag:$0x5], $0x80, $0x38;
	[tilespmem:$0x10600] =	vst v63  }
0x38f: {  	s29 =	simm.s32 $0xE700;
	s23 =	sadd.s32 s22, s10  }
0x390: {  	[hbm4b:s23+s3] =	stream.linear.scatter [tilespmem:s29], [sflag:$0x5], $0x80, $0x38;
	[tilespmem:$0x10600] =	vst v63  }
0x391: {  	s30 =	simm.s32 $0xE908;
	s28 =	sadd.s32 $0x10, s23  }
0x392: {  	[hbm4b:s28+s3] =	stream.linear.scatter [tilespmem:s30], [sflag:$0x5], $0x80, $0x38;
	[tilespmem:$0x10600] =	vst v63  }
0x393: {  	s28 =	sadd.s32 $0x20, s23;
	s30 =	simm.s32 $0xEB10  }
0x394: {  	[hbm4b:s28+s3] =	stream.linear.scatter [tilespmem:s30], [sflag:$0x5], $0x80, $0x38;
	[tilespmem:$0x10600] =	vst v63  }
0x395: {  	s28 =	sadd.s32 $0x30, s23;
	s30 =	simm.s32 $0xED18  }
0x396: {  	[hbm4b:s28+s3] =	stream.linear.scatter [tilespmem:s30], [sflag:$0x5], $0x80, $0x38;
	[tilespmem:$0x10600] =	vst v63  }
0x397: {  	s28 =	sadd.s32 $0x40, s23;
	s30 =	simm.s32 $0xEF20  }
0x398: {  	[hbm4b:s28+s3] =	stream.linear.scatter [tilespmem:s30], [sflag:$0x5], $0x80, $0x38;
	[tilespmem:$0x10600] =	vst v63  }
0x399: {  	s28 =	sadd.s32 $0x50, s23;
	s30 =	simm.s32 $0xF128  }
0x39a: {  	[hbm4b:s28+s3] =	stream.linear.scatter [tilespmem:s30], [sflag:$0x5], $0x80, $0x38;
	[tilespmem:$0x10600] =	vst v63  }
0x39b: {  	s28 =	sadd.s32 $0x60, s23;
	s30 =	simm.s32 $0xF330  }
0x39c: {  	[hbm4b:s28+s3] =	stream.linear.scatter [tilespmem:s30], [sflag:$0x5], $0x80, $0x38;
	[tilespmem:$0x10600] =	vst v63  }
0x39d: {  	s23 =	sadd.s32 $0x70, s23;
	s30 =	simm.s32 $0xF538  }
0x39e: {  	[hbm4b:s23+s3] =	stream.linear.scatter [tilespmem:s30], [sflag:$0x5], $0x80, $0x38;
	[tilespmem:$0x10600] =	vst v63  }
0x39f: {  	s18 =	sadd.s32 s18, s11;
	s29 =	simm.s32 $0xF5C0  }
0x3a0: {  	[hbm4b:s18+s3] =	stream.linear.scatter [tilespmem:s29], [sflag:$0x5], $0x80, $0x38;
	[tilespmem:$0x10600] =	vst v63  }
0x3a1: {  	s30 =	sadd.s32 $0x10, s18;
	s29 =	simm.s32 $0xF7C8  }
0x3a2: {  	[hbm4b:s30+s3] =	stream.linear.scatter [tilespmem:s29], [sflag:$0x5], $0x80, $0x38;
	[tilespmem:$0x10600] =	vst v63  }
0x3a3: {  	s30 =	sadd.s32 $0x20, s18;
	s29 =	simm.s32 $0xF9D0  }
0x3a4: {  	[hbm4b:s30+s3] =	stream.linear.scatter [tilespmem:s29], [sflag:$0x5], $0x80, $0x38;
	[tilespmem:$0x10600] =	vst v63  }
0x3a5: {  	s30 =	sadd.s32 $0x30, s18;
	s29 =	simm.s32 $0xFBD8  }
0x3a6: {  	[hbm4b:s30+s3] =	stream.linear.scatter [tilespmem:s29], [sflag:$0x5], $0x80, $0x38;
	[tilespmem:$0x10600] =	vst v63  }
0x3a7: {  	s30 =	sadd.s32 $0x40, s18;
	s29 =	simm.s32 $0xFDE0  }
0x3a8: {  	[hbm4b:s30+s3] =	stream.linear.scatter [tilespmem:s29], [sflag:$0x5], $0x80, $0x38;
	[tilespmem:$0x10600] =	vst v63  }
0x3a9: {  	s30 =	sadd.s32 $0x50, s18;
	s29 =	simm.s32 $0xFFE8  }
0x3aa: {  	[hbm4b:s30+s3] =	stream.linear.scatter [tilespmem:s29], [sflag:$0x5], $0x80, $0x38;
	[tilespmem:$0x10600] =	vst v63  }
0x3ab: {  	s30 =	sadd.s32 $0x60, s18;
	s29 =	simm.s32 $0x101F0  }
0x3ac: {  	[hbm4b:s30+s3] =	stream.linear.scatter [tilespmem:s29], [sflag:$0x5], $0x80, $0x38;
	[tilespmem:$0x10600] =	vst v63  }
0x3ad: {  	s18 =	sadd.s32 $0x70, s18;
	s30 =	simm.s32 $0x103F8  }
0x3ae: {  	[hbm4b:s18+s3] =	stream.linear.scatter [tilespmem:s30], [sflag:$0x5], $0x80, $0x38;
	[tilespmem:$0x10600] =	vst v63  }
0x3af: {  	s12 =	sadd.s32 s12, s11;
	s28 =	simm.s32 $0xF640  }
0x3b0: {  	[hbm4b:s12+s3] =	stream.linear.scatter [tilespmem:s28], [sflag:$0x5], $0x80, $0x38;
	[tilespmem:$0x10600] =	vst v63  }
0x3b1: {  	s29 =	sadd.s32 $0x10, s12;
	s30 =	simm.s32 $0xF848  }
0x3b2: {  	[hbm4b:s29+s3] =	stream.linear.scatter [tilespmem:s30], [sflag:$0x5], $0x80, $0x38;
	[tilespmem:$0x10600] =	vst v63  }
0x3b3: {  	s23 =	sadd.s32 $0x20, s12;
	s28 =	simm.s32 $0xFA50  }
0x3b4: {  	[hbm4b:s23+s3] =	stream.linear.scatter [tilespmem:s28], [sflag:$0x5], $0x80, $0x38;
	[tilespmem:$0x10600] =	vst v63  }
0x3b5: {  	s29 =	sadd.s32 $0x30, s12;
	s30 =	simm.s32 $0xFC58  }
0x3b6: {  	[hbm4b:s29+s3] =	stream.linear.scatter [tilespmem:s30], [sflag:$0x5], $0x80, $0x38;
	[tilespmem:$0x10600] =	vst v63  }
0x3b7: {  	s23 =	sadd.s32 $0x40, s12;
	s28 =	simm.s32 $0xFE60  }
0x3b8: {  	[hbm4b:s23+s3] =	stream.linear.scatter [tilespmem:s28], [sflag:$0x5], $0x80, $0x38;
	[tilespmem:$0x10600] =	vst v63  }
0x3b9: {  	s29 =	sadd.s32 $0x50, s12;
	s30 =	simm.s32 $0x10068  }
0x3ba: {  	[hbm4b:s29+s3] =	stream.linear.scatter [tilespmem:s30], [sflag:$0x5], $0x80, $0x38;
	[tilespmem:$0x10600] =	vst v63  }
0x3bb: {  	s28 =	sadd.s32 $0x60, s12;
	s29 =	simm.s32 $0x10270  }
0x3bc: {  	[hbm4b:s28+s3] =	stream.linear.scatter [tilespmem:s29], [sflag:$0x5], $0x80, $0x38;
	[tilespmem:$0x10600] =	vst v63  }
0x3bd: {  	s12 =	sadd.s32 $0x70, s12;
	s30 =	simm.s32 $0x10478  }
0x3be: {  	[hbm4b:s12+s3] =	stream.linear.scatter [tilespmem:s30], [sflag:$0x5], $0x80, $0x38;
	[tilespmem:$0x10600] =	vst v63  }
0x3bf: {  	s12 =	sadd.s32 s19, s11;
	s19 =	simm.s32 $0xF6C0  }
0x3c0: {  	[hbm4b:s12+s3] =	stream.linear.scatter [tilespmem:s19], [sflag:$0x5], $0x80, $0x38;
	[tilespmem:$0x10600] =	vst v63  }
0x3c1: {  	s28 =	simm.s32 $0xF8C8;
	s23 =	sadd.s32 $0x10, s12  }
0x3c2: {  	[hbm4b:s23+s3] =	stream.linear.scatter [tilespmem:s28], [sflag:$0x5], $0x80, $0x38;
	[tilespmem:$0x10600] =	vst v63  }
0x3c3: {  	s30 =	simm.s32 $0xFAD0;
	s29 =	sadd.s32 $0x20, s12  }
0x3c4: {  	[hbm4b:s29+s3] =	stream.linear.scatter [tilespmem:s30], [sflag:$0x5], $0x80, $0x38;
	[tilespmem:$0x10600] =	vst v63  }
0x3c5: {  	s23 =	sadd.s32 $0x30, s12;
	s28 =	simm.s32 $0xFCD8  }
0x3c6: {  	[hbm4b:s23+s3] =	stream.linear.scatter [tilespmem:s28], [sflag:$0x5], $0x80, $0x38;
	[tilespmem:$0x10600] =	vst v63  }
0x3c7: {  	s29 =	sadd.s32 $0x40, s12;
	s30 =	simm.s32 $0xFEE0  }
0x3c8: {  	[hbm4b:s29+s3] =	stream.linear.scatter [tilespmem:s30], [sflag:$0x5], $0x80, $0x38;
	[tilespmem:$0x10600] =	vst v63  }
0x3c9: {  	s23 =	sadd.s32 $0x50, s12;
	s28 =	simm.s32 $0x100E8  }
0x3ca: {  	[hbm4b:s23+s3] =	stream.linear.scatter [tilespmem:s28], [sflag:$0x5], $0x80, $0x38;
	[tilespmem:$0x10600] =	vst v63  }
0x3cb: {  	s29 =	sadd.s32 $0x60, s12;
	s30 =	simm.s32 $0x102F0  }
0x3cc: {  	[hbm4b:s29+s3] =	stream.linear.scatter [tilespmem:s30], [sflag:$0x5], $0x80, $0x38;
	[tilespmem:$0x10600] =	vst v63  }
0x3cd: {  	s19 =	simm.s32 $0x104F8;
	s12 =	sadd.s32 $0x70, s12  }
0x3ce: {  	[hbm4b:s12+s3] =	stream.linear.scatter [tilespmem:s19], [sflag:$0x5], $0x80, $0x38;
	[tilespmem:$0x10600] =	vst v63  }
0x3cf: {  	s12 =	sadd.s32 s22, s11;
	s22 =	simm.s32 $0xF740  }
0x3d0: {  	[hbm4b:s12+s3] =	stream.linear.scatter [tilespmem:s22], [sflag:$0x5], $0x80, $0x38;
	[tilespmem:$0x10600] =	vst v63  }
0x3d1: {  	s28 =	simm.s32 $0xF948;
	s23 =	sadd.s32 $0x10, s12  }
0x3d2: {  	[hbm4b:s23+s3] =	stream.linear.scatter [tilespmem:s28], [sflag:$0x5], $0x80, $0x38;
	[tilespmem:$0x10600] =	vst v63  }
0x3d3: {  	s30 =	simm.s32 $0xFB50;
	s29 =	sadd.s32 $0x20, s12  }
0x3d4: {  	[hbm4b:s29+s3] =	stream.linear.scatter [tilespmem:s30], [sflag:$0x5], $0x80, $0x38;
	[tilespmem:$0x10600] =	vst v63  }
0x3d5: {  	s22 =	sadd.s32 $0x30, s12;
	s23 =	simm.s32 $0xFD58  }
0x3d6: {  	[hbm4b:s22+s3] =	stream.linear.scatter [tilespmem:s23], [sflag:$0x5], $0x80, $0x38;
	[tilespmem:$0x10600] =	vst v63  }
0x3d7: {  	s28 =	sadd.s32 $0x40, s12  }
0x3d8: {  	[hbm4b:s28+s3] =	stream.linear.scatter [tilespmem:s31], [sflag:$0x5], $0x80, $0x38;
	[tilespmem:$0x10600] =	vst v63  }
0x3d9: {  	p0 =	seq.s32 s15, $0x18;
	s29 =	sadd.s32 $0x50, s12  }
0x3da: {  	[hbm4b:s29+s3] =	stream.linear.scatter [tilespmem:s13], [sflag:$0x5], $0x80, $0x38;
	[tilespmem:$0x10600] =	vst v63  }
.Ltmp13:
0x3db: {  	_ = 	snop;
	(pc) =	sbr.rel @p0 .LBB2_24-.Ltmp13, $4  }
0x3dc: {  	s30 =	sadd.s32 $0x60, s12  }
0x3dd: {  	[hbm4b:s30+s3] =	stream.linear.scatter [tilespmem:s1], [sflag:$0x5], $0x80, $0x38;
	[tilespmem:$0x10600] =	vst v63  }
0x3de: {  	s12 =	sadd.s32 $0x70, s12  }
0x3df: {  	[hbm4b:s12+s3] =	stream.linear.scatter [tilespmem:s0], [sflag:$0x5], $0x80, $0x38;
	[tilespmem:$0x10600] =	vst v63  }
.Ltmp14:
0x3e0: {  	s7 =	sadd.s32 s7, s14;
	(pc) =	sbr.rel .LBB2_4-.Ltmp14, $4  }
0x3e1: {  	s7 =	sshll.u32 s7, $0x6  }
0x3e2: {  	s7 =	sand.u32 $0xFFFFFC0, s7  }
0x3e3: {  	s15 =	sadd.s32 $0x1, s15;
	s7 =	sadd.s32 s4, s7  }
0x3e4: {  	[tilespmem:s17], [sflag:$0x1] =	stream.linear.gather [hbm4b:s7+s3], $0x200, $0x38;
	[tilespmem:$0x10600] =	vst v63  }
.LBB2_25:
0x3e5: {  	_ =	sfence.sel $0x180000  }
0x3e6: {  	[bflag:$0x0] =	sbarrier.arrive $0xFFFF  }
0x3e7: {  	_ =	strace $0x90000047  }
0x3e8: {  	s0 =	stileid.u32;
	[bflag:$0x2] =	sbarrier.arrive $0xFFFF  }
0x3e9: {  	p0 =	sne.s32 s0, $0x0;
	s0 =	rddreg [dreg:$0x2]  }
0x3ea: {  	s0 =	sadd.s32 @!p0 $0x100000, s0  }
0x3eb: {  	[sflag:s0] =	ssyncadd.tile.s32 @!p0 $0x1;
	_ =	shalt  }
.Lfunc_end2:
_tile_overlayer_lowered:
.L_overlay_start_2:
0x3ec: {  	(tag) =	ssettag $0x2  }
0x3ed: {  	s0 =	rddreg [dreg:$0x0];
	s2 =	stileid.u32  }
0x3ee: {  	s1 =	rddreg [dreg:$0x1];
	p0 =	sne.s32 s2, $0x0  }
0x3ef: {  	s3 =	rddreg [dreg:$0x2];
	[bflag:$0x3] =	sbarrier.arrive $0xFFFF;
	s2 =	simm.s32 @!p0 $0x1C06  }
0x3f0: {  	[timem:s3], [sflag:s2] =	dma.local @!p0 [hbm:s0], s1  }
0x3f1: {  	s0 =	simm.s32 @!p0 $0x6  }
0x3f2: {  	_ =	swait.ge @!p0 [sflag:s0], s1  }
0x3f3: {  	s1 =	ssub.s32 @!p0 $0x0, s1;
	[sflag:s0] =	ssyncset.done @!p0 $0x0  }
0x3f4: {  	[sflag:s0] =	ssyncadd.s32 @!p0 s1  }
0x3f5: {  	[bflag:$0x3] =	sbarrier.arrive $0xFFFF  }
0x3f6: {  	_ =	shalt  }

</sc_bundles>
